<compile_context>
chip_gen: v7x
topology: tpu7x:2x2x1
jax: 0.10.2.dev20260603
libtpu: 0.0.44.dev20260713+nightly
codegen_flags: <defaults>
</compile_context>

<pallas_src>
import functools

import jax
import jax.numpy as jnp
from jax import lax
from jax.experimental import pallas as pl
from jax.experimental.pallas import tpu as pltpu
from jax.experimental.pallas import tpu_sc as plsc

B, S = 1024, 200
N = B * S
D = 64
HD = 128

NC, NS = 2, 16
NW = NC * NS
NSLICE = 2
NH = N // NSLICE
PER_W = NH // NW
CHUNK = 400
STEPS = PER_W // CHUNK
LANES = 16


def _proj_body(t_ref, w_ref, o_ref):
    o_ref[...] = jnp.dot(t_ref[...], w_ref[...],
                         preferred_element_type=jnp.float32)


def _proj_body_bf16(t_ref, w_ref, o_ref):
    o_ref[...] = jnp.dot(t_ref[...], w_ref[...].astype(jnp.bfloat16),
                         preferred_element_type=jnp.float32)


def _project(table, wblk, rows_blk=2048, bf16=False):
    v = table.shape[0]
    grid = (v + rows_blk - 1) // rows_blk
    return pl.pallas_call(
        _proj_body_bf16 if bf16 else _proj_body,
        grid=(grid,),
        in_specs=[
            pl.BlockSpec((rows_blk, D), lambda i: (i, 0)),
            pl.BlockSpec((D, HD), lambda i: (0, 0)),
        ],
        out_specs=pl.BlockSpec((rows_blk, HD), lambda i: (i, 0)),
        out_shape=jax.ShapeDtypeStruct((v, HD), jnp.float32),
    )(table, wblk)


def _cross_body(t_ref, wt_ref, i_ref, wi_ref, b_ref, o_ref):
    pt = jnp.dot(t_ref[...], wt_ref[...], preferred_element_type=jnp.float32)
    pi = jnp.dot(i_ref[...], wi_ref[...], preferred_element_type=jnp.float32)
    o_ref[...] = pt[:, None, :] + pi[None, :, :] + b_ref[...][None, :, :]


def _cross_table(emb_test, w_test, emb_inter, w_inter, b_proj):
    vt = emb_test.shape[0]
    out = pl.pallas_call(
        _cross_body,
        in_specs=[
            pl.BlockSpec((vt, D), lambda: (0, 0)),
            pl.BlockSpec((D, HD), lambda: (0, 0)),
            pl.BlockSpec((3, D), lambda: (0, 0)),
            pl.BlockSpec((D, HD), lambda: (0, 0)),
            pl.BlockSpec((1, HD), lambda: (0, 0)),
        ],
        out_specs=pl.BlockSpec((vt, 3, HD), lambda: (0, 0, 0)),
        out_shape=jax.ShapeDtypeStruct((vt, 3, HD), jnp.float32),
    )(emb_test, w_test, emb_inter, w_inter, b_proj.reshape(1, HD))
    return out.reshape(vt * 3, HD)


def _sc_gather_sum(p_ti, p_quest, p_tag, it, ii, iq, ig, half):
    mesh = plsc.VectorSubcoreMesh(core_axis_name="c", subcore_axis_name="s")
    idx_t = pltpu.VMEM((CHUNK,), jnp.int32)
    rows_t = pltpu.VMEM((CHUNK, HD), jnp.float32)
    sem = pltpu.SemaphoreType.DMA
    off = half * NH

    @functools.partial(
        pl.kernel,
        mesh=mesh,
        out_type=jax.ShapeDtypeStruct((NH, HD), jnp.float32),
        scratch_types=[idx_t] * 8 + [rows_t] * 2 + [sem] * 8,
    )
    def k(ti_h, quest_h, tag_h, it_h, ii_h, iq_h, ig_h, o_h,
          ivt0, ivt1, ivi0, ivi1, ivq0, ivq1, ivg0, ivg1, r0, r1,
          si0, si1, sg0, sg1, sa0, sa1, so0, so1):
        ivt, ivi, ivq, ivg = (ivt0, ivt1), (ivi0, ivi1), (ivq0, ivq1), (ivg0, ivg1)
        r = (r0, r1)
        s_idx, s_g, s_add, s_out = (si0, si1), (sg0, sg1), (sa0, sa1), (so0, so1)

        wid = lax.axis_index("s") * NC + lax.axis_index("c")
        w_base = wid * PER_W

        def base(i):
            return pl.multiple_of(w_base + i * CHUNK, CHUNK)

        def issue_idx(i):
            j = i % 2
            sl = pl.ds(off + base(i), CHUNK)
            return [
                pltpu.async_copy(it_h.at[sl], ivt[j], s_idx[j]),
                pltpu.async_copy(ii_h.at[sl], ivi[j], s_idx[j]),
                pltpu.async_copy(iq_h.at[sl], ivq[j], s_idx[j]),
                pltpu.async_copy(ig_h.at[sl], ivg[j], s_idx[j]),
            ]

        idx_d = {0: issue_idx(0)}
        add_d = {}
        out_d = {}
        for i in range(STEPS):
            j = i % 2
            for d in idx_d.pop(i):
                d.wait()

            def fuse(kk, carry, _j=j):
                sl = pl.ds(kk * LANES, LANES)
                ivt[_j][sl] = ivt[_j][sl] * 3 + ivi[_j][sl]
                return carry

            lax.fori_loop(0, CHUNK // LANES, fuse, 0)
            if i >= 2:
                out_d.pop(i - 2).wait()
            g = pltpu.async_copy(ti_h.at[ivt[j]], r[j], s_g[j])
            if i >= 1:
                for d in add_d.pop(i - 1):
                    d.wait()
                out_d[i - 1] = pltpu.async_copy(
                    r[1 - j], o_h.at[pl.ds(base(i - 1), CHUNK)], s_out[1 - j])
            if i + 1 < STEPS:
                idx_d[i + 1] = issue_idx(i + 1)
            g.wait()
            add_d[i] = [
                pltpu.async_copy(quest_h.at[ivq[j]], r[j], s_add[j], add=True),
                pltpu.async_copy(tag_h.at[ivg[j]], r[j], s_add[j], add=True),
            ]
        last = STEPS - 1
        jl = last % 2
        for d in add_d.pop(last):
            d.wait()
        out_d[last] = pltpu.async_copy(
            r[jl], o_h.at[pl.ds(base(last), CHUNK)], s_out[jl])
        out_d.pop(last - 1).wait()
        out_d.pop(last).wait()

    return k(p_ti, p_quest, p_tag, it, ii, iq, ig)


ROWS = 4096
GRID_H = NH // ROWS


def _ln_math(x, g, b):
    mu = jnp.mean(x, axis=-1, keepdims=True)
    xc = x - mu
    var = jnp.mean(xc * xc, axis=-1, keepdims=True)
    return xc * lax.rsqrt(var + 1e-6) * g + b


def _ln_body0(x_ref, g_ref, beta_ref, o_ref):
    o_ref[...] = _ln_math(x_ref[...], g_ref[...], beta_ref[...])


def _ln_body1(x_ref, g_ref, beta_ref, full_ref, o_ref):
    del full_ref
    o_ref[...] = _ln_math(x_ref[...], g_ref[...], beta_ref[...])


def _tc_epilogue(xs, ln_gamma, ln_beta):
    g2 = ln_gamma.reshape(1, HD)
    b2 = ln_beta.reshape(1, HD)
    y = pl.pallas_call(
        _ln_body0,
        grid=(GRID_H,),
        in_specs=[
            pl.BlockSpec((ROWS, HD), lambda i: (i, 0)),
            pl.BlockSpec((1, HD), lambda i: (0, 0)),
            pl.BlockSpec((1, HD), lambda i: (0, 0)),
        ],
        out_specs=pl.BlockSpec((ROWS, HD), lambda i: (i, 0)),
        out_shape=jax.ShapeDtypeStruct((N, HD), jnp.float32),
    )(xs[0], g2, b2)
    for h in range(1, NSLICE):
        y = pl.pallas_call(
            _ln_body1,
            grid=(GRID_H,),
            in_specs=[
                pl.BlockSpec((ROWS, HD), lambda i: (i, 0)),
                pl.BlockSpec((1, HD), lambda i: (0, 0)),
                pl.BlockSpec((1, HD), lambda i: (0, 0)),
                pl.BlockSpec(memory_space=pl.ANY),
            ],
            out_specs=pl.BlockSpec(
                (ROWS, HD), lambda i, _h=h: (i + _h * GRID_H, 0)),
            out_shape=jax.ShapeDtypeStruct((N, HD), jnp.float32),
            input_output_aliases={3: 0},
        )(xs[h], g2, b2, y)
    return y


def kernel(testId, assessmentItemID, KnowledgeTag, answerCode, mask,
           interaction, emb_interaction, emb_test, emb_question, emb_tag,
           W_proj, b_proj, ln_gamma, ln_beta):
    it = testId.reshape(N).astype(jnp.int32)
    ii = interaction.reshape(N).astype(jnp.int32)
    iq = assessmentItemID.reshape(N).astype(jnp.int32)
    ig = KnowledgeTag.reshape(N).astype(jnp.int32)
    p_ti = _cross_table(emb_test, W_proj[D:2 * D], emb_interaction,
                        W_proj[0:D], b_proj)
    p_quest = _project(emb_question.astype(jnp.bfloat16),
                       W_proj[2 * D:3 * D], bf16=True)
    p_tag = _project(emb_tag, W_proj[3 * D:4 * D])
    xs = [_sc_gather_sum(p_ti, p_quest, p_tag, it, ii, iq, ig, h)
          for h in range(NSLICE)]
    x = _tc_epilogue(xs, ln_gamma, ln_beta)
    return x.reshape(B, S, HD)

# --- scband reference (transcript-rebuilt; emitter-appended) ---
"""Pipeline reference for scband-model-base-43533788512678 (READ-ONLY COPY).

The authoritative reference and input builder live on the scoring server;
editing this copy changes nothing except your own understanding.
"""

import jax, jax.numpy as jnp
import numpy as np

B, S = 1024, 200
HD = 128
INTD = HD // 2  # resize_factor = 2
N_TESTS, N_QUESTIONS, N_TAGS = 1538, 100000, 913


def setup_inputs(seed: int = 0) -> dict:
    key = jax.random.key(seed)
    ks = jax.random.split(key, 12)
    testId = jax.random.randint(ks[0], (B, S), 0, N_TESTS + 1)
    assessmentItemID = jax.random.randint(ks[1], (B, S), 0, N_QUESTIONS + 1)
    KnowledgeTag = jax.random.randint(ks[2], (B, S), 0, N_TAGS + 1)
    answerCode = jax.random.randint(ks[3], (B, S), 0, 2)
    mask = jax.random.randint(ks[4], (B, S), 0, 2)
    interaction = jax.random.randint(ks[5], (B, S), 0, 3)
    emb_interaction = jax.random.normal(ks[6], (3, INTD), dtype=jnp.float32)
    emb_test = jax.random.normal(ks[7], (N_TESTS + 1, INTD), dtype=jnp.float32)
    emb_question = jax.random.normal(ks[8], (N_QUESTIONS + 1, INTD), dtype=jnp.float32)
    emb_tag = jax.random.normal(ks[9], (N_TAGS + 1, INTD), dtype=jnp.float32)
    W_proj = jax.random.normal(ks[10], (4 * INTD, HD), dtype=jnp.float32) * (1.0 / np.sqrt(4 * INTD))
    b_proj = jnp.zeros((HD,), dtype=jnp.float32)
    ln_gamma = jnp.ones((HD,), dtype=jnp.float32)
    ln_beta = jnp.zeros((HD,), dtype=jnp.float32)
    return {
        'testId': testId,
        'assessmentItemID': assessmentItemID,
        'KnowledgeTag': KnowledgeTag,
        'answerCode': answerCode,
        'mask': mask,
        'interaction': interaction,
        'emb_interaction': emb_interaction,
        'emb_test': emb_test,
        'emb_question': emb_question,
        'emb_tag': emb_tag,
        'W_proj': W_proj,
        'b_proj': b_proj,
        'ln_gamma': ln_gamma,
        'ln_beta': ln_beta,
    }


def _layer_norm(x, gamma, beta, eps=1e-6):
    mu = jnp.mean(x, axis=-1, keepdims=True)
    var = jnp.mean(jnp.square(x - mu), axis=-1, keepdims=True)
    return (x - mu) / jnp.sqrt(var + eps) * gamma + beta


def reference(testId, assessmentItemID, KnowledgeTag, answerCode, mask, interaction,
              emb_interaction, emb_test, emb_question, emb_tag,
              W_proj, b_proj, ln_gamma, ln_beta):
    # embedding gathers (SparseCore-mappable)
    e_inter = jnp.take(emb_interaction, interaction, axis=0)
    e_test = jnp.take(emb_test, testId, axis=0)
    e_quest = jnp.take(emb_question, assessmentItemID, axis=0)
    e_tag = jnp.take(emb_tag, KnowledgeTag, axis=0)
    embed = jnp.concatenate([e_inter, e_test, e_quest, e_tag], axis=2)
    X = embed @ W_proj + b_proj
    X = _layer_norm(X, ln_gamma, ln_beta)
    return X

if __name__ == "__main__":
    import jax
    _d = setup_inputs()
    print(jax.jit(kernel)(*tuple(_d.values())))

</pallas_src>

<mosaic_0001>
#map = affine_map<(d0, d1) -> (0, 0)>
#map1 = affine_map<(d0, d1) -> (0)>
module attributes {stable_mosaic.version = 14 : i64} {
  func.func @k(%arg0: i32, %arg1: i32, %arg2: memref<4617x128xf32, #tpu.memory_space<hbm>>, %arg3: memref<100001x128xf32, #tpu.memory_space<hbm>>, %arg4: memref<914x128xf32, #tpu.memory_space<hbm>>, %arg5: memref<204800xi32, #tpu.memory_space<hbm>>, %arg6: memref<204800xi32, #tpu.memory_space<hbm>>, %arg7: memref<204800xi32, #tpu.memory_space<hbm>>, %arg8: memref<204800xi32, #tpu.memory_space<hbm>>, %arg9: memref<102400x128xf32, #tpu.memory_space<hbm>>, %arg10: memref<400xi32, #tpu.memory_space<vmem>>, %arg11: memref<400xi32, #tpu.memory_space<vmem>>, %arg12: memref<400xi32, #tpu.memory_space<vmem>>, %arg13: memref<400xi32, #tpu.memory_space<vmem>>, %arg14: memref<400xi32, #tpu.memory_space<vmem>>, %arg15: memref<400xi32, #tpu.memory_space<vmem>>, %arg16: memref<400xi32, #tpu.memory_space<vmem>>, %arg17: memref<400xi32, #tpu.memory_space<vmem>>, %arg18: memref<400x128xf32, #tpu.memory_space<vmem>>, %arg19: memref<400x128xf32, #tpu.memory_space<vmem>>, %arg20: memref<!tpu.dma_semaphore, #tpu.memory_space<semaphore_mem>>, %arg21: memref<!tpu.dma_semaphore, #tpu.memory_space<semaphore_mem>>, %arg22: memref<!tpu.dma_semaphore, #tpu.memory_space<semaphore_mem>>, %arg23: memref<!tpu.dma_semaphore, #tpu.memory_space<semaphore_mem>>, %arg24: memref<!tpu.dma_semaphore, #tpu.memory_space<semaphore_mem>>, %arg25: memref<!tpu.dma_semaphore, #tpu.memory_space<semaphore_mem>>, %arg26: memref<!tpu.dma_semaphore, #tpu.memory_space<semaphore_mem>>, %arg27: memref<!tpu.dma_semaphore, #tpu.memory_space<semaphore_mem>>) attributes {dimension_semantics = [#tpu.dimension_semantics<core_parallel>, #tpu.dimension_semantics<subcore_parallel>], iteration_bounds = array<i64: 2, 16>, scalar_prefetch = 0 : i64, scratch_operands = 18 : i64, tpu.core_type = #tpu.core_type<sc_vector_subcore>, window_params = [{transform_indices = #map}, {transform_indices = #map}, {transform_indices = #map}, {transform_indices = #map1}, {transform_indices = #map1}, {transform_indices = #map1}, {transform_indices = #map1}, {transform_indices = #map}]} {
    %mul3A = arith.constant 2 : i32
    %mul3A_0 = arith.muli %arg1, %mul3A : i32
    %add3A = arith.addi %mul3A_0, %arg0 : i32
    %mul3A_1 = arith.constant 3200 : i32
    %mul3A_2 = arith.muli %add3A, %mul3A_1 : i32
    %add3A_3 = arith.constant 0 : i32
    %add3A_4 = arith.addi %mul3A_2, %add3A_3 : i32
    %multiple_of3A = tpu.assume_multiple %add3A_4, 400 : i32
    %add3A_5 = arith.constant 0 : i32
    %add3A_6 = arith.addi %add3A_5, %multiple_of3A : i32
    %dma_start3A = tpu.memref_slice %arg5[%add3A_6] : memref<204800xi32, #tpu.memory_space<hbm>> -> memref<400xi32, #tpu.memory_space<hbm>>
    %dma_start3A_7 = tpu.memref_slice %arg5[%add3A_6] : memref<204800xi32, #tpu.memory_space<hbm>> -> memref<400xi32, #tpu.memory_space<hbm>>
    tpu.enqueue_dma source(%dma_start3A_7 : memref<400xi32, #tpu.memory_space<hbm>>) target(%arg10 : memref<400xi32, #tpu.memory_space<vmem>>) target_semaphore(%arg20 : memref<!tpu.dma_semaphore, #tpu.memory_space<semaphore_mem>>)
    %dma_start3A_8 = tpu.memref_slice %arg6[%add3A_6] : memref<204800xi32, #tpu.memory_space<hbm>> -> memref<400xi32, #tpu.memory_space<hbm>>
    %dma_start3A_9 = tpu.memref_slice %arg6[%add3A_6] : memref<204800xi32, #tpu.memory_space<hbm>> -> memref<400xi32, #tpu.memory_space<hbm>>
    tpu.enqueue_dma source(%dma_start3A_9 : memref<400xi32, #tpu.memory_space<hbm>>) target(%arg12 : memref<400xi32, #tpu.memory_space<vmem>>) target_semaphore(%arg20 : memref<!tpu.dma_semaphore, #tpu.memory_space<semaphore_mem>>)
    %dma_start3A_10 = tpu.memref_slice %arg7[%add3A_6] : memref<204800xi32, #tpu.memory_space<hbm>> -> memref<400xi32, #tpu.memory_space<hbm>>
    %dma_start3A_11 = tpu.memref_slice %arg7[%add3A_6] : memref<204800xi32, #tpu.memory_space<hbm>> -> memref<400xi32, #tpu.memory_space<hbm>>
    tpu.enqueue_dma source(%dma_start3A_11 : memref<400xi32, #tpu.memory_space<hbm>>) target(%arg14 : memref<400xi32, #tpu.memory_space<vmem>>) target_semaphore(%arg20 : memref<!tpu.dma_semaphore, #tpu.memory_space<semaphore_mem>>)
    %dma_start3A_12 = tpu.memref_slice %arg8[%add3A_6] : memref<204800xi32, #tpu.memory_space<hbm>> -> memref<400xi32, #tpu.memory_space<hbm>>
    %dma_start3A_13 = tpu.memref_slice %arg8[%add3A_6] : memref<204800xi32, #tpu.memory_space<hbm>> -> memref<400xi32, #tpu.memory_space<hbm>>
    tpu.enqueue_dma source(%dma_start3A_13 : memref<400xi32, #tpu.memory_space<hbm>>) target(%arg16 : memref<400xi32, #tpu.memory_space<vmem>>) target_semaphore(%arg20 : memref<!tpu.dma_semaphore, #tpu.memory_space<semaphore_mem>>)
    %dma_wait3A = tpu.memref_slice %arg5[%add3A_6] : memref<204800xi32, #tpu.memory_space<hbm>> -> memref<400xi32, #tpu.memory_space<hbm>>
    %dma_wait3A_14 = tpu.memref_slice %arg5[%add3A_6] : memref<204800xi32, #tpu.memory_space<hbm>> -> memref<400xi32, #tpu.memory_space<hbm>>
    tpu.wait_dma2 semaphore(%arg20 : memref<!tpu.dma_semaphore, #tpu.memory_space<semaphore_mem>>) src(%dma_wait3A_14 : memref<400xi32, #tpu.memory_space<hbm>>) dst(%arg10 : memref<400xi32, #tpu.memory_space<vmem>>)
    %dma_wait3A_15 = tpu.memref_slice %arg6[%add3A_6] : memref<204800xi32, #tpu.memory_space<hbm>> -> memref<400xi32, #tpu.memory_space<hbm>>
    %dma_wait3A_16 = tpu.memref_slice %arg6[%add3A_6] : memref<204800xi32, #tpu.memory_space<hbm>> -> memref<400xi32, #tpu.memory_space<hbm>>
    tpu.wait_dma2 semaphore(%arg20 : memref<!tpu.dma_semaphore, #tpu.memory_space<semaphore_mem>>) src(%dma_wait3A_16 : memref<400xi32, #tpu.memory_space<hbm>>) dst(%arg12 : memref<400xi32, #tpu.memory_space<vmem>>)
    %dma_wait3A_17 = tpu.memref_slice %arg7[%add3A_6] : memref<204800xi32, #tpu.memory_space<hbm>> -> memref<400xi32, #tpu.memory_space<hbm>>
    %dma_wait3A_18 = tpu.memref_slice %arg7[%add3A_6] : memref<204800xi32, #tpu.memory_space<hbm>> -> memref<400xi32, #tpu.memory_space<hbm>>
    tpu.wait_dma2 semaphore(%arg20 : memref<!tpu.dma_semaphore, #tpu.memory_space<semaphore_mem>>) src(%dma_wait3A_18 : memref<400xi32, #tpu.memory_space<hbm>>) dst(%arg14 : memref<400xi32, #tpu.memory_space<vmem>>)
    %dma_wait3A_19 = tpu.memref_slice %arg8[%add3A_6] : memref<204800xi32, #tpu.memory_space<hbm>> -> memref<400xi32, #tpu.memory_space<hbm>>
    %dma_wait3A_20 = tpu.memref_slice %arg8[%add3A_6] : memref<204800xi32, #tpu.memory_space<hbm>> -> memref<400xi32, #tpu.memory_space<hbm>>
    tpu.wait_dma2 semaphore(%arg20 : memref<!tpu.dma_semaphore, #tpu.memory_space<semaphore_mem>>) src(%dma_wait3A_20 : memref<400xi32, #tpu.memory_space<hbm>>) dst(%arg16 : memref<400xi32, #tpu.memory_space<vmem>>)
    %scan3A = arith.constant 0 : i32
    %scan3A_21 = arith.constant 0 : i32
    %scan3A_22 = arith.constant 25 : i32
    %scan3A_23 = arith.addi %scan3A_21, %scan3A_22 : i32
    %scan3A_24 = arith.constant 1 : i32
    scf.for %scan3A_447 = %scan3A_21 to %scan3A_23 step %scan3A_24  : i32 {
      %mul3A_448 = arith.constant 16 : i32
      %mul3A_449 = arith.muli %scan3A_447, %mul3A_448 : i32
      %get3A = arith.index_cast %mul3A_449 : i32 to index
      %get3A_450 = tpu.vector_load %arg10[%get3A] {strides = array<i32>} : memref<400xi32, #tpu.memory_space<vmem>>, vector<16xi32>,
      %get3A_451 = vector.shape_cast %get3A_450 : vector<16xi32> to vector<16xi32>
      %mul3A_452 = arith.constant 3 : i32
      %mul3A_453 = vector.broadcast %mul3A_452 : i32 to vector<16xi32>
      %mul3A_454 = arith.muli %get3A_451, %mul3A_453 : vector<16xi32>
      %get3A_455 = arith.index_cast %mul3A_449 : i32 to index
      %get3A_456 = tpu.vector_load %arg12[%get3A_455] {strides = array<i32>} : memref<400xi32, #tpu.memory_space<vmem>>, vector<16xi32>,
      %get3A_457 = vector.shape_cast %get3A_456 : vector<16xi32> to vector<16xi32>
      %add3A_458 = arith.addi %mul3A_454, %get3A_457 : vector<16xi32>
      %swap3A = arith.index_cast %mul3A_449 : i32 to index
      %swap3A_459 = tpu.vector_load %arg10[%swap3A] {strides = array<i32>} : memref<400xi32, #tpu.memory_space<vmem>>, vector<16xi32>,
      %swap3A_460 = vector.shape_cast %swap3A_459 : vector<16xi32> to vector<16xi32>
      %swap3A_461 = vector.shape_cast %add3A_458 : vector<16xi32> to vector<16xi32>
      tpu.vector_store %arg10[%swap3A], %swap3A_461 {strides = array<i32>} : memref<400xi32, #tpu.memory_space<vmem>>, vector<16xi32>,
    }
    %scan3A_25 = arith.constant 25 : i32
    %dma_start3A_26 = arith.constant 0 : i32
    %dma_start3A_27 = arith.constant 0 : i32
    %dma_start3A_28 = tpu.memref_slice %arg2[%dma_start3A_26, %dma_start3A_27] : memref<4617x128xf32, #tpu.memory_space<hbm>> -> memref<4617x128xf32, #tpu.memory_space<hbm>>
    tpu.enqueue_indirect_dma source(%dma_start3A_28 : memref<4617x128xf32, #tpu.memory_space<hbm>>) target(%arg18 : memref<400x128xf32, #tpu.memory_space<vmem>>) offsets(%arg10 : memref<400xi32, #tpu.memory_space<vmem>>) semaphore(%arg22 : memref<!tpu.dma_semaphore, #tpu.memory_space<semaphore_mem>>)
    %add3A_29 = arith.constant 400 : i32
    %add3A_30 = arith.addi %mul3A_2, %add3A_29 : i32
    %multiple_of3A_31 = tpu.assume_multiple %add3A_30, 400 : i32
    %add3A_32 = arith.constant 0 : i32
    %add3A_33 = arith.addi %add3A_32, %multiple_of3A_31 : i32
    %dma_start3A_34 = tpu.memref_slice %arg5[%add3A_33] : memref<204800xi32, #tpu.memory_space<hbm>> -> memref<400xi32, #tpu.memory_space<hbm>>
    %dma_start3A_35 = tpu.memref_slice %arg5[%add3A_33] : memref<204800xi32, #tpu.memory_space<hbm>> -> memref<400xi32, #tpu.memory_space<hbm>>
    tpu.enqueue_dma source(%dma_start3A_35 : memref<400xi32, #tpu.memory_space<hbm>>) target(%arg11 : memref<400xi32, #tpu.memory_space<vmem>>) target_semaphore(%arg21 : memref<!tpu.dma_semaphore, #tpu.memory_space<semaphore_mem>>)
    %dma_start3A_36 = tpu.memref_slice %arg6[%add3A_33] : memref<204800xi32, #tpu.memory_space<hbm>> -> memref<400xi32, #tpu.memory_space<hbm>>
    %dma_start3A_37 = tpu.memref_slice %arg6[%add3A_33] : memref<204800xi32, #tpu.memory_space<hbm>> -> memref<400xi32, #tpu.memory_space<hbm>>
    tpu.enqueue_dma source(%dma_start3A_37 : memref<400xi32, #tpu.memory_space<hbm>>) target(%arg13 : memref<400xi32, #tpu.memory_space<vmem>>) target_semaphore(%arg21 : memref<!tpu.dma_semaphore, #tpu.memory_space<semaphore_mem>>)
    %dma_start3A_38 = tpu.memref_slice %arg7[%add3A_33] : memref<204800xi32, #tpu.memory_space<hbm>> -> memref<400xi32, #tpu.memory_space<hbm>>
    %dma_start3A_39 = tpu.memref_slice %arg7[%add3A_33] : memref<204800xi32, #tpu.memory_space<hbm>> -> memref<400xi32, #tpu.memory_space<hbm>>
    tpu.enqueue_dma source(%dma_start3A_39 : memref<400xi32, #tpu.memory_space<hbm>>) target(%arg15 : memref<400xi32, #tpu.memory_space<vmem>>) target_semaphore(%arg21 : memref<!tpu.dma_semaphore, #tpu.memory_space<semaphore_mem>>)
    %dma_start3A_40 = tpu.memref_slice %arg8[%add3A_33] : memref<204800xi32, #tpu.memory_space<hbm>> -> memref<400xi32, #tpu.memory_space<hbm>>
    %dma_start3A_41 = tpu.memref_slice %arg8[%add3A_33] : memref<204800xi32, #tpu.memory_space<hbm>> -> memref<400xi32, #tpu.memory_space<hbm>>
    tpu.enqueue_dma source(%dma_start3A_41 : memref<400xi32, #tpu.memory_space<hbm>>) target(%arg17 : memref<400xi32, #tpu.memory_space<vmem>>) target_semaphore(%arg21 : memref<!tpu.dma_semaphore, #tpu.memory_space<semaphore_mem>>)
    %dma_wait3A_42 = arith.constant 0 : i32
    %dma_wait3A_43 = arith.constant 0 : i32
    %dma_wait3A_44 = tpu.memref_slice %arg2[%dma_wait3A_42, %dma_wait3A_43] : memref<4617x128xf32, #tpu.memory_space<hbm>> -> memref<4617x128xf32, #tpu.memory_space<hbm>>
    tpu.wait_indirect_dma semaphore(%arg22 : memref<!tpu.dma_semaphore, #tpu.memory_space<semaphore_mem>>) src(%dma_wait3A_44 : memref<4617x128xf32, #tpu.memory_space<hbm>>) dst(%arg18 : memref<400x128xf32, #tpu.memory_space<vmem>>)
    %dma_start3A_45 = arith.constant 0 : i32
    %dma_start3A_46 = arith.constant 0 : i32
    %dma_start3A_47 = tpu.memref_slice %arg3[%dma_start3A_45, %dma_start3A_46] : memref<100001x128xf32, #tpu.memory_space<hbm>> -> memref<100001x128xf32, #tpu.memory_space<hbm>>
    tpu.enqueue_indirect_dma source(%dma_start3A_47 : memref<100001x128xf32, #tpu.memory_space<hbm>>) target(%arg18 : memref<400x128xf32, #tpu.memory_space<vmem>>) offsets(%arg14 : memref<400xi32, #tpu.memory_space<vmem>>) semaphore(%arg24 : memref<!tpu.dma_semaphore, #tpu.memory_space<semaphore_mem>>) {add = true}
    %dma_start3A_48 = arith.constant 0 : i32
    %dma_start3A_49 = arith.constant 0 : i32
    %dma_start3A_50 = tpu.memref_slice %arg4[%dma_start3A_48, %dma_start3A_49] : memref<914x128xf32, #tpu.memory_space<hbm>> -> memref<914x128xf32, #tpu.memory_space<hbm>>
    tpu.enqueue_indirect_dma source(%dma_start3A_50 : memref<914x128xf32, #tpu.memory_space<hbm>>) target(%arg18 : memref<400x128xf32, #tpu.memory_space<vmem>>) offsets(%arg16 : memref<400xi32, #tpu.memory_space<vmem>>) semaphore(%arg24 : memref<!tpu.dma_semaphore, #tpu.memory_space<semaphore_mem>>) {add = true}
    %dma_wait3A_51 = tpu.memref_slice %arg5[%add3A_33] : memref<204800xi32, #tpu.memory_space<hbm>> -> memref<400xi32, #tpu.memory_space<hbm>>
    %dma_wait3A_52 = tpu.memref_slice %arg5[%add3A_33] : memref<204800xi32, #tpu.memory_space<hbm>> -> memref<400xi32, #tpu.memory_space<hbm>>
    tpu.wait_dma2 semaphore(%arg21 : memref<!tpu.dma_semaphore, #tpu.memory_space<semaphore_mem>>) src(%dma_wait3A_52 : memref<400xi32, #tpu.memory_space<hbm>>) dst(%arg11 : memref<400xi32, #tpu.memory_space<vmem>>)
    %dma_wait3A_53 = tpu.memref_slice %arg6[%add3A_33] : memref<204800xi32, #tpu.memory_space<hbm>> -> memref<400xi32, #tpu.memory_space<hbm>>
    %dma_wait3A_54 = tpu.memref_slice %arg6[%add3A_33] : memref<204800xi32, #tpu.memory_space<hbm>> -> memref<400xi32, #tpu.memory_space<hbm>>
    tpu.wait_dma2 semaphore(%arg21 : memref<!tpu.dma_semaphore, #tpu.memory_space<semaphore_mem>>) src(%dma_wait3A_54 : memref<400xi32, #tpu.memory_space<hbm>>) dst(%arg13 : memref<400xi32, #tpu.memory_space<vmem>>)
    %dma_wait3A_55 = tpu.memref_slice %arg7[%add3A_33] : memref<204800xi32, #tpu.memory_space<hbm>> -> memref<400xi32, #tpu.memory_space<hbm>>
    %dma_wait3A_56 = tpu.memref_slice %arg7[%add3A_33] : memref<204800xi32, #tpu.memory_space<hbm>> -> memref<400xi32, #tpu.memory_space<hbm>>
    tpu.wait_dma2 semaphore(%arg21 : memref<!tpu.dma_semaphore, #tpu.memory_space<semaphore_mem>>) src(%dma_wait3A_56 : memref<400xi32, #tpu.memory_space<hbm>>) dst(%arg15 : memref<400xi32, #tpu.memory_space<vmem>>)
    %dma_wait3A_57 = tpu.memref_slice %arg8[%add3A_33] : memref<204800xi32, #tpu.memory_space<hbm>> -> memref<400xi32, #tpu.memory_space<hbm>>
    %dma_wait3A_58 = tpu.memref_slice %arg8[%add3A_33] : memref<204800xi32, #tpu.memory_space<hbm>> -> memref<400xi32, #tpu.memory_space<hbm>>
    tpu.wait_dma2 semaphore(%arg21 : memref<!tpu.dma_semaphore, #tpu.memory_space<semaphore_mem>>) src(%dma_wait3A_58 : memref<400xi32, #tpu.memory_space<hbm>>) dst(%arg17 : memref<400xi32, #tpu.memory_space<vmem>>)
    %scan3A_59 = arith.constant 0 : i32
    %scan3A_60 = arith.constant 0 : i32
    %scan3A_61 = arith.constant 25 : i32
    %scan3A_62 = arith.addi %scan3A_60, %scan3A_61 : i32
    %scan3A_63 = arith.constant 1 : i32
    scf.for %scan3A_447 = %scan3A_60 to %scan3A_62 step %scan3A_63  : i32 {
      %mul3A_448 = arith.constant 16 : i32
      %mul3A_449 = arith.muli %scan3A_447, %mul3A_448 : i32
      %get3A = arith.index_cast %mul3A_449 : i32 to index
      %get3A_450 = tpu.vector_load %arg11[%get3A] {strides = array<i32>} : memref<400xi32, #tpu.memory_space<vmem>>, vector<16xi32>,
      %get3A_451 = vector.shape_cast %get3A_450 : vector<16xi32> to vector<16xi32>
      %mul3A_452 = arith.constant 3 : i32
      %mul3A_453 = vector.broadcast %mul3A_452 : i32 to vector<16xi32>
      %mul3A_454 = arith.muli %get3A_451, %mul3A_453 : vector<16xi32>
      %get3A_455 = arith.index_cast %mul3A_449 : i32 to index
      %get3A_456 = tpu.vector_load %arg13[%get3A_455] {strides = array<i32>} : memref<400xi32, #tpu.memory_space<vmem>>, vector<16xi32>,
      %get3A_457 = vector.shape_cast %get3A_456 : vector<16xi32> to vector<16xi32>
      %add3A_458 = arith.addi %mul3A_454, %get3A_457 : vector<16xi32>
      %swap3A = arith.index_cast %mul3A_449 : i32 to index
      %swap3A_459 = tpu.vector_load %arg11[%swap3A] {strides = array<i32>} : memref<400xi32, #tpu.memory_space<vmem>>, vector<16xi32>,
      %swap3A_460 = vector.shape_cast %swap3A_459 : vector<16xi32> to vector<16xi32>
      %swap3A_461 = vector.shape_cast %add3A_458 : vector<16xi32> to vector<16xi32>
      tpu.vector_store %arg11[%swap3A], %swap3A_461 {strides = array<i32>} : memref<400xi32, #tpu.memory_space<vmem>>, vector<16xi32>,
    }
    %scan3A_64 = arith.constant 25 : i32
    %dma_start3A_65 = arith.constant 0 : i32
    %dma_start3A_66 = arith.constant 0 : i32
    %dma_start3A_67 = tpu.memref_slice %arg2[%dma_start3A_65, %dma_start3A_66] : memref<4617x128xf32, #tpu.memory_space<hbm>> -> memref<4617x128xf32, #tpu.memory_space<hbm>>
    tpu.enqueue_indirect_dma source(%dma_start3A_67 : memref<4617x128xf32, #tpu.memory_space<hbm>>) target(%arg19 : memref<400x128xf32, #tpu.memory_space<vmem>>) offsets(%arg11 : memref<400xi32, #tpu.memory_space<vmem>>) semaphore(%arg23 : memref<!tpu.dma_semaphore, #tpu.memory_space<semaphore_mem>>)
    %dma_wait3A_68 = arith.constant 0 : i32
    %dma_wait3A_69 = arith.constant 0 : i32
    %dma_wait3A_70 = tpu.memref_slice %arg3[%dma_wait3A_68, %dma_wait3A_69] : memref<100001x128xf32, #tpu.memory_space<hbm>> -> memref<100001x128xf32, #tpu.memory_space<hbm>>
    tpu.wait_indirect_dma semaphore(%arg24 : memref<!tpu.dma_semaphore, #tpu.memory_space<semaphore_mem>>) src(%dma_wait3A_70 : memref<100001x128xf32, #tpu.memory_space<hbm>>) dst(%arg18 : memref<400x128xf32, #tpu.memory_space<vmem>>)
    %dma_wait3A_71 = arith.constant 0 : i32
    %dma_wait3A_72 = arith.constant 0 : i32
    %dma_wait3A_73 = tpu.memref_slice %arg4[%dma_wait3A_71, %dma_wait3A_72] : memref<914x128xf32, #tpu.memory_space<hbm>> -> memref<914x128xf32, #tpu.memory_space<hbm>>
    tpu.wait_indirect_dma semaphore(%arg24 : memref<!tpu.dma_semaphore, #tpu.memory_space<semaphore_mem>>) src(%dma_wait3A_73 : memref<914x128xf32, #tpu.memory_space<hbm>>) dst(%arg18 : memref<400x128xf32, #tpu.memory_space<vmem>>)
    %add3A_74 = arith.constant 0 : i32
    %add3A_75 = arith.addi %mul3A_2, %add3A_74 : i32
    %multiple_of3A_76 = tpu.assume_multiple %add3A_75, 400 : i32
    %dma_start3A_77 = arith.constant 0 : i32
    %dma_start3A_78 = tpu.memref_slice %arg9[%multiple_of3A_76, %dma_start3A_77] : memref<102400x128xf32, #tpu.memory_space<hbm>> -> memref<400x128xf32, #tpu.memory_space<hbm>>
    %dma_start3A_79 = arith.constant 0 : i32
    %dma_start3A_80 = tpu.memref_slice %arg9[%multiple_of3A_76, %dma_start3A_79] : memref<102400x128xf32, #tpu.memory_space<hbm>> -> memref<400x128xf32, #tpu.memory_space<hbm>>
    tpu.enqueue_dma source(%arg18 : memref<400x128xf32, #tpu.memory_space<vmem>>) target(%dma_start3A_80 : memref<400x128xf32, #tpu.memory_space<hbm>>) target_semaphore(%arg26 : memref<!tpu.dma_semaphore, #tpu.memory_space<semaphore_mem>>)
    %add3A_81 = arith.constant 800 : i32
    %add3A_82 = arith.addi %mul3A_2, %add3A_81 : i32
    %multiple_of3A_83 = tpu.assume_multiple %add3A_82, 400 : i32
    %add3A_84 = arith.constant 0 : i32
    %add3A_85 = arith.addi %add3A_84, %multiple_of3A_83 : i32
    %dma_start3A_86 = tpu.memref_slice %arg5[%add3A_85] : memref<204800xi32, #tpu.memory_space<hbm>> -> memref<400xi32, #tpu.memory_space<hbm>>
    %dma_start3A_87 = tpu.memref_slice %arg5[%add3A_85] : memref<204800xi32, #tpu.memory_space<hbm>> -> memref<400xi32, #tpu.memory_space<hbm>>
    tpu.enqueue_dma source(%dma_start3A_87 : memref<400xi32, #tpu.memory_space<hbm>>) target(%arg10 : memref<400xi32, #tpu.memory_space<vmem>>) target_semaphore(%arg20 : memref<!tpu.dma_semaphore, #tpu.memory_space<semaphore_mem>>)
    %dma_start3A_88 = tpu.memref_slice %arg6[%add3A_85] : memref<204800xi32, #tpu.memory_space<hbm>> -> memref<400xi32, #tpu.memory_space<hbm>>
    %dma_start3A_89 = tpu.memref_slice %arg6[%add3A_85] : memref<204800xi32, #tpu.memory_space<hbm>> -> memref<400xi32, #tpu.memory_space<hbm>>
    tpu.enqueue_dma source(%dma_start3A_89 : memref<400xi32, #tpu.memory_space<hbm>>) target(%arg12 : memref<400xi32, #tpu.memory_space<vmem>>) target_semaphore(%arg20 : memref<!tpu.dma_semaphore, #tpu.memory_space<semaphore_mem>>)
    %dma_start3A_90 = tpu.memref_slice %arg7[%add3A_85] : memref<204800xi32, #tpu.memory_space<hbm>> -> memref<400xi32, #tpu.memory_space<hbm>>
    %dma_start3A_91 = tpu.memref_slice %arg7[%add3A_85] : memref<204800xi32, #tpu.memory_space<hbm>> -> memref<400xi32, #tpu.memory_space<hbm>>
    tpu.enqueue_dma source(%dma_start3A_91 : memref<400xi32, #tpu.memory_space<hbm>>) target(%arg14 : memref<400xi32, #tpu.memory_space<vmem>>) target_semaphore(%arg20 : memref<!tpu.dma_semaphore, #tpu.memory_space<semaphore_mem>>)
    %dma_start3A_92 = tpu.memref_slice %arg8[%add3A_85] : memref<204800xi32, #tpu.memory_space<hbm>> -> memref<400xi32, #tpu.memory_space<hbm>>
    %dma_start3A_93 = tpu.memref_slice %arg8[%add3A_85] : memref<204800xi32, #tpu.memory_space<hbm>> -> memref<400xi32, #tpu.memory_space<hbm>>
    tpu.enqueue_dma source(%dma_start3A_93 : memref<400xi32, #tpu.memory_space<hbm>>) target(%arg16 : memref<400xi32, #tpu.memory_space<vmem>>) target_semaphore(%arg20 : memref<!tpu.dma_semaphore, #tpu.memory_space<semaphore_mem>>)
    %dma_wait3A_94 = arith.constant 0 : i32
    %dma_wait3A_95 = arith.constant 0 : i32
    %dma_wait3A_96 = tpu.memref_slice %arg2[%dma_wait3A_94, %dma_wait3A_95] : memref<4617x128xf32, #tpu.memory_space<hbm>> -> memref<4617x128xf32, #tpu.memory_space<hbm>>
    tpu.wait_indirect_dma semaphore(%arg23 : memref<!tpu.dma_semaphore, #tpu.memory_space<semaphore_mem>>) src(%dma_wait3A_96 : memref<4617x128xf32, #tpu.memory_space<hbm>>) dst(%arg19 : memref<400x128xf32, #tpu.memory_space<vmem>>)
    %dma_start3A_97 = arith.constant 0 : i32
    %dma_start3A_98 = arith.constant 0 : i32
    %dma_start3A_99 = tpu.memref_slice %arg3[%dma_start3A_97, %dma_start3A_98] : memref<100001x128xf32, #tpu.memory_space<hbm>> -> memref<100001x128xf32, #tpu.memory_space<hbm>>
    tpu.enqueue_indirect_dma source(%dma_start3A_99 : memref<100001x128xf32, #tpu.memory_space<hbm>>) target(%arg19 : memref<400x128xf32, #tpu.memory_space<vmem>>) offsets(%arg15 : memref<400xi32, #tpu.memory_space<vmem>>) semaphore(%arg25 : memref<!tpu.dma_semaphore, #tpu.memory_space<semaphore_mem>>) {add = true}
    %dma_start3A_100 = arith.constant 0 : i32
    %dma_start3A_101 = arith.constant 0 : i32
    %dma_start3A_102 = tpu.memref_slice %arg4[%dma_start3A_100, %dma_start3A_101] : memref<914x128xf32, #tpu.memory_space<hbm>> -> memref<914x128xf32, #tpu.memory_space<hbm>>
    tpu.enqueue_indirect_dma source(%dma_start3A_102 : memref<914x128xf32, #tpu.memory_space<hbm>>) target(%arg19 : memref<400x128xf32, #tpu.memory_space<vmem>>) offsets(%arg17 : memref<400xi32, #tpu.memory_space<vmem>>) semaphore(%arg25 : memref<!tpu.dma_semaphore, #tpu.memory_space<semaphore_mem>>) {add = true}
    %dma_wait3A_103 = tpu.memref_slice %arg5[%add3A_85] : memref<204800xi32, #tpu.memory_space<hbm>> -> memref<400xi32, #tpu.memory_space<hbm>>
    %dma_wait3A_104 = tpu.memref_slice %arg5[%add3A_85] : memref<204800xi32, #tpu.memory_space<hbm>> -> memref<400xi32, #tpu.memory_space<hbm>>
    tpu.wait_dma2 semaphore(%arg20 : memref<!tpu.dma_semaphore, #tpu.memory_space<semaphore_mem>>) src(%dma_wait3A_104 : memref<400xi32, #tpu.memory_space<hbm>>) dst(%arg10 : memref<400xi32, #tpu.memory_space<vmem>>)
    %dma_wait3A_105 = tpu.memref_slice %arg6[%add3A_85] : memref<204800xi32, #tpu.memory_space<hbm>> -> memref<400xi32, #tpu.memory_space<hbm>>
    %dma_wait3A_106 = tpu.memref_slice %arg6[%add3A_85] : memref<204800xi32, #tpu.memory_space<hbm>> -> memref<400xi32, #tpu.memory_space<hbm>>
    tpu.wait_dma2 semaphore(%arg20 : memref<!tpu.dma_semaphore, #tpu.memory_space<semaphore_mem>>) src(%dma_wait3A_106 : memref<400xi32, #tpu.memory_space<hbm>>) dst(%arg12 : memref<400xi32, #tpu.memory_space<vmem>>)
    %dma_wait3A_107 = tpu.memref_slice %arg7[%add3A_85] : memref<204800xi32, #tpu.memory_space<hbm>> -> memref<400xi32, #tpu.memory_space<hbm>>
    %dma_wait3A_108 = tpu.memref_slice %arg7[%add3A_85] : memref<204800xi32, #tpu.memory_space<hbm>> -> memref<400xi32, #tpu.memory_space<hbm>>
    tpu.wait_dma2 semaphore(%arg20 : memref<!tpu.dma_semaphore, #tpu.memory_space<semaphore_mem>>) src(%dma_wait3A_108 : memref<400xi32, #tpu.memory_space<hbm>>) dst(%arg14 : memref<400xi32, #tpu.memory_space<vmem>>)
    %dma_wait3A_109 = tpu.memref_slice %arg8[%add3A_85] : memref<204800xi32, #tpu.memory_space<hbm>> -> memref<400xi32, #tpu.memory_space<hbm>>
    %dma_wait3A_110 = tpu.memref_slice %arg8[%add3A_85] : memref<204800xi32, #tpu.memory_space<hbm>> -> memref<400xi32, #tpu.memory_space<hbm>>
    tpu.wait_dma2 semaphore(%arg20 : memref<!tpu.dma_semaphore, #tpu.memory_space<semaphore_mem>>) src(%dma_wait3A_110 : memref<400xi32, #tpu.memory_space<hbm>>) dst(%arg16 : memref<400xi32, #tpu.memory_space<vmem>>)
    %scan3A_111 = arith.constant 0 : i32
    %scan3A_112 = arith.constant 0 : i32
    %scan3A_113 = arith.constant 25 : i32
    %scan3A_114 = arith.addi %scan3A_112, %scan3A_113 : i32
    %scan3A_115 = arith.constant 1 : i32
    scf.for %scan3A_447 = %scan3A_112 to %scan3A_114 step %scan3A_115  : i32 {
      %mul3A_448 = arith.constant 16 : i32
      %mul3A_449 = arith.muli %scan3A_447, %mul3A_448 : i32
      %get3A = arith.index_cast %mul3A_449 : i32 to index
      %get3A_450 = tpu.vector_load %arg10[%get3A] {strides = array<i32>} : memref<400xi32, #tpu.memory_space<vmem>>, vector<16xi32>,
      %get3A_451 = vector.shape_cast %get3A_450 : vector<16xi32> to vector<16xi32>
      %mul3A_452 = arith.constant 3 : i32
      %mul3A_453 = vector.broadcast %mul3A_452 : i32 to vector<16xi32>
      %mul3A_454 = arith.muli %get3A_451, %mul3A_453 : vector<16xi32>
      %get3A_455 = arith.index_cast %mul3A_449 : i32 to index
      %get3A_456 = tpu.vector_load %arg12[%get3A_455] {strides = array<i32>} : memref<400xi32, #tpu.memory_space<vmem>>, vector<16xi32>,
      %get3A_457 = vector.shape_cast %get3A_456 : vector<16xi32> to vector<16xi32>
      %add3A_458 = arith.addi %mul3A_454, %get3A_457 : vector<16xi32>
      %swap3A = arith.index_cast %mul3A_449 : i32 to index
      %swap3A_459 = tpu.vector_load %arg10[%swap3A] {strides = array<i32>} : memref<400xi32, #tpu.memory_space<vmem>>, vector<16xi32>,
      %swap3A_460 = vector.shape_cast %swap3A_459 : vector<16xi32> to vector<16xi32>
      %swap3A_461 = vector.shape_cast %add3A_458 : vector<16xi32> to vector<16xi32>
      tpu.vector_store %arg10[%swap3A], %swap3A_461 {strides = array<i32>} : memref<400xi32, #tpu.memory_space<vmem>>, vector<16xi32>,
    }
    %scan3A_116 = arith.constant 25 : i32
    %dma_wait3A_117 = arith.constant 0 : i32
    %dma_wait3A_118 = tpu.memref_slice %arg9[%multiple_of3A_76, %dma_wait3A_117] : memref<102400x128xf32, #tpu.memory_space<hbm>> -> memref<400x128xf32, #tpu.memory_space<hbm>>
    %dma_wait3A_119 = arith.constant 0 : i32
    %dma_wait3A_120 = tpu.memref_slice %arg9[%multiple_of3A_76, %dma_wait3A_119] : memref<102400x128xf32, #tpu.memory_space<hbm>> -> memref<400x128xf32, #tpu.memory_space<hbm>>
    tpu.wait_dma2 semaphore(%arg26 : memref<!tpu.dma_semaphore, #tpu.memory_space<semaphore_mem>>) src(%arg18 : memref<400x128xf32, #tpu.memory_space<vmem>>) dst(%dma_wait3A_120 : memref<400x128xf32, #tpu.memory_space<hbm>>)
    %dma_start3A_121 = arith.constant 0 : i32
    %dma_start3A_122 = arith.constant 0 : i32
    %dma_start3A_123 = tpu.memref_slice %arg2[%dma_start3A_121, %dma_start3A_122] : memref<4617x128xf32, #tpu.memory_space<hbm>> -> memref<4617x128xf32, #tpu.memory_space<hbm>>
    tpu.enqueue_indirect_dma source(%dma_start3A_123 : memref<4617x128xf32, #tpu.memory_space<hbm>>) target(%arg18 : memref<400x128xf32, #tpu.memory_space<vmem>>) offsets(%arg10 : memref<400xi32, #tpu.memory_space<vmem>>) semaphore(%arg22 : memref<!tpu.dma_semaphore, #tpu.memory_space<semaphore_mem>>)
    %dma_wait3A_124 = arith.constant 0 : i32
    %dma_wait3A_125 = arith.constant 0 : i32
    %dma_wait3A_126 = tpu.memref_slice %arg3[%dma_wait3A_124, %dma_wait3A_125] : memref<100001x128xf32, #tpu.memory_space<hbm>> -> memref<100001x128xf32, #tpu.memory_space<hbm>>
    tpu.wait_indirect_dma semaphore(%arg25 : memref<!tpu.dma_semaphore, #tpu.memory_space<semaphore_mem>>) src(%dma_wait3A_126 : memref<100001x128xf32, #tpu.memory_space<hbm>>) dst(%arg19 : memref<400x128xf32, #tpu.memory_space<vmem>>)
    %dma_wait3A_127 = arith.constant 0 : i32
    %dma_wait3A_128 = arith.constant 0 : i32
    %dma_wait3A_129 = tpu.memref_slice %arg4[%dma_wait3A_127, %dma_wait3A_128] : memref<914x128xf32, #tpu.memory_space<hbm>> -> memref<914x128xf32, #tpu.memory_space<hbm>>
    tpu.wait_indirect_dma semaphore(%arg25 : memref<!tpu.dma_semaphore, #tpu.memory_space<semaphore_mem>>) src(%dma_wait3A_129 : memref<914x128xf32, #tpu.memory_space<hbm>>) dst(%arg19 : memref<400x128xf32, #tpu.memory_space<vmem>>)
    %add3A_130 = arith.constant 400 : i32
    %add3A_131 = arith.addi %mul3A_2, %add3A_130 : i32
    %multiple_of3A_132 = tpu.assume_multiple %add3A_131, 400 : i32
    %dma_start3A_133 = arith.constant 0 : i32
    %dma_start3A_134 = tpu.memref_slice %arg9[%multiple_of3A_132, %dma_start3A_133] : memref<102400x128xf32, #tpu.memory_space<hbm>> -> memref<400x128xf32, #tpu.memory_space<hbm>>
    %dma_start3A_135 = arith.constant 0 : i32
    %dma_start3A_136 = tpu.memref_slice %arg9[%multiple_of3A_132, %dma_start3A_135] : memref<102400x128xf32, #tpu.memory_space<hbm>> -> memref<400x128xf32, #tpu.memory_space<hbm>>
    tpu.enqueue_dma source(%arg19 : memref<400x128xf32, #tpu.memory_space<vmem>>) target(%dma_start3A_136 : memref<400x128xf32, #tpu.memory_space<hbm>>) target_semaphore(%arg27 : memref<!tpu.dma_semaphore, #tpu.memory_space<semaphore_mem>>)
    %add3A_137 = arith.constant 1200 : i32
    %add3A_138 = arith.addi %mul3A_2, %add3A_137 : i32
    %multiple_of3A_139 = tpu.assume_multiple %add3A_138, 400 : i32
    %add3A_140 = arith.constant 0 : i32
    %add3A_141 = arith.addi %add3A_140, %multiple_of3A_139 : i32
    %dma_start3A_142 = tpu.memref_slice %arg5[%add3A_141] : memref<204800xi32, #tpu.memory_space<hbm>> -> memref<400xi32, #tpu.memory_space<hbm>>
    %dma_start3A_143 = tpu.memref_slice %arg5[%add3A_141] : memref<204800xi32, #tpu.memory_space<hbm>> -> memref<400xi32, #tpu.memory_space<hbm>>
    tpu.enqueue_dma source(%dma_start3A_143 : memref<400xi32, #tpu.memory_space<hbm>>) target(%arg11 : memref<400xi32, #tpu.memory_space<vmem>>) target_semaphore(%arg21 : memref<!tpu.dma_semaphore, #tpu.memory_space<semaphore_mem>>)
    %dma_start3A_144 = tpu.memref_slice %arg6[%add3A_141] : memref<204800xi32, #tpu.memory_space<hbm>> -> memref<400xi32, #tpu.memory_space<hbm>>
    %dma_start3A_145 = tpu.memref_slice %arg6[%add3A_141] : memref<204800xi32, #tpu.memory_space<hbm>> -> memref<400xi32, #tpu.memory_space<hbm>>
    tpu.enqueue_dma source(%dma_start3A_145 : memref<400xi32, #tpu.memory_space<hbm>>) target(%arg13 : memref<400xi32, #tpu.memory_space<vmem>>) target_semaphore(%arg21 : memref<!tpu.dma_semaphore, #tpu.memory_space<semaphore_mem>>)
    %dma_start3A_146 = tpu.memref_slice %arg7[%add3A_141] : memref<204800xi32, #tpu.memory_space<hbm>> -> memref<400xi32, #tpu.memory_space<hbm>>
    %dma_start3A_147 = tpu.memref_slice %arg7[%add3A_141] : memref<204800xi32, #tpu.memory_space<hbm>> -> memref<400xi32, #tpu.memory_space<hbm>>
    tpu.enqueue_dma source(%dma_start3A_147 : memref<400xi32, #tpu.memory_space<hbm>>) target(%arg15 : memref<400xi32, #tpu.memory_space<vmem>>) target_semaphore(%arg21 : memref<!tpu.dma_semaphore, #tpu.memory_space<semaphore_mem>>)
    %dma_start3A_148 = tpu.memref_slice %arg8[%add3A_141] : memref<204800xi32, #tpu.memory_space<hbm>> -> memref<400xi32, #tpu.memory_space<hbm>>
    %dma_start3A_149 = tpu.memref_slice %arg8[%add3A_141] : memref<204800xi32, #tpu.memory_space<hbm>> -> memref<400xi32, #tpu.memory_space<hbm>>
    tpu.enqueue_dma source(%dma_start3A_149 : memref<400xi32, #tpu.memory_space<hbm>>) target(%arg17 : memref<400xi32, #tpu.memory_space<vmem>>) target_semaphore(%arg21 : memref<!tpu.dma_semaphore, #tpu.memory_space<semaphore_mem>>)
    %dma_wait3A_150 = arith.constant 0 : i32
    %dma_wait3A_151 = arith.constant 0 : i32
    %dma_wait3A_152 = tpu.memref_slice %arg2[%dma_wait3A_150, %dma_wait3A_151] : memref<4617x128xf32, #tpu.memory_space<hbm>> -> memref<4617x128xf32, #tpu.memory_space<hbm>>
    tpu.wait_indirect_dma semaphore(%arg22 : memref<!tpu.dma_semaphore, #tpu.memory_space<semaphore_mem>>) src(%dma_wait3A_152 : memref<4617x128xf32, #tpu.memory_space<hbm>>) dst(%arg18 : memref<400x128xf32, #tpu.memory_space<vmem>>)
    %dma_start3A_153 = arith.constant 0 : i32
    %dma_start3A_154 = arith.constant 0 : i32
    %dma_start3A_155 = tpu.memref_slice %arg3[%dma_start3A_153, %dma_start3A_154] : memref<100001x128xf32, #tpu.memory_space<hbm>> -> memref<100001x128xf32, #tpu.memory_space<hbm>>
    tpu.enqueue_indirect_dma source(%dma_start3A_155 : memref<100001x128xf32, #tpu.memory_space<hbm>>) target(%arg18 : memref<400x128xf32, #tpu.memory_space<vmem>>) offsets(%arg14 : memref<400xi32, #tpu.memory_space<vmem>>) semaphore(%arg24 : memref<!tpu.dma_semaphore, #tpu.memory_space<semaphore_mem>>) {add = true}
    %dma_start3A_156 = arith.constant 0 : i32
    %dma_start3A_157 = arith.constant 0 : i32
    %dma_start3A_158 = tpu.memref_slice %arg4[%dma_start3A_156, %dma_start3A_157] : memref<914x128xf32, #tpu.memory_space<hbm>> -> memref<914x128xf32, #tpu.memory_space<hbm>>
    tpu.enqueue_indirect_dma source(%dma_start3A_158 : memref<914x128xf32, #tpu.memory_space<hbm>>) target(%arg18 : memref<400x128xf32, #tpu.memory_space<vmem>>) offsets(%arg16 : memref<400xi32, #tpu.memory_space<vmem>>) semaphore(%arg24 : memref<!tpu.dma_semaphore, #tpu.memory_space<semaphore_mem>>) {add = true}
    %dma_wait3A_159 = tpu.memref_slice %arg5[%add3A_141] : memref<204800xi32, #tpu.memory_space<hbm>> -> memref<400xi32, #tpu.memory_space<hbm>>
    %dma_wait3A_160 = tpu.memref_slice %arg5[%add3A_141] : memref<204800xi32, #tpu.memory_space<hbm>> -> memref<400xi32, #tpu.memory_space<hbm>>
    tpu.wait_dma2 semaphore(%arg21 : memref<!tpu.dma_semaphore, #tpu.memory_space<semaphore_mem>>) src(%dma_wait3A_160 : memref<400xi32, #tpu.memory_space<hbm>>) dst(%arg11 : memref<400xi32, #tpu.memory_space<vmem>>)
    %dma_wait3A_161 = tpu.memref_slice %arg6[%add3A_141] : memref<204800xi32, #tpu.memory_space<hbm>> -> memref<400xi32, #tpu.memory_space<hbm>>
    %dma_wait3A_162 = tpu.memref_slice %arg6[%add3A_141] : memref<204800xi32, #tpu.memory_space<hbm>> -> memref<400xi32, #tpu.memory_space<hbm>>
    tpu.wait_dma2 semaphore(%arg21 : memref<!tpu.dma_semaphore, #tpu.memory_space<semaphore_mem>>) src(%dma_wait3A_162 : memref<400xi32, #tpu.memory_space<hbm>>) dst(%arg13 : memref<400xi32, #tpu.memory_space<vmem>>)
    %dma_wait3A_163 = tpu.memref_slice %arg7[%add3A_141] : memref<204800xi32, #tpu.memory_space<hbm>> -> memref<400xi32, #tpu.memory_space<hbm>>
    %dma_wait3A_164 = tpu.memref_slice %arg7[%add3A_141] : memref<204800xi32, #tpu.memory_space<hbm>> -> memref<400xi32, #tpu.memory_space<hbm>>
    tpu.wait_dma2 semaphore(%arg21 : memref<!tpu.dma_semaphore, #tpu.memory_space<semaphore_mem>>) src(%dma_wait3A_164 : memref<400xi32, #tpu.memory_space<hbm>>) dst(%arg15 : memref<400xi32, #tpu.memory_space<vmem>>)
    %dma_wait3A_165 = tpu.memref_slice %arg8[%add3A_141] : memref<204800xi32, #tpu.memory_space<hbm>> -> memref<400xi32, #tpu.memory_space<hbm>>
    %dma_wait3A_166 = tpu.memref_slice %arg8[%add3A_141] : memref<204800xi32, #tpu.memory_space<hbm>> -> memref<400xi32, #tpu.memory_space<hbm>>
    tpu.wait_dma2 semaphore(%arg21 : memref<!tpu.dma_semaphore, #tpu.memory_space<semaphore_mem>>) src(%dma_wait3A_166 : memref<400xi32, #tpu.memory_space<hbm>>) dst(%arg17 : memref<400xi32, #tpu.memory_space<vmem>>)
    %scan3A_167 = arith.constant 0 : i32
    %scan3A_168 = arith.constant 0 : i32
    %scan3A_169 = arith.constant 25 : i32
    %scan3A_170 = arith.addi %scan3A_168, %scan3A_169 : i32
    %scan3A_171 = arith.constant 1 : i32
    scf.for %scan3A_447 = %scan3A_168 to %scan3A_170 step %scan3A_171  : i32 {
      %mul3A_448 = arith.constant 16 : i32
      %mul3A_449 = arith.muli %scan3A_447, %mul3A_448 : i32
      %get3A = arith.index_cast %mul3A_449 : i32 to index
      %get3A_450 = tpu.vector_load %arg11[%get3A] {strides = array<i32>} : memref<400xi32, #tpu.memory_space<vmem>>, vector<16xi32>,
      %get3A_451 = vector.shape_cast %get3A_450 : vector<16xi32> to vector<16xi32>
      %mul3A_452 = arith.constant 3 : i32
      %mul3A_453 = vector.broadcast %mul3A_452 : i32 to vector<16xi32>
      %mul3A_454 = arith.muli %get3A_451, %mul3A_453 : vector<16xi32>
      %get3A_455 = arith.index_cast %mul3A_449 : i32 to index
      %get3A_456 = tpu.vector_load %arg13[%get3A_455] {strides = array<i32>} : memref<400xi32, #tpu.memory_space<vmem>>, vector<16xi32>,
      %get3A_457 = vector.shape_cast %get3A_456 : vector<16xi32> to vector<16xi32>
      %add3A_458 = arith.addi %mul3A_454, %get3A_457 : vector<16xi32>
      %swap3A = arith.index_cast %mul3A_449 : i32 to index
      %swap3A_459 = tpu.vector_load %arg11[%swap3A] {strides = array<i32>} : memref<400xi32, #tpu.memory_space<vmem>>, vector<16xi32>,
      %swap3A_460 = vector.shape_cast %swap3A_459 : vector<16xi32> to vector<16xi32>
      %swap3A_461 = vector.shape_cast %add3A_458 : vector<16xi32> to vector<16xi32>
      tpu.vector_store %arg11[%swap3A], %swap3A_461 {strides = array<i32>} : memref<400xi32, #tpu.memory_space<vmem>>, vector<16xi32>,
    }
    %scan3A_172 = arith.constant 25 : i32
    %dma_wait3A_173 = arith.constant 0 : i32
    %dma_wait3A_174 = tpu.memref_slice %arg9[%multiple_of3A_132, %dma_wait3A_173] : memref<102400x128xf32, #tpu.memory_space<hbm>> -> memref<400x128xf32, #tpu.memory_space<hbm>>
    %dma_wait3A_175 = arith.constant 0 : i32
    %dma_wait3A_176 = tpu.memref_slice %arg9[%multiple_of3A_132, %dma_wait3A_175] : memref<102400x128xf32, #tpu.memory_space<hbm>> -> memref<400x128xf32, #tpu.memory_space<hbm>>
    tpu.wait_dma2 semaphore(%arg27 : memref<!tpu.dma_semaphore, #tpu.memory_space<semaphore_mem>>) src(%arg19 : memref<400x128xf32, #tpu.memory_space<vmem>>) dst(%dma_wait3A_176 : memref<400x128xf32, #tpu.memory_space<hbm>>)
    %dma_start3A_177 = arith.constant 0 : i32
    %dma_start3A_178 = arith.constant 0 : i32
    %dma_start3A_179 = tpu.memref_slice %arg2[%dma_start3A_177, %dma_start3A_178] : memref<4617x128xf32, #tpu.memory_space<hbm>> -> memref<4617x128xf32, #tpu.memory_space<hbm>>
    tpu.enqueue_indirect_dma source(%dma_start3A_179 : memref<4617x128xf32, #tpu.memory_space<hbm>>) target(%arg19 : memref<400x128xf32, #tpu.memory_space<vmem>>) offsets(%arg11 : memref<400xi32, #tpu.memory_space<vmem>>) semaphore(%arg23 : memref<!tpu.dma_semaphore, #tpu.memory_space<semaphore_mem>>)
    %dma_wait3A_180 = arith.constant 0 : i32
    %dma_wait3A_181 = arith.constant 0 : i32
    %dma_wait3A_182 = tpu.memref_slice %arg3[%dma_wait3A_180, %dma_wait3A_181] : memref<100001x128xf32, #tpu.memory_space<hbm>> -> memref<100001x128xf32, #tpu.memory_space<hbm>>
    tpu.wait_indirect_dma semaphore(%arg24 : memref<!tpu.dma_semaphore, #tpu.memory_space<semaphore_mem>>) src(%dma_wait3A_182 : memref<100001x128xf32, #tpu.memory_space<hbm>>) dst(%arg18 : memref<400x128xf32, #tpu.memory_space<vmem>>)
    %dma_wait3A_183 = arith.constant 0 : i32
    %dma_wait3A_184 = arith.constant 0 : i32
    %dma_wait3A_185 = tpu.memref_slice %arg4[%dma_wait3A_183, %dma_wait3A_184] : memref<914x128xf32, #tpu.memory_space<hbm>> -> memref<914x128xf32, #tpu.memory_space<hbm>>
    tpu.wait_indirect_dma semaphore(%arg24 : memref<!tpu.dma_semaphore, #tpu.memory_space<semaphore_mem>>) src(%dma_wait3A_185 : memref<914x128xf32, #tpu.memory_space<hbm>>) dst(%arg18 : memref<400x128xf32, #tpu.memory_space<vmem>>)
    %add3A_186 = arith.constant 800 : i32
    %add3A_187 = arith.addi %mul3A_2, %add3A_186 : i32
    %multiple_of3A_188 = tpu.assume_multiple %add3A_187, 400 : i32
    %dma_start3A_189 = arith.constant 0 : i32
    %dma_start3A_190 = tpu.memref_slice %arg9[%multiple_of3A_188, %dma_start3A_189] : memref<102400x128xf32, #tpu.memory_space<hbm>> -> memref<400x128xf32, #tpu.memory_space<hbm>>
    %dma_start3A_191 = arith.constant 0 : i32
    %dma_start3A_192 = tpu.memref_slice %arg9[%multiple_of3A_188, %dma_start3A_191] : memref<102400x128xf32, #tpu.memory_space<hbm>> -> memref<400x128xf32, #tpu.memory_space<hbm>>
    tpu.enqueue_dma source(%arg18 : memref<400x128xf32, #tpu.memory_space<vmem>>) target(%dma_start3A_192 : memref<400x128xf32, #tpu.memory_space<hbm>>) target_semaphore(%arg26 : memref<!tpu.dma_semaphore, #tpu.memory_space<semaphore_mem>>)
    %add3A_193 = arith.constant 1600 : i32
    %add3A_194 = arith.addi %mul3A_2, %add3A_193 : i32
    %multiple_of3A_195 = tpu.assume_multiple %add3A_194, 400 : i32
    %add3A_196 = arith.constant 0 : i32
    %add3A_197 = arith.addi %add3A_196, %multiple_of3A_195 : i32
    %dma_start3A_198 = tpu.memref_slice %arg5[%add3A_197] : memref<204800xi32, #tpu.memory_space<hbm>> -> memref<400xi32, #tpu.memory_space<hbm>>
    %dma_start3A_199 = tpu.memref_slice %arg5[%add3A_197] : memref<204800xi32, #tpu.memory_space<hbm>> -> memref<400xi32, #tpu.memory_space<hbm>>
    tpu.enqueue_dma source(%dma_start3A_199 : memref<400xi32, #tpu.memory_space<hbm>>) target(%arg10 : memref<400xi32, #tpu.memory_space<vmem>>) target_semaphore(%arg20 : memref<!tpu.dma_semaphore, #tpu.memory_space<semaphore_mem>>)
    %dma_start3A_200 = tpu.memref_slice %arg6[%add3A_197] : memref<204800xi32, #tpu.memory_space<hbm>> -> memref<400xi32, #tpu.memory_space<hbm>>
    %dma_start3A_201 = tpu.memref_slice %arg6[%add3A_197] : memref<204800xi32, #tpu.memory_space<hbm>> -> memref<400xi32, #tpu.memory_space<hbm>>
    tpu.enqueue_dma source(%dma_start3A_201 : memref<400xi32, #tpu.memory_space<hbm>>) target(%arg12 : memref<400xi32, #tpu.memory_space<vmem>>) target_semaphore(%arg20 : memref<!tpu.dma_semaphore, #tpu.memory_space<semaphore_mem>>)
    %dma_start3A_202 = tpu.memref_slice %arg7[%add3A_197] : memref<204800xi32, #tpu.memory_space<hbm>> -> memref<400xi32, #tpu.memory_space<hbm>>
    %dma_start3A_203 = tpu.memref_slice %arg7[%add3A_197] : memref<204800xi32, #tpu.memory_space<hbm>> -> memref<400xi32, #tpu.memory_space<hbm>>
    tpu.enqueue_dma source(%dma_start3A_203 : memref<400xi32, #tpu.memory_space<hbm>>) target(%arg14 : memref<400xi32, #tpu.memory_space<vmem>>) target_semaphore(%arg20 : memref<!tpu.dma_semaphore, #tpu.memory_space<semaphore_mem>>)
    %dma_start3A_204 = tpu.memref_slice %arg8[%add3A_197] : memref<204800xi32, #tpu.memory_space<hbm>> -> memref<400xi32, #tpu.memory_space<hbm>>
    %dma_start3A_205 = tpu.memref_slice %arg8[%add3A_197] : memref<204800xi32, #tpu.memory_space<hbm>> -> memref<400xi32, #tpu.memory_space<hbm>>
    tpu.enqueue_dma source(%dma_start3A_205 : memref<400xi32, #tpu.memory_space<hbm>>) target(%arg16 : memref<400xi32, #tpu.memory_space<vmem>>) target_semaphore(%arg20 : memref<!tpu.dma_semaphore, #tpu.memory_space<semaphore_mem>>)
    %dma_wait3A_206 = arith.constant 0 : i32
    %dma_wait3A_207 = arith.constant 0 : i32
    %dma_wait3A_208 = tpu.memref_slice %arg2[%dma_wait3A_206, %dma_wait3A_207] : memref<4617x128xf32, #tpu.memory_space<hbm>> -> memref<4617x128xf32, #tpu.memory_space<hbm>>
    tpu.wait_indirect_dma semaphore(%arg23 : memref<!tpu.dma_semaphore, #tpu.memory_space<semaphore_mem>>) src(%dma_wait3A_208 : memref<4617x128xf32, #tpu.memory_space<hbm>>) dst(%arg19 : memref<400x128xf32, #tpu.memory_space<vmem>>)
    %dma_start3A_209 = arith.constant 0 : i32
    %dma_start3A_210 = arith.constant 0 : i32
    %dma_start3A_211 = tpu.memref_slice %arg3[%dma_start3A_209, %dma_start3A_210] : memref<100001x128xf32, #tpu.memory_space<hbm>> -> memref<100001x128xf32, #tpu.memory_space<hbm>>
    tpu.enqueue_indirect_dma source(%dma_start3A_211 : memref<100001x128xf32, #tpu.memory_space<hbm>>) target(%arg19 : memref<400x128xf32, #tpu.memory_space<vmem>>) offsets(%arg15 : memref<400xi32, #tpu.memory_space<vmem>>) semaphore(%arg25 : memref<!tpu.dma_semaphore, #tpu.memory_space<semaphore_mem>>) {add = true}
    %dma_start3A_212 = arith.constant 0 : i32
    %dma_start3A_213 = arith.constant 0 : i32
    %dma_start3A_214 = tpu.memref_slice %arg4[%dma_start3A_212, %dma_start3A_213] : memref<914x128xf32, #tpu.memory_space<hbm>> -> memref<914x128xf32, #tpu.memory_space<hbm>>
    tpu.enqueue_indirect_dma source(%dma_start3A_214 : memref<914x128xf32, #tpu.memory_space<hbm>>) target(%arg19 : memref<400x128xf32, #tpu.memory_space<vmem>>) offsets(%arg17 : memref<400xi32, #tpu.memory_space<vmem>>) semaphore(%arg25 : memref<!tpu.dma_semaphore, #tpu.memory_space<semaphore_mem>>) {add = true}
    %dma_wait3A_215 = tpu.memref_slice %arg5[%add3A_197] : memref<204800xi32, #tpu.memory_space<hbm>> -> memref<400xi32, #tpu.memory_space<hbm>>
    %dma_wait3A_216 = tpu.memref_slice %arg5[%add3A_197] : memref<204800xi32, #tpu.memory_space<hbm>> -> memref<400xi32, #tpu.memory_space<hbm>>
    tpu.wait_dma2 semaphore(%arg20 : memref<!tpu.dma_semaphore, #tpu.memory_space<semaphore_mem>>) src(%dma_wait3A_216 : memref<400xi32, #tpu.memory_space<hbm>>) dst(%arg10 : memref<400xi32, #tpu.memory_space<vmem>>)
    %dma_wait3A_217 = tpu.memref_slice %arg6[%add3A_197] : memref<204800xi32, #tpu.memory_space<hbm>> -> memref<400xi32, #tpu.memory_space<hbm>>
    %dma_wait3A_218 = tpu.memref_slice %arg6[%add3A_197] : memref<204800xi32, #tpu.memory_space<hbm>> -> memref<400xi32, #tpu.memory_space<hbm>>
    tpu.wait_dma2 semaphore(%arg20 : memref<!tpu.dma_semaphore, #tpu.memory_space<semaphore_mem>>) src(%dma_wait3A_218 : memref<400xi32, #tpu.memory_space<hbm>>) dst(%arg12 : memref<400xi32, #tpu.memory_space<vmem>>)
    %dma_wait3A_219 = tpu.memref_slice %arg7[%add3A_197] : memref<204800xi32, #tpu.memory_space<hbm>> -> memref<400xi32, #tpu.memory_space<hbm>>
    %dma_wait3A_220 = tpu.memref_slice %arg7[%add3A_197] : memref<204800xi32, #tpu.memory_space<hbm>> -> memref<400xi32, #tpu.memory_space<hbm>>
    tpu.wait_dma2 semaphore(%arg20 : memref<!tpu.dma_semaphore, #tpu.memory_space<semaphore_mem>>) src(%dma_wait3A_220 : memref<400xi32, #tpu.memory_space<hbm>>) dst(%arg14 : memref<400xi32, #tpu.memory_space<vmem>>)
    %dma_wait3A_221 = tpu.memref_slice %arg8[%add3A_197] : memref<204800xi32, #tpu.memory_space<hbm>> -> memref<400xi32, #tpu.memory_space<hbm>>
    %dma_wait3A_222 = tpu.memref_slice %arg8[%add3A_197] : memref<204800xi32, #tpu.memory_space<hbm>> -> memref<400xi32, #tpu.memory_space<hbm>>
    tpu.wait_dma2 semaphore(%arg20 : memref<!tpu.dma_semaphore, #tpu.memory_space<semaphore_mem>>) src(%dma_wait3A_222 : memref<400xi32, #tpu.memory_space<hbm>>) dst(%arg16 : memref<400xi32, #tpu.memory_space<vmem>>)
    %scan3A_223 = arith.constant 0 : i32
    %scan3A_224 = arith.constant 0 : i32
    %scan3A_225 = arith.constant 25 : i32
    %scan3A_226 = arith.addi %scan3A_224, %scan3A_225 : i32
    %scan3A_227 = arith.constant 1 : i32
    scf.for %scan3A_447 = %scan3A_224 to %scan3A_226 step %scan3A_227  : i32 {
      %mul3A_448 = arith.constant 16 : i32
      %mul3A_449 = arith.muli %scan3A_447, %mul3A_448 : i32
      %get3A = arith.index_cast %mul3A_449 : i32 to index
      %get3A_450 = tpu.vector_load %arg10[%get3A] {strides = array<i32>} : memref<400xi32, #tpu.memory_space<vmem>>, vector<16xi32>,
      %get3A_451 = vector.shape_cast %get3A_450 : vector<16xi32> to vector<16xi32>
      %mul3A_452 = arith.constant 3 : i32
      %mul3A_453 = vector.broadcast %mul3A_452 : i32 to vector<16xi32>
      %mul3A_454 = arith.muli %get3A_451, %mul3A_453 : vector<16xi32>
      %get3A_455 = arith.index_cast %mul3A_449 : i32 to index
      %get3A_456 = tpu.vector_load %arg12[%get3A_455] {strides = array<i32>} : memref<400xi32, #tpu.memory_space<vmem>>, vector<16xi32>,
      %get3A_457 = vector.shape_cast %get3A_456 : vector<16xi32> to vector<16xi32>
      %add3A_458 = arith.addi %mul3A_454, %get3A_457 : vector<16xi32>
      %swap3A = arith.index_cast %mul3A_449 : i32 to index
      %swap3A_459 = tpu.vector_load %arg10[%swap3A] {strides = array<i32>} : memref<400xi32, #tpu.memory_space<vmem>>, vector<16xi32>,
      %swap3A_460 = vector.shape_cast %swap3A_459 : vector<16xi32> to vector<16xi32>
      %swap3A_461 = vector.shape_cast %add3A_458 : vector<16xi32> to vector<16xi32>
      tpu.vector_store %arg10[%swap3A], %swap3A_461 {strides = array<i32>} : memref<400xi32, #tpu.memory_space<vmem>>, vector<16xi32>,
    }
    %scan3A_228 = arith.constant 25 : i32
    %dma_wait3A_229 = arith.constant 0 : i32
    %dma_wait3A_230 = tpu.memref_slice %arg9[%multiple_of3A_188, %dma_wait3A_229] : memref<102400x128xf32, #tpu.memory_space<hbm>> -> memref<400x128xf32, #tpu.memory_space<hbm>>
    %dma_wait3A_231 = arith.constant 0 : i32
    %dma_wait3A_232 = tpu.memref_slice %arg9[%multiple_of3A_188, %dma_wait3A_231] : memref<102400x128xf32, #tpu.memory_space<hbm>> -> memref<400x128xf32, #tpu.memory_space<hbm>>
    tpu.wait_dma2 semaphore(%arg26 : memref<!tpu.dma_semaphore, #tpu.memory_space<semaphore_mem>>) src(%arg18 : memref<400x128xf32, #tpu.memory_space<vmem>>) dst(%dma_wait3A_232 : memref<400x128xf32, #tpu.memory_space<hbm>>)
    %dma_start3A_233 = arith.constant 0 : i32
    %dma_start3A_234 = arith.constant 0 : i32
    %dma_start3A_235 = tpu.memref_slice %arg2[%dma_start3A_233, %dma_start3A_234] : memref<4617x128xf32, #tpu.memory_space<hbm>> -> memref<4617x128xf32, #tpu.memory_space<hbm>>
    tpu.enqueue_indirect_dma source(%dma_start3A_235 : memref<4617x128xf32, #tpu.memory_space<hbm>>) target(%arg18 : memref<400x128xf32, #tpu.memory_space<vmem>>) offsets(%arg10 : memref<400xi32, #tpu.memory_space<vmem>>) semaphore(%arg22 : memref<!tpu.dma_semaphore, #tpu.memory_space<semaphore_mem>>)
    %dma_wait3A_236 = arith.constant 0 : i32
    %dma_wait3A_237 = arith.constant 0 : i32
    %dma_wait3A_238 = tpu.memref_slice %arg3[%dma_wait3A_236, %dma_wait3A_237] : memref<100001x128xf32, #tpu.memory_space<hbm>> -> memref<100001x128xf32, #tpu.memory_space<hbm>>
    tpu.wait_indirect_dma semaphore(%arg25 : memref<!tpu.dma_semaphore, #tpu.memory_space<semaphore_mem>>) src(%dma_wait3A_238 : memref<100001x128xf32, #tpu.memory_space<hbm>>) dst(%arg19 : memref<400x128xf32, #tpu.memory_space<vmem>>)
    %dma_wait3A_239 = arith.constant 0 : i32
    %dma_wait3A_240 = arith.constant 0 : i32
    %dma_wait3A_241 = tpu.memref_slice %arg4[%dma_wait3A_239, %dma_wait3A_240] : memref<914x128xf32, #tpu.memory_space<hbm>> -> memref<914x128xf32, #tpu.memory_space<hbm>>
    tpu.wait_indirect_dma semaphore(%arg25 : memref<!tpu.dma_semaphore, #tpu.memory_space<semaphore_mem>>) src(%dma_wait3A_241 : memref<914x128xf32, #tpu.memory_space<hbm>>) dst(%arg19 : memref<400x128xf32, #tpu.memory_space<vmem>>)
    %add3A_242 = arith.constant 1200 : i32
    %add3A_243 = arith.addi %mul3A_2, %add3A_242 : i32
    %multiple_of3A_244 = tpu.assume_multiple %add3A_243, 400 : i32
    %dma_start3A_245 = arith.constant 0 : i32
    %dma_start3A_246 = tpu.memref_slice %arg9[%multiple_of3A_244, %dma_start3A_245] : memref<102400x128xf32, #tpu.memory_space<hbm>> -> memref<400x128xf32, #tpu.memory_space<hbm>>
    %dma_start3A_247 = arith.constant 0 : i32
    %dma_start3A_248 = tpu.memref_slice %arg9[%multiple_of3A_244, %dma_start3A_247] : memref<102400x128xf32, #tpu.memory_space<hbm>> -> memref<400x128xf32, #tpu.memory_space<hbm>>
    tpu.enqueue_dma source(%arg19 : memref<400x128xf32, #tpu.memory_space<vmem>>) target(%dma_start3A_248 : memref<400x128xf32, #tpu.memory_space<hbm>>) target_semaphore(%arg27 : memref<!tpu.dma_semaphore, #tpu.memory_space<semaphore_mem>>)
    %add3A_249 = arith.constant 2000 : i32
    %add3A_250 = arith.addi %mul3A_2, %add3A_249 : i32
    %multiple_of3A_251 = tpu.assume_multiple %add3A_250, 400 : i32
    %add3A_252 = arith.constant 0 : i32
    %add3A_253 = arith.addi %add3A_252, %multiple_of3A_251 : i32
    %dma_start3A_254 = tpu.memref_slice %arg5[%add3A_253] : memref<204800xi32, #tpu.memory_space<hbm>> -> memref<400xi32, #tpu.memory_space<hbm>>
    %dma_start3A_255 = tpu.memref_slice %arg5[%add3A_253] : memref<204800xi32, #tpu.memory_space<hbm>> -> memref<400xi32, #tpu.memory_space<hbm>>
    tpu.enqueue_dma source(%dma_start3A_255 : memref<400xi32, #tpu.memory_space<hbm>>) target(%arg11 : memref<400xi32, #tpu.memory_space<vmem>>) target_semaphore(%arg21 : memref<!tpu.dma_semaphore, #tpu.memory_space<semaphore_mem>>)
    %dma_start3A_256 = tpu.memref_slice %arg6[%add3A_253] : memref<204800xi32, #tpu.memory_space<hbm>> -> memref<400xi32, #tpu.memory_space<hbm>>
    %dma_start3A_257 = tpu.memref_slice %arg6[%add3A_253] : memref<204800xi32, #tpu.memory_space<hbm>> -> memref<400xi32, #tpu.memory_space<hbm>>
    tpu.enqueue_dma source(%dma_start3A_257 : memref<400xi32, #tpu.memory_space<hbm>>) target(%arg13 : memref<400xi32, #tpu.memory_space<vmem>>) target_semaphore(%arg21 : memref<!tpu.dma_semaphore, #tpu.memory_space<semaphore_mem>>)
    %dma_start3A_258 = tpu.memref_slice %arg7[%add3A_253] : memref<204800xi32, #tpu.memory_space<hbm>> -> memref<400xi32, #tpu.memory_space<hbm>>
    %dma_start3A_259 = tpu.memref_slice %arg7[%add3A_253] : memref<204800xi32, #tpu.memory_space<hbm>> -> memref<400xi32, #tpu.memory_space<hbm>>
    tpu.enqueue_dma source(%dma_start3A_259 : memref<400xi32, #tpu.memory_space<hbm>>) target(%arg15 : memref<400xi32, #tpu.memory_space<vmem>>) target_semaphore(%arg21 : memref<!tpu.dma_semaphore, #tpu.memory_space<semaphore_mem>>)
    %dma_start3A_260 = tpu.memref_slice %arg8[%add3A_253] : memref<204800xi32, #tpu.memory_space<hbm>> -> memref<400xi32, #tpu.memory_space<hbm>>
    %dma_start3A_261 = tpu.memref_slice %arg8[%add3A_253] : memref<204800xi32, #tpu.memory_space<hbm>> -> memref<400xi32, #tpu.memory_space<hbm>>
    tpu.enqueue_dma source(%dma_start3A_261 : memref<400xi32, #tpu.memory_space<hbm>>) target(%arg17 : memref<400xi32, #tpu.memory_space<vmem>>) target_semaphore(%arg21 : memref<!tpu.dma_semaphore, #tpu.memory_space<semaphore_mem>>)
    %dma_wait3A_262 = arith.constant 0 : i32
    %dma_wait3A_263 = arith.constant 0 : i32
    %dma_wait3A_264 = tpu.memref_slice %arg2[%dma_wait3A_262, %dma_wait3A_263] : memref<4617x128xf32, #tpu.memory_space<hbm>> -> memref<4617x128xf32, #tpu.memory_space<hbm>>
    tpu.wait_indirect_dma semaphore(%arg22 : memref<!tpu.dma_semaphore, #tpu.memory_space<semaphore_mem>>) src(%dma_wait3A_264 : memref<4617x128xf32, #tpu.memory_space<hbm>>) dst(%arg18 : memref<400x128xf32, #tpu.memory_space<vmem>>)
    %dma_start3A_265 = arith.constant 0 : i32
    %dma_start3A_266 = arith.constant 0 : i32
    %dma_start3A_267 = tpu.memref_slice %arg3[%dma_start3A_265, %dma_start3A_266] : memref<100001x128xf32, #tpu.memory_space<hbm>> -> memref<100001x128xf32, #tpu.memory_space<hbm>>
    tpu.enqueue_indirect_dma source(%dma_start3A_267 : memref<100001x128xf32, #tpu.memory_space<hbm>>) target(%arg18 : memref<400x128xf32, #tpu.memory_space<vmem>>) offsets(%arg14 : memref<400xi32, #tpu.memory_space<vmem>>) semaphore(%arg24 : memref<!tpu.dma_semaphore, #tpu.memory_space<semaphore_mem>>) {add = true}
    %dma_start3A_268 = arith.constant 0 : i32
    %dma_start3A_269 = arith.constant 0 : i32
    %dma_start3A_270 = tpu.memref_slice %arg4[%dma_start3A_268, %dma_start3A_269] : memref<914x128xf32, #tpu.memory_space<hbm>> -> memref<914x128xf32, #tpu.memory_space<hbm>>
    tpu.enqueue_indirect_dma source(%dma_start3A_270 : memref<914x128xf32, #tpu.memory_space<hbm>>) target(%arg18 : memref<400x128xf32, #tpu.memory_space<vmem>>) offsets(%arg16 : memref<400xi32, #tpu.memory_space<vmem>>) semaphore(%arg24 : memref<!tpu.dma_semaphore, #tpu.memory_space<semaphore_mem>>) {add = true}
    %dma_wait3A_271 = tpu.memref_slice %arg5[%add3A_253] : memref<204800xi32, #tpu.memory_space<hbm>> -> memref<400xi32, #tpu.memory_space<hbm>>
    %dma_wait3A_272 = tpu.memref_slice %arg5[%add3A_253] : memref<204800xi32, #tpu.memory_space<hbm>> -> memref<400xi32, #tpu.memory_space<hbm>>
    tpu.wait_dma2 semaphore(%arg21 : memref<!tpu.dma_semaphore, #tpu.memory_space<semaphore_mem>>) src(%dma_wait3A_272 : memref<400xi32, #tpu.memory_space<hbm>>) dst(%arg11 : memref<400xi32, #tpu.memory_space<vmem>>)
    %dma_wait3A_273 = tpu.memref_slice %arg6[%add3A_253] : memref<204800xi32, #tpu.memory_space<hbm>> -> memref<400xi32, #tpu.memory_space<hbm>>
    %dma_wait3A_274 = tpu.memref_slice %arg6[%add3A_253] : memref<204800xi32, #tpu.memory_space<hbm>> -> memref<400xi32, #tpu.memory_space<hbm>>
    tpu.wait_dma2 semaphore(%arg21 : memref<!tpu.dma_semaphore, #tpu.memory_space<semaphore_mem>>) src(%dma_wait3A_274 : memref<400xi32, #tpu.memory_space<hbm>>) dst(%arg13 : memref<400xi32, #tpu.memory_space<vmem>>)
    %dma_wait3A_275 = tpu.memref_slice %arg7[%add3A_253] : memref<204800xi32, #tpu.memory_space<hbm>> -> memref<400xi32, #tpu.memory_space<hbm>>
    %dma_wait3A_276 = tpu.memref_slice %arg7[%add3A_253] : memref<204800xi32, #tpu.memory_space<hbm>> -> memref<400xi32, #tpu.memory_space<hbm>>
    tpu.wait_dma2 semaphore(%arg21 : memref<!tpu.dma_semaphore, #tpu.memory_space<semaphore_mem>>) src(%dma_wait3A_276 : memref<400xi32, #tpu.memory_space<hbm>>) dst(%arg15 : memref<400xi32, #tpu.memory_space<vmem>>)
    %dma_wait3A_277 = tpu.memref_slice %arg8[%add3A_253] : memref<204800xi32, #tpu.memory_space<hbm>> -> memref<400xi32, #tpu.memory_space<hbm>>
    %dma_wait3A_278 = tpu.memref_slice %arg8[%add3A_253] : memref<204800xi32, #tpu.memory_space<hbm>> -> memref<400xi32, #tpu.memory_space<hbm>>
    tpu.wait_dma2 semaphore(%arg21 : memref<!tpu.dma_semaphore, #tpu.memory_space<semaphore_mem>>) src(%dma_wait3A_278 : memref<400xi32, #tpu.memory_space<hbm>>) dst(%arg17 : memref<400xi32, #tpu.memory_space<vmem>>)
    %scan3A_279 = arith.constant 0 : i32
    %scan3A_280 = arith.constant 0 : i32
    %scan3A_281 = arith.constant 25 : i32
    %scan3A_282 = arith.addi %scan3A_280, %scan3A_281 : i32
    %scan3A_283 = arith.constant 1 : i32
    scf.for %scan3A_447 = %scan3A_280 to %scan3A_282 step %scan3A_283  : i32 {
      %mul3A_448 = arith.constant 16 : i32
      %mul3A_449 = arith.muli %scan3A_447, %mul3A_448 : i32
      %get3A = arith.index_cast %mul3A_449 : i32 to index
      %get3A_450 = tpu.vector_load %arg11[%get3A] {strides = array<i32>} : memref<400xi32, #tpu.memory_space<vmem>>, vector<16xi32>,
      %get3A_451 = vector.shape_cast %get3A_450 : vector<16xi32> to vector<16xi32>
      %mul3A_452 = arith.constant 3 : i32
      %mul3A_453 = vector.broadcast %mul3A_452 : i32 to vector<16xi32>
      %mul3A_454 = arith.muli %get3A_451, %mul3A_453 : vector<16xi32>
      %get3A_455 = arith.index_cast %mul3A_449 : i32 to index
      %get3A_456 = tpu.vector_load %arg13[%get3A_455] {strides = array<i32>} : memref<400xi32, #tpu.memory_space<vmem>>, vector<16xi32>,
      %get3A_457 = vector.shape_cast %get3A_456 : vector<16xi32> to vector<16xi32>
      %add3A_458 = arith.addi %mul3A_454, %get3A_457 : vector<16xi32>
      %swap3A = arith.index_cast %mul3A_449 : i32 to index
      %swap3A_459 = tpu.vector_load %arg11[%swap3A] {strides = array<i32>} : memref<400xi32, #tpu.memory_space<vmem>>, vector<16xi32>,
      %swap3A_460 = vector.shape_cast %swap3A_459 : vector<16xi32> to vector<16xi32>
      %swap3A_461 = vector.shape_cast %add3A_458 : vector<16xi32> to vector<16xi32>
      tpu.vector_store %arg11[%swap3A], %swap3A_461 {strides = array<i32>} : memref<400xi32, #tpu.memory_space<vmem>>, vector<16xi32>,
    }
    %scan3A_284 = arith.constant 25 : i32
    %dma_wait3A_285 = arith.constant 0 : i32
    %dma_wait3A_286 = tpu.memref_slice %arg9[%multiple_of3A_244, %dma_wait3A_285] : memref<102400x128xf32, #tpu.memory_space<hbm>> -> memref<400x128xf32, #tpu.memory_space<hbm>>
    %dma_wait3A_287 = arith.constant 0 : i32
    %dma_wait3A_288 = tpu.memref_slice %arg9[%multiple_of3A_244, %dma_wait3A_287] : memref<102400x128xf32, #tpu.memory_space<hbm>> -> memref<400x128xf32, #tpu.memory_space<hbm>>
    tpu.wait_dma2 semaphore(%arg27 : memref<!tpu.dma_semaphore, #tpu.memory_space<semaphore_mem>>) src(%arg19 : memref<400x128xf32, #tpu.memory_space<vmem>>) dst(%dma_wait3A_288 : memref<400x128xf32, #tpu.memory_space<hbm>>)
    %dma_start3A_289 = arith.constant 0 : i32
    %dma_start3A_290 = arith.constant 0 : i32
    %dma_start3A_291 = tpu.memref_slice %arg2[%dma_start3A_289, %dma_start3A_290] : memref<4617x128xf32, #tpu.memory_space<hbm>> -> memref<4617x128xf32, #tpu.memory_space<hbm>>
    tpu.enqueue_indirect_dma source(%dma_start3A_291 : memref<4617x128xf32, #tpu.memory_space<hbm>>) target(%arg19 : memref<400x128xf32, #tpu.memory_space<vmem>>) offsets(%arg11 : memref<400xi32, #tpu.memory_space<vmem>>) semaphore(%arg23 : memref<!tpu.dma_semaphore, #tpu.memory_space<semaphore_mem>>)
    %dma_wait3A_292 = arith.constant 0 : i32
    %dma_wait3A_293 = arith.constant 0 : i32
    %dma_wait3A_294 = tpu.memref_slice %arg3[%dma_wait3A_292, %dma_wait3A_293] : memref<100001x128xf32, #tpu.memory_space<hbm>> -> memref<100001x128xf32, #tpu.memory_space<hbm>>
    tpu.wait_indirect_dma semaphore(%arg24 : memref<!tpu.dma_semaphore, #tpu.memory_space<semaphore_mem>>) src(%dma_wait3A_294 : memref<100001x128xf32, #tpu.memory_space<hbm>>) dst(%arg18 : memref<400x128xf32, #tpu.memory_space<vmem>>)
    %dma_wait3A_295 = arith.constant 0 : i32
    %dma_wait3A_296 = arith.constant 0 : i32
    %dma_wait3A_297 = tpu.memref_slice %arg4[%dma_wait3A_295, %dma_wait3A_296] : memref<914x128xf32, #tpu.memory_space<hbm>> -> memref<914x128xf32, #tpu.memory_space<hbm>>
    tpu.wait_indirect_dma semaphore(%arg24 : memref<!tpu.dma_semaphore, #tpu.memory_space<semaphore_mem>>) src(%dma_wait3A_297 : memref<914x128xf32, #tpu.memory_space<hbm>>) dst(%arg18 : memref<400x128xf32, #tpu.memory_space<vmem>>)
    %add3A_298 = arith.constant 1600 : i32
    %add3A_299 = arith.addi %mul3A_2, %add3A_298 : i32
    %multiple_of3A_300 = tpu.assume_multiple %add3A_299, 400 : i32
    %dma_start3A_301 = arith.constant 0 : i32
    %dma_start3A_302 = tpu.memref_slice %arg9[%multiple_of3A_300, %dma_start3A_301] : memref<102400x128xf32, #tpu.memory_space<hbm>> -> memref<400x128xf32, #tpu.memory_space<hbm>>
    %dma_start3A_303 = arith.constant 0 : i32
    %dma_start3A_304 = tpu.memref_slice %arg9[%multiple_of3A_300, %dma_start3A_303] : memref<102400x128xf32, #tpu.memory_space<hbm>> -> memref<400x128xf32, #tpu.memory_space<hbm>>
    tpu.enqueue_dma source(%arg18 : memref<400x128xf32, #tpu.memory_space<vmem>>) target(%dma_start3A_304 : memref<400x128xf32, #tpu.memory_space<hbm>>) target_semaphore(%arg26 : memref<!tpu.dma_semaphore, #tpu.memory_space<semaphore_mem>>)
    %add3A_305 = arith.constant 2400 : i32
    %add3A_306 = arith.addi %mul3A_2, %add3A_305 : i32
    %multiple_of3A_307 = tpu.assume_multiple %add3A_306, 400 : i32
    %add3A_308 = arith.constant 0 : i32
    %add3A_309 = arith.addi %add3A_308, %multiple_of3A_307 : i32
    %dma_start3A_310 = tpu.memref_slice %arg5[%add3A_309] : memref<204800xi32, #tpu.memory_space<hbm>> -> memref<400xi32, #tpu.memory_space<hbm>>
    %dma_start3A_311 = tpu.memref_slice %arg5[%add3A_309] : memref<204800xi32, #tpu.memory_space<hbm>> -> memref<400xi32, #tpu.memory_space<hbm>>
    tpu.enqueue_dma source(%dma_start3A_311 : memref<400xi32, #tpu.memory_space<hbm>>) target(%arg10 : memref<400xi32, #tpu.memory_space<vmem>>) target_semaphore(%arg20 : memref<!tpu.dma_semaphore, #tpu.memory_space<semaphore_mem>>)
    %dma_start3A_312 = tpu.memref_slice %arg6[%add3A_309] : memref<204800xi32, #tpu.memory_space<hbm>> -> memref<400xi32, #tpu.memory_space<hbm>>
    %dma_start3A_313 = tpu.memref_slice %arg6[%add3A_309] : memref<204800xi32, #tpu.memory_space<hbm>> -> memref<400xi32, #tpu.memory_space<hbm>>
    tpu.enqueue_dma source(%dma_start3A_313 : memref<400xi32, #tpu.memory_space<hbm>>) target(%arg12 : memref<400xi32, #tpu.memory_space<vmem>>) target_semaphore(%arg20 : memref<!tpu.dma_semaphore, #tpu.memory_space<semaphore_mem>>)
    %dma_start3A_314 = tpu.memref_slice %arg7[%add3A_309] : memref<204800xi32, #tpu.memory_space<hbm>> -> memref<400xi32, #tpu.memory_space<hbm>>
    %dma_start3A_315 = tpu.memref_slice %arg7[%add3A_309] : memref<204800xi32, #tpu.memory_space<hbm>> -> memref<400xi32, #tpu.memory_space<hbm>>
    tpu.enqueue_dma source(%dma_start3A_315 : memref<400xi32, #tpu.memory_space<hbm>>) target(%arg14 : memref<400xi32, #tpu.memory_space<vmem>>) target_semaphore(%arg20 : memref<!tpu.dma_semaphore, #tpu.memory_space<semaphore_mem>>)
    %dma_start3A_316 = tpu.memref_slice %arg8[%add3A_309] : memref<204800xi32, #tpu.memory_space<hbm>> -> memref<400xi32, #tpu.memory_space<hbm>>
    %dma_start3A_317 = tpu.memref_slice %arg8[%add3A_309] : memref<204800xi32, #tpu.memory_space<hbm>> -> memref<400xi32, #tpu.memory_space<hbm>>
    tpu.enqueue_dma source(%dma_start3A_317 : memref<400xi32, #tpu.memory_space<hbm>>) target(%arg16 : memref<400xi32, #tpu.memory_space<vmem>>) target_semaphore(%arg20 : memref<!tpu.dma_semaphore, #tpu.memory_space<semaphore_mem>>)
    %dma_wait3A_318 = arith.constant 0 : i32
    %dma_wait3A_319 = arith.constant 0 : i32
    %dma_wait3A_320 = tpu.memref_slice %arg2[%dma_wait3A_318, %dma_wait3A_319] : memref<4617x128xf32, #tpu.memory_space<hbm>> -> memref<4617x128xf32, #tpu.memory_space<hbm>>
    tpu.wait_indirect_dma semaphore(%arg23 : memref<!tpu.dma_semaphore, #tpu.memory_space<semaphore_mem>>) src(%dma_wait3A_320 : memref<4617x128xf32, #tpu.memory_space<hbm>>) dst(%arg19 : memref<400x128xf32, #tpu.memory_space<vmem>>)
    %dma_start3A_321 = arith.constant 0 : i32
    %dma_start3A_322 = arith.constant 0 : i32
    %dma_start3A_323 = tpu.memref_slice %arg3[%dma_start3A_321, %dma_start3A_322] : memref<100001x128xf32, #tpu.memory_space<hbm>> -> memref<100001x128xf32, #tpu.memory_space<hbm>>
    tpu.enqueue_indirect_dma source(%dma_start3A_323 : memref<100001x128xf32, #tpu.memory_space<hbm>>) target(%arg19 : memref<400x128xf32, #tpu.memory_space<vmem>>) offsets(%arg15 : memref<400xi32, #tpu.memory_space<vmem>>) semaphore(%arg25 : memref<!tpu.dma_semaphore, #tpu.memory_space<semaphore_mem>>) {add = true}
    %dma_start3A_324 = arith.constant 0 : i32
    %dma_start3A_325 = arith.constant 0 : i32
    %dma_start3A_326 = tpu.memref_slice %arg4[%dma_start3A_324, %dma_start3A_325] : memref<914x128xf32, #tpu.memory_space<hbm>> -> memref<914x128xf32, #tpu.memory_space<hbm>>
    tpu.enqueue_indirect_dma source(%dma_start3A_326 : memref<914x128xf32, #tpu.memory_space<hbm>>) target(%arg19 : memref<400x128xf32, #tpu.memory_space<vmem>>) offsets(%arg17 : memref<400xi32, #tpu.memory_space<vmem>>) semaphore(%arg25 : memref<!tpu.dma_semaphore, #tpu.memory_space<semaphore_mem>>) {add = true}
    %dma_wait3A_327 = tpu.memref_slice %arg5[%add3A_309] : memref<204800xi32, #tpu.memory_space<hbm>> -> memref<400xi32, #tpu.memory_space<hbm>>
    %dma_wait3A_328 = tpu.memref_slice %arg5[%add3A_309] : memref<204800xi32, #tpu.memory_space<hbm>> -> memref<400xi32, #tpu.memory_space<hbm>>
    tpu.wait_dma2 semaphore(%arg20 : memref<!tpu.dma_semaphore, #tpu.memory_space<semaphore_mem>>) src(%dma_wait3A_328 : memref<400xi32, #tpu.memory_space<hbm>>) dst(%arg10 : memref<400xi32, #tpu.memory_space<vmem>>)
    %dma_wait3A_329 = tpu.memref_slice %arg6[%add3A_309] : memref<204800xi32, #tpu.memory_space<hbm>> -> memref<400xi32, #tpu.memory_space<hbm>>
    %dma_wait3A_330 = tpu.memref_slice %arg6[%add3A_309] : memref<204800xi32, #tpu.memory_space<hbm>> -> memref<400xi32, #tpu.memory_space<hbm>>
    tpu.wait_dma2 semaphore(%arg20 : memref<!tpu.dma_semaphore, #tpu.memory_space<semaphore_mem>>) src(%dma_wait3A_330 : memref<400xi32, #tpu.memory_space<hbm>>) dst(%arg12 : memref<400xi32, #tpu.memory_space<vmem>>)
    %dma_wait3A_331 = tpu.memref_slice %arg7[%add3A_309] : memref<204800xi32, #tpu.memory_space<hbm>> -> memref<400xi32, #tpu.memory_space<hbm>>
    %dma_wait3A_332 = tpu.memref_slice %arg7[%add3A_309] : memref<204800xi32, #tpu.memory_space<hbm>> -> memref<400xi32, #tpu.memory_space<hbm>>
    tpu.wait_dma2 semaphore(%arg20 : memref<!tpu.dma_semaphore, #tpu.memory_space<semaphore_mem>>) src(%dma_wait3A_332 : memref<400xi32, #tpu.memory_space<hbm>>) dst(%arg14 : memref<400xi32, #tpu.memory_space<vmem>>)
    %dma_wait3A_333 = tpu.memref_slice %arg8[%add3A_309] : memref<204800xi32, #tpu.memory_space<hbm>> -> memref<400xi32, #tpu.memory_space<hbm>>
    %dma_wait3A_334 = tpu.memref_slice %arg8[%add3A_309] : memref<204800xi32, #tpu.memory_space<hbm>> -> memref<400xi32, #tpu.memory_space<hbm>>
    tpu.wait_dma2 semaphore(%arg20 : memref<!tpu.dma_semaphore, #tpu.memory_space<semaphore_mem>>) src(%dma_wait3A_334 : memref<400xi32, #tpu.memory_space<hbm>>) dst(%arg16 : memref<400xi32, #tpu.memory_space<vmem>>)
    %scan3A_335 = arith.constant 0 : i32
    %scan3A_336 = arith.constant 0 : i32
    %scan3A_337 = arith.constant 25 : i32
    %scan3A_338 = arith.addi %scan3A_336, %scan3A_337 : i32
    %scan3A_339 = arith.constant 1 : i32
    scf.for %scan3A_447 = %scan3A_336 to %scan3A_338 step %scan3A_339  : i32 {
      %mul3A_448 = arith.constant 16 : i32
      %mul3A_449 = arith.muli %scan3A_447, %mul3A_448 : i32
      %get3A = arith.index_cast %mul3A_449 : i32 to index
      %get3A_450 = tpu.vector_load %arg10[%get3A] {strides = array<i32>} : memref<400xi32, #tpu.memory_space<vmem>>, vector<16xi32>,
      %get3A_451 = vector.shape_cast %get3A_450 : vector<16xi32> to vector<16xi32>
      %mul3A_452 = arith.constant 3 : i32
      %mul3A_453 = vector.broadcast %mul3A_452 : i32 to vector<16xi32>
      %mul3A_454 = arith.muli %get3A_451, %mul3A_453 : vector<16xi32>
      %get3A_455 = arith.index_cast %mul3A_449 : i32 to index
      %get3A_456 = tpu.vector_load %arg12[%get3A_455] {strides = array<i32>} : memref<400xi32, #tpu.memory_space<vmem>>, vector<16xi32>,
      %get3A_457 = vector.shape_cast %get3A_456 : vector<16xi32> to vector<16xi32>
      %add3A_458 = arith.addi %mul3A_454, %get3A_457 : vector<16xi32>
      %swap3A = arith.index_cast %mul3A_449 : i32 to index
      %swap3A_459 = tpu.vector_load %arg10[%swap3A] {strides = array<i32>} : memref<400xi32, #tpu.memory_space<vmem>>, vector<16xi32>,
      %swap3A_460 = vector.shape_cast %swap3A_459 : vector<16xi32> to vector<16xi32>
      %swap3A_461 = vector.shape_cast %add3A_458 : vector<16xi32> to vector<16xi32>
      tpu.vector_store %arg10[%swap3A], %swap3A_461 {strides = array<i32>} : memref<400xi32, #tpu.memory_space<vmem>>, vector<16xi32>,
    }
    %scan3A_340 = arith.constant 25 : i32
    %dma_wait3A_341 = arith.constant 0 : i32
    %dma_wait3A_342 = tpu.memref_slice %arg9[%multiple_of3A_300, %dma_wait3A_341] : memref<102400x128xf32, #tpu.memory_space<hbm>> -> memref<400x128xf32, #tpu.memory_space<hbm>>
    %dma_wait3A_343 = arith.constant 0 : i32
    %dma_wait3A_344 = tpu.memref_slice %arg9[%multiple_of3A_300, %dma_wait3A_343] : memref<102400x128xf32, #tpu.memory_space<hbm>> -> memref<400x128xf32, #tpu.memory_space<hbm>>
    tpu.wait_dma2 semaphore(%arg26 : memref<!tpu.dma_semaphore, #tpu.memory_space<semaphore_mem>>) src(%arg18 : memref<400x128xf32, #tpu.memory_space<vmem>>) dst(%dma_wait3A_344 : memref<400x128xf32, #tpu.memory_space<hbm>>)
    %dma_start3A_345 = arith.constant 0 : i32
    %dma_start3A_346 = arith.constant 0 : i32
    %dma_start3A_347 = tpu.memref_slice %arg2[%dma_start3A_345, %dma_start3A_346] : memref<4617x128xf32, #tpu.memory_space<hbm>> -> memref<4617x128xf32, #tpu.memory_space<hbm>>
    tpu.enqueue_indirect_dma source(%dma_start3A_347 : memref<4617x128xf32, #tpu.memory_space<hbm>>) target(%arg18 : memref<400x128xf32, #tpu.memory_space<vmem>>) offsets(%arg10 : memref<400xi32, #tpu.memory_space<vmem>>) semaphore(%arg22 : memref<!tpu.dma_semaphore, #tpu.memory_space<semaphore_mem>>)
    %dma_wait3A_348 = arith.constant 0 : i32
    %dma_wait3A_349 = arith.constant 0 : i32
    %dma_wait3A_350 = tpu.memref_slice %arg3[%dma_wait3A_348, %dma_wait3A_349] : memref<100001x128xf32, #tpu.memory_space<hbm>> -> memref<100001x128xf32, #tpu.memory_space<hbm>>
    tpu.wait_indirect_dma semaphore(%arg25 : memref<!tpu.dma_semaphore, #tpu.memory_space<semaphore_mem>>) src(%dma_wait3A_350 : memref<100001x128xf32, #tpu.memory_space<hbm>>) dst(%arg19 : memref<400x128xf32, #tpu.memory_space<vmem>>)
    %dma_wait3A_351 = arith.constant 0 : i32
    %dma_wait3A_352 = arith.constant 0 : i32
    %dma_wait3A_353 = tpu.memref_slice %arg4[%dma_wait3A_351, %dma_wait3A_352] : memref<914x128xf32, #tpu.memory_space<hbm>> -> memref<914x128xf32, #tpu.memory_space<hbm>>
    tpu.wait_indirect_dma semaphore(%arg25 : memref<!tpu.dma_semaphore, #tpu.memory_space<semaphore_mem>>) src(%dma_wait3A_353 : memref<914x128xf32, #tpu.memory_space<hbm>>) dst(%arg19 : memref<400x128xf32, #tpu.memory_space<vmem>>)
    %add3A_354 = arith.constant 2000 : i32
    %add3A_355 = arith.addi %mul3A_2, %add3A_354 : i32
    %multiple_of3A_356 = tpu.assume_multiple %add3A_355, 400 : i32
    %dma_start3A_357 = arith.constant 0 : i32
    %dma_start3A_358 = tpu.memref_slice %arg9[%multiple_of3A_356, %dma_start3A_357] : memref<102400x128xf32, #tpu.memory_space<hbm>> -> memref<400x128xf32, #tpu.memory_space<hbm>>
    %dma_start3A_359 = arith.constant 0 : i32
    %dma_start3A_360 = tpu.memref_slice %arg9[%multiple_of3A_356, %dma_start3A_359] : memref<102400x128xf32, #tpu.memory_space<hbm>> -> memref<400x128xf32, #tpu.memory_space<hbm>>
    tpu.enqueue_dma source(%arg19 : memref<400x128xf32, #tpu.memory_space<vmem>>) target(%dma_start3A_360 : memref<400x128xf32, #tpu.memory_space<hbm>>) target_semaphore(%arg27 : memref<!tpu.dma_semaphore, #tpu.memory_space<semaphore_mem>>)
    %add3A_361 = arith.constant 2800 : i32
    %add3A_362 = arith.addi %mul3A_2, %add3A_361 : i32
    %multiple_of3A_363 = tpu.assume_multiple %add3A_362, 400 : i32
    %add3A_364 = arith.constant 0 : i32
    %add3A_365 = arith.addi %add3A_364, %multiple_of3A_363 : i32
    %dma_start3A_366 = tpu.memref_slice %arg5[%add3A_365] : memref<204800xi32, #tpu.memory_space<hbm>> -> memref<400xi32, #tpu.memory_space<hbm>>
    %dma_start3A_367 = tpu.memref_slice %arg5[%add3A_365] : memref<204800xi32, #tpu.memory_space<hbm>> -> memref<400xi32, #tpu.memory_space<hbm>>
    tpu.enqueue_dma source(%dma_start3A_367 : memref<400xi32, #tpu.memory_space<hbm>>) target(%arg11 : memref<400xi32, #tpu.memory_space<vmem>>) target_semaphore(%arg21 : memref<!tpu.dma_semaphore, #tpu.memory_space<semaphore_mem>>)
    %dma_start3A_368 = tpu.memref_slice %arg6[%add3A_365] : memref<204800xi32, #tpu.memory_space<hbm>> -> memref<400xi32, #tpu.memory_space<hbm>>
    %dma_start3A_369 = tpu.memref_slice %arg6[%add3A_365] : memref<204800xi32, #tpu.memory_space<hbm>> -> memref<400xi32, #tpu.memory_space<hbm>>
    tpu.enqueue_dma source(%dma_start3A_369 : memref<400xi32, #tpu.memory_space<hbm>>) target(%arg13 : memref<400xi32, #tpu.memory_space<vmem>>) target_semaphore(%arg21 : memref<!tpu.dma_semaphore, #tpu.memory_space<semaphore_mem>>)
    %dma_start3A_370 = tpu.memref_slice %arg7[%add3A_365] : memref<204800xi32, #tpu.memory_space<hbm>> -> memref<400xi32, #tpu.memory_space<hbm>>
    %dma_start3A_371 = tpu.memref_slice %arg7[%add3A_365] : memref<204800xi32, #tpu.memory_space<hbm>> -> memref<400xi32, #tpu.memory_space<hbm>>
    tpu.enqueue_dma source(%dma_start3A_371 : memref<400xi32, #tpu.memory_space<hbm>>) target(%arg15 : memref<400xi32, #tpu.memory_space<vmem>>) target_semaphore(%arg21 : memref<!tpu.dma_semaphore, #tpu.memory_space<semaphore_mem>>)
    %dma_start3A_372 = tpu.memref_slice %arg8[%add3A_365] : memref<204800xi32, #tpu.memory_space<hbm>> -> memref<400xi32, #tpu.memory_space<hbm>>
    %dma_start3A_373 = tpu.memref_slice %arg8[%add3A_365] : memref<204800xi32, #tpu.memory_space<hbm>> -> memref<400xi32, #tpu.memory_space<hbm>>
    tpu.enqueue_dma source(%dma_start3A_373 : memref<400xi32, #tpu.memory_space<hbm>>) target(%arg17 : memref<400xi32, #tpu.memory_space<vmem>>) target_semaphore(%arg21 : memref<!tpu.dma_semaphore, #tpu.memory_space<semaphore_mem>>)
    %dma_wait3A_374 = arith.constant 0 : i32
    %dma_wait3A_375 = arith.constant 0 : i32
    %dma_wait3A_376 = tpu.memref_slice %arg2[%dma_wait3A_374, %dma_wait3A_375] : memref<4617x128xf32, #tpu.memory_space<hbm>> -> memref<4617x128xf32, #tpu.memory_space<hbm>>
    tpu.wait_indirect_dma semaphore(%arg22 : memref<!tpu.dma_semaphore, #tpu.memory_space<semaphore_mem>>) src(%dma_wait3A_376 : memref<4617x128xf32, #tpu.memory_space<hbm>>) dst(%arg18 : memref<400x128xf32, #tpu.memory_space<vmem>>)
    %dma_start3A_377 = arith.constant 0 : i32
    %dma_start3A_378 = arith.constant 0 : i32
    %dma_start3A_379 = tpu.memref_slice %arg3[%dma_start3A_377, %dma_start3A_378] : memref<100001x128xf32, #tpu.memory_space<hbm>> -> memref<100001x128xf32, #tpu.memory_space<hbm>>
    tpu.enqueue_indirect_dma source(%dma_start3A_379 : memref<100001x128xf32, #tpu.memory_space<hbm>>) target(%arg18 : memref<400x128xf32, #tpu.memory_space<vmem>>) offsets(%arg14 : memref<400xi32, #tpu.memory_space<vmem>>) semaphore(%arg24 : memref<!tpu.dma_semaphore, #tpu.memory_space<semaphore_mem>>) {add = true}
    %dma_start3A_380 = arith.constant 0 : i32
    %dma_start3A_381 = arith.constant 0 : i32
    %dma_start3A_382 = tpu.memref_slice %arg4[%dma_start3A_380, %dma_start3A_381] : memref<914x128xf32, #tpu.memory_space<hbm>> -> memref<914x128xf32, #tpu.memory_space<hbm>>
    tpu.enqueue_indirect_dma source(%dma_start3A_382 : memref<914x128xf32, #tpu.memory_space<hbm>>) target(%arg18 : memref<400x128xf32, #tpu.memory_space<vmem>>) offsets(%arg16 : memref<400xi32, #tpu.memory_space<vmem>>) semaphore(%arg24 : memref<!tpu.dma_semaphore, #tpu.memory_space<semaphore_mem>>) {add = true}
    %dma_wait3A_383 = tpu.memref_slice %arg5[%add3A_365] : memref<204800xi32, #tpu.memory_space<hbm>> -> memref<400xi32, #tpu.memory_space<hbm>>
    %dma_wait3A_384 = tpu.memref_slice %arg5[%add3A_365] : memref<204800xi32, #tpu.memory_space<hbm>> -> memref<400xi32, #tpu.memory_space<hbm>>
    tpu.wait_dma2 semaphore(%arg21 : memref<!tpu.dma_semaphore, #tpu.memory_space<semaphore_mem>>) src(%dma_wait3A_384 : memref<400xi32, #tpu.memory_space<hbm>>) dst(%arg11 : memref<400xi32, #tpu.memory_space<vmem>>)
    %dma_wait3A_385 = tpu.memref_slice %arg6[%add3A_365] : memref<204800xi32, #tpu.memory_space<hbm>> -> memref<400xi32, #tpu.memory_space<hbm>>
    %dma_wait3A_386 = tpu.memref_slice %arg6[%add3A_365] : memref<204800xi32, #tpu.memory_space<hbm>> -> memref<400xi32, #tpu.memory_space<hbm>>
    tpu.wait_dma2 semaphore(%arg21 : memref<!tpu.dma_semaphore, #tpu.memory_space<semaphore_mem>>) src(%dma_wait3A_386 : memref<400xi32, #tpu.memory_space<hbm>>) dst(%arg13 : memref<400xi32, #tpu.memory_space<vmem>>)
    %dma_wait3A_387 = tpu.memref_slice %arg7[%add3A_365] : memref<204800xi32, #tpu.memory_space<hbm>> -> memref<400xi32, #tpu.memory_space<hbm>>
    %dma_wait3A_388 = tpu.memref_slice %arg7[%add3A_365] : memref<204800xi32, #tpu.memory_space<hbm>> -> memref<400xi32, #tpu.memory_space<hbm>>
    tpu.wait_dma2 semaphore(%arg21 : memref<!tpu.dma_semaphore, #tpu.memory_space<semaphore_mem>>) src(%dma_wait3A_388 : memref<400xi32, #tpu.memory_space<hbm>>) dst(%arg15 : memref<400xi32, #tpu.memory_space<vmem>>)
    %dma_wait3A_389 = tpu.memref_slice %arg8[%add3A_365] : memref<204800xi32, #tpu.memory_space<hbm>> -> memref<400xi32, #tpu.memory_space<hbm>>
    %dma_wait3A_390 = tpu.memref_slice %arg8[%add3A_365] : memref<204800xi32, #tpu.memory_space<hbm>> -> memref<400xi32, #tpu.memory_space<hbm>>
    tpu.wait_dma2 semaphore(%arg21 : memref<!tpu.dma_semaphore, #tpu.memory_space<semaphore_mem>>) src(%dma_wait3A_390 : memref<400xi32, #tpu.memory_space<hbm>>) dst(%arg17 : memref<400xi32, #tpu.memory_space<vmem>>)
    %scan3A_391 = arith.constant 0 : i32
    %scan3A_392 = arith.constant 0 : i32
    %scan3A_393 = arith.constant 25 : i32
    %scan3A_394 = arith.addi %scan3A_392, %scan3A_393 : i32
    %scan3A_395 = arith.constant 1 : i32
    scf.for %scan3A_447 = %scan3A_392 to %scan3A_394 step %scan3A_395  : i32 {
      %mul3A_448 = arith.constant 16 : i32
      %mul3A_449 = arith.muli %scan3A_447, %mul3A_448 : i32
      %get3A = arith.index_cast %mul3A_449 : i32 to index
      %get3A_450 = tpu.vector_load %arg11[%get3A] {strides = array<i32>} : memref<400xi32, #tpu.memory_space<vmem>>, vector<16xi32>,
      %get3A_451 = vector.shape_cast %get3A_450 : vector<16xi32> to vector<16xi32>
      %mul3A_452 = arith.constant 3 : i32
      %mul3A_453 = vector.broadcast %mul3A_452 : i32 to vector<16xi32>
      %mul3A_454 = arith.muli %get3A_451, %mul3A_453 : vector<16xi32>
      %get3A_455 = arith.index_cast %mul3A_449 : i32 to index
      %get3A_456 = tpu.vector_load %arg13[%get3A_455] {strides = array<i32>} : memref<400xi32, #tpu.memory_space<vmem>>, vector<16xi32>,
      %get3A_457 = vector.shape_cast %get3A_456 : vector<16xi32> to vector<16xi32>
      %add3A_458 = arith.addi %mul3A_454, %get3A_457 : vector<16xi32>
      %swap3A = arith.index_cast %mul3A_449 : i32 to index
      %swap3A_459 = tpu.vector_load %arg11[%swap3A] {strides = array<i32>} : memref<400xi32, #tpu.memory_space<vmem>>, vector<16xi32>,
      %swap3A_460 = vector.shape_cast %swap3A_459 : vector<16xi32> to vector<16xi32>
      %swap3A_461 = vector.shape_cast %add3A_458 : vector<16xi32> to vector<16xi32>
      tpu.vector_store %arg11[%swap3A], %swap3A_461 {strides = array<i32>} : memref<400xi32, #tpu.memory_space<vmem>>, vector<16xi32>,
    }
    %scan3A_396 = arith.constant 25 : i32
    %dma_wait3A_397 = arith.constant 0 : i32
    %dma_wait3A_398 = tpu.memref_slice %arg9[%multiple_of3A_356, %dma_wait3A_397] : memref<102400x128xf32, #tpu.memory_space<hbm>> -> memref<400x128xf32, #tpu.memory_space<hbm>>
    %dma_wait3A_399 = arith.constant 0 : i32
    %dma_wait3A_400 = tpu.memref_slice %arg9[%multiple_of3A_356, %dma_wait3A_399] : memref<102400x128xf32, #tpu.memory_space<hbm>> -> memref<400x128xf32, #tpu.memory_space<hbm>>
    tpu.wait_dma2 semaphore(%arg27 : memref<!tpu.dma_semaphore, #tpu.memory_space<semaphore_mem>>) src(%arg19 : memref<400x128xf32, #tpu.memory_space<vmem>>) dst(%dma_wait3A_400 : memref<400x128xf32, #tpu.memory_space<hbm>>)
    %dma_start3A_401 = arith.constant 0 : i32
    %dma_start3A_402 = arith.constant 0 : i32
    %dma_start3A_403 = tpu.memref_slice %arg2[%dma_start3A_401, %dma_start3A_402] : memref<4617x128xf32, #tpu.memory_space<hbm>> -> memref<4617x128xf32, #tpu.memory_space<hbm>>
    tpu.enqueue_indirect_dma source(%dma_start3A_403 : memref<4617x128xf32, #tpu.memory_space<hbm>>) target(%arg19 : memref<400x128xf32, #tpu.memory_space<vmem>>) offsets(%arg11 : memref<400xi32, #tpu.memory_space<vmem>>) semaphore(%arg23 : memref<!tpu.dma_semaphore, #tpu.memory_space<semaphore_mem>>)
    %dma_wait3A_404 = arith.constant 0 : i32
    %dma_wait3A_405 = arith.constant 0 : i32
    %dma_wait3A_406 = tpu.memref_slice %arg3[%dma_wait3A_404, %dma_wait3A_405] : memref<100001x128xf32, #tpu.memory_space<hbm>> -> memref<100001x128xf32, #tpu.memory_space<hbm>>
    tpu.wait_indirect_dma semaphore(%arg24 : memref<!tpu.dma_semaphore, #tpu.memory_space<semaphore_mem>>) src(%dma_wait3A_406 : memref<100001x128xf32, #tpu.memory_space<hbm>>) dst(%arg18 : memref<400x128xf32, #tpu.memory_space<vmem>>)
    %dma_wait3A_407 = arith.constant 0 : i32
    %dma_wait3A_408 = arith.constant 0 : i32
    %dma_wait3A_409 = tpu.memref_slice %arg4[%dma_wait3A_407, %dma_wait3A_408] : memref<914x128xf32, #tpu.memory_space<hbm>> -> memref<914x128xf32, #tpu.memory_space<hbm>>
    tpu.wait_indirect_dma semaphore(%arg24 : memref<!tpu.dma_semaphore, #tpu.memory_space<semaphore_mem>>) src(%dma_wait3A_409 : memref<914x128xf32, #tpu.memory_space<hbm>>) dst(%arg18 : memref<400x128xf32, #tpu.memory_space<vmem>>)
    %add3A_410 = arith.constant 2400 : i32
    %add3A_411 = arith.addi %mul3A_2, %add3A_410 : i32
    %multiple_of3A_412 = tpu.assume_multiple %add3A_411, 400 : i32
    %dma_start3A_413 = arith.constant 0 : i32
    %dma_start3A_414 = tpu.memref_slice %arg9[%multiple_of3A_412, %dma_start3A_413] : memref<102400x128xf32, #tpu.memory_space<hbm>> -> memref<400x128xf32, #tpu.memory_space<hbm>>
    %dma_start3A_415 = arith.constant 0 : i32
    %dma_start3A_416 = tpu.memref_slice %arg9[%multiple_of3A_412, %dma_start3A_415] : memref<102400x128xf32, #tpu.memory_space<hbm>> -> memref<400x128xf32, #tpu.memory_space<hbm>>
    tpu.enqueue_dma source(%arg18 : memref<400x128xf32, #tpu.memory_space<vmem>>) target(%dma_start3A_416 : memref<400x128xf32, #tpu.memory_space<hbm>>) target_semaphore(%arg26 : memref<!tpu.dma_semaphore, #tpu.memory_space<semaphore_mem>>)
    %dma_wait3A_417 = arith.constant 0 : i32
    %dma_wait3A_418 = arith.constant 0 : i32
    %dma_wait3A_419 = tpu.memref_slice %arg2[%dma_wait3A_417, %dma_wait3A_418] : memref<4617x128xf32, #tpu.memory_space<hbm>> -> memref<4617x128xf32, #tpu.memory_space<hbm>>
    tpu.wait_indirect_dma semaphore(%arg23 : memref<!tpu.dma_semaphore, #tpu.memory_space<semaphore_mem>>) src(%dma_wait3A_419 : memref<4617x128xf32, #tpu.memory_space<hbm>>) dst(%arg19 : memref<400x128xf32, #tpu.memory_space<vmem>>)
    %dma_start3A_420 = arith.constant 0 : i32
    %dma_start3A_421 = arith.constant 0 : i32
    %dma_start3A_422 = tpu.memref_slice %arg3[%dma_start3A_420, %dma_start3A_421] : memref<100001x128xf32, #tpu.memory_space<hbm>> -> memref<100001x128xf32, #tpu.memory_space<hbm>>
    tpu.enqueue_indirect_dma source(%dma_start3A_422 : memref<100001x128xf32, #tpu.memory_space<hbm>>) target(%arg19 : memref<400x128xf32, #tpu.memory_space<vmem>>) offsets(%arg15 : memref<400xi32, #tpu.memory_space<vmem>>) semaphore(%arg25 : memref<!tpu.dma_semaphore, #tpu.memory_space<semaphore_mem>>) {add = true}
    %dma_start3A_423 = arith.constant 0 : i32
    %dma_start3A_424 = arith.constant 0 : i32
    %dma_start3A_425 = tpu.memref_slice %arg4[%dma_start3A_423, %dma_start3A_424] : memref<914x128xf32, #tpu.memory_space<hbm>> -> memref<914x128xf32, #tpu.memory_space<hbm>>
    tpu.enqueue_indirect_dma source(%dma_start3A_425 : memref<914x128xf32, #tpu.memory_space<hbm>>) target(%arg19 : memref<400x128xf32, #tpu.memory_space<vmem>>) offsets(%arg17 : memref<400xi32, #tpu.memory_space<vmem>>) semaphore(%arg25 : memref<!tpu.dma_semaphore, #tpu.memory_space<semaphore_mem>>) {add = true}
    %dma_wait3A_426 = arith.constant 0 : i32
    %dma_wait3A_427 = arith.constant 0 : i32
    %dma_wait3A_428 = tpu.memref_slice %arg3[%dma_wait3A_426, %dma_wait3A_427] : memref<100001x128xf32, #tpu.memory_space<hbm>> -> memref<100001x128xf32, #tpu.memory_space<hbm>>
    tpu.wait_indirect_dma semaphore(%arg25 : memref<!tpu.dma_semaphore, #tpu.memory_space<semaphore_mem>>) src(%dma_wait3A_428 : memref<100001x128xf32, #tpu.memory_space<hbm>>) dst(%arg19 : memref<400x128xf32, #tpu.memory_space<vmem>>)
    %dma_wait3A_429 = arith.constant 0 : i32
    %dma_wait3A_430 = arith.constant 0 : i32
    %dma_wait3A_431 = tpu.memref_slice %arg4[%dma_wait3A_429, %dma_wait3A_430] : memref<914x128xf32, #tpu.memory_space<hbm>> -> memref<914x128xf32, #tpu.memory_space<hbm>>
    tpu.wait_indirect_dma semaphore(%arg25 : memref<!tpu.dma_semaphore, #tpu.memory_space<semaphore_mem>>) src(%dma_wait3A_431 : memref<914x128xf32, #tpu.memory_space<hbm>>) dst(%arg19 : memref<400x128xf32, #tpu.memory_space<vmem>>)
    %add3A_432 = arith.constant 2800 : i32
    %add3A_433 = arith.addi %mul3A_2, %add3A_432 : i32
    %multiple_of3A_434 = tpu.assume_multiple %add3A_433, 400 : i32
    %dma_start3A_435 = arith.constant 0 : i32
    %dma_start3A_436 = tpu.memref_slice %arg9[%multiple_of3A_434, %dma_start3A_435] : memref<102400x128xf32, #tpu.memory_space<hbm>> -> memref<400x128xf32, #tpu.memory_space<hbm>>
    %dma_start3A_437 = arith.constant 0 : i32
    %dma_start3A_438 = tpu.memref_slice %arg9[%multiple_of3A_434, %dma_start3A_437] : memref<102400x128xf32, #tpu.memory_space<hbm>> -> memref<400x128xf32, #tpu.memory_space<hbm>>
    tpu.enqueue_dma source(%arg19 : memref<400x128xf32, #tpu.memory_space<vmem>>) target(%dma_start3A_438 : memref<400x128xf32, #tpu.memory_space<hbm>>) target_semaphore(%arg27 : memref<!tpu.dma_semaphore, #tpu.memory_space<semaphore_mem>>)
    %dma_wait3A_439 = arith.constant 0 : i32
    %dma_wait3A_440 = tpu.memref_slice %arg9[%multiple_of3A_412, %dma_wait3A_439] : memref<102400x128xf32, #tpu.memory_space<hbm>> -> memref<400x128xf32, #tpu.memory_space<hbm>>
    %dma_wait3A_441 = arith.constant 0 : i32
    %dma_wait3A_442 = tpu.memref_slice %arg9[%multiple_of3A_412, %dma_wait3A_441] : memref<102400x128xf32, #tpu.memory_space<hbm>> -> memref<400x128xf32, #tpu.memory_space<hbm>>
    tpu.wait_dma2 semaphore(%arg26 : memref<!tpu.dma_semaphore, #tpu.memory_space<semaphore_mem>>) src(%arg18 : memref<400x128xf32, #tpu.memory_space<vmem>>) dst(%dma_wait3A_442 : memref<400x128xf32, #tpu.memory_space<hbm>>)
    %dma_wait3A_443 = arith.constant 0 : i32
    %dma_wait3A_444 = tpu.memref_slice %arg9[%multiple_of3A_434, %dma_wait3A_443] : memref<102400x128xf32, #tpu.memory_space<hbm>> -> memref<400x128xf32, #tpu.memory_space<hbm>>
    %dma_wait3A_445 = arith.constant 0 : i32
    %dma_wait3A_446 = tpu.memref_slice %arg9[%multiple_of3A_434, %dma_wait3A_445] : memref<102400x128xf32, #tpu.memory_space<hbm>> -> memref<400x128xf32, #tpu.memory_space<hbm>>
    tpu.wait_dma2 semaphore(%arg27 : memref<!tpu.dma_semaphore, #tpu.memory_space<semaphore_mem>>) src(%arg19 : memref<400x128xf32, #tpu.memory_space<vmem>>) dst(%dma_wait3A_446 : memref<400x128xf32, #tpu.memory_space<hbm>>)
    return
  }
}

#map = affine_map<(d0, d1) -> (0, 0)>
#map1 = affine_map<(d0, d1) -> (0)>
module attributes {stable_mosaic.version = 14 : i64} {
  func.func @k(%arg0: i32, %arg1: i32, %arg2: memref<4617x128xf32, #tpu.memory_space<hbm>>, %arg3: memref<100001x128xf32, #tpu.memory_space<hbm>>, %arg4: memref<914x128xf32, #tpu.memory_space<hbm>>, %arg5: memref<204800xi32, #tpu.memory_space<hbm>>, %arg6: memref<204800xi32, #tpu.memory_space<hbm>>, %arg7: memref<204800xi32, #tpu.memory_space<hbm>>, %arg8: memref<204800xi32, #tpu.memory_space<hbm>>, %arg9: memref<102400x128xf32, #tpu.memory_space<hbm>>, %arg10: memref<400xi32, #tpu.memory_space<vmem>>, %arg11: memref<400xi32, #tpu.memory_space<vmem>>, %arg12: memref<400xi32, #tpu.memory_space<vmem>>, %arg13: memref<400xi32, #tpu.memory_space<vmem>>, %arg14: memref<400xi32, #tpu.memory_space<vmem>>, %arg15: memref<400xi32, #tpu.memory_space<vmem>>, %arg16: memref<400xi32, #tpu.memory_space<vmem>>, %arg17: memref<400xi32, #tpu.memory_space<vmem>>, %arg18: memref<400x128xf32, #tpu.memory_space<vmem>>, %arg19: memref<400x128xf32, #tpu.memory_space<vmem>>, %arg20: memref<!tpu.dma_semaphore, #tpu.memory_space<semaphore_mem>>, %arg21: memref<!tpu.dma_semaphore, #tpu.memory_space<semaphore_mem>>, %arg22: memref<!tpu.dma_semaphore, #tpu.memory_space<semaphore_mem>>, %arg23: memref<!tpu.dma_semaphore, #tpu.memory_space<semaphore_mem>>, %arg24: memref<!tpu.dma_semaphore, #tpu.memory_space<semaphore_mem>>, %arg25: memref<!tpu.dma_semaphore, #tpu.memory_space<semaphore_mem>>, %arg26: memref<!tpu.dma_semaphore, #tpu.memory_space<semaphore_mem>>, %arg27: memref<!tpu.dma_semaphore, #tpu.memory_space<semaphore_mem>>) attributes {dimension_semantics = [#tpu.dimension_semantics<core_parallel>, #tpu.dimension_semantics<subcore_parallel>], iteration_bounds = array<i64: 2, 16>, scalar_prefetch = 0 : i64, scratch_operands = 18 : i64, tpu.core_type = #tpu.core_type<sc_vector_subcore>, window_params = [{transform_indices = #map}, {transform_indices = #map}, {transform_indices = #map}, {transform_indices = #map1}, {transform_indices = #map1}, {transform_indices = #map1}, {transform_indices = #map1}, {transform_indices = #map}]} {
    %mul3A = arith.constant 2 : i32
    %mul3A_0 = arith.muli %arg1, %mul3A : i32
    %add3A = arith.addi %mul3A_0, %arg0 : i32
    %mul3A_1 = arith.constant 3200 : i32
    %mul3A_2 = arith.muli %add3A, %mul3A_1 : i32
    %add3A_3 = arith.constant 0 : i32
    %add3A_4 = arith.addi %mul3A_2, %add3A_3 : i32
    %multiple_of3A = tpu.assume_multiple %add3A_4, 400 : i32
    %add3A_5 = arith.constant 102400 : i32
    %add3A_6 = arith.addi %add3A_5, %multiple_of3A : i32
    %dma_start3A = tpu.memref_slice %arg5[%add3A_6] : memref<204800xi32, #tpu.memory_space<hbm>> -> memref<400xi32, #tpu.memory_space<hbm>>
    %dma_start3A_7 = tpu.memref_slice %arg5[%add3A_6] : memref<204800xi32, #tpu.memory_space<hbm>> -> memref<400xi32, #tpu.memory_space<hbm>>
    tpu.enqueue_dma source(%dma_start3A_7 : memref<400xi32, #tpu.memory_space<hbm>>) target(%arg10 : memref<400xi32, #tpu.memory_space<vmem>>) target_semaphore(%arg20 : memref<!tpu.dma_semaphore, #tpu.memory_space<semaphore_mem>>)
    %dma_start3A_8 = tpu.memref_slice %arg6[%add3A_6] : memref<204800xi32, #tpu.memory_space<hbm>> -> memref<400xi32, #tpu.memory_space<hbm>>
    %dma_start3A_9 = tpu.memref_slice %arg6[%add3A_6] : memref<204800xi32, #tpu.memory_space<hbm>> -> memref<400xi32, #tpu.memory_space<hbm>>
    tpu.enqueue_dma source(%dma_start3A_9 : memref<400xi32, #tpu.memory_space<hbm>>) target(%arg12 : memref<400xi32, #tpu.memory_space<vmem>>) target_semaphore(%arg20 : memref<!tpu.dma_semaphore, #tpu.memory_space<semaphore_mem>>)
    %dma_start3A_10 = tpu.memref_slice %arg7[%add3A_6] : memref<204800xi32, #tpu.memory_space<hbm>> -> memref<400xi32, #tpu.memory_space<hbm>>
    %dma_start3A_11 = tpu.memref_slice %arg7[%add3A_6] : memref<204800xi32, #tpu.memory_space<hbm>> -> memref<400xi32, #tpu.memory_space<hbm>>
    tpu.enqueue_dma source(%dma_start3A_11 : memref<400xi32, #tpu.memory_space<hbm>>) target(%arg14 : memref<400xi32, #tpu.memory_space<vmem>>) target_semaphore(%arg20 : memref<!tpu.dma_semaphore, #tpu.memory_space<semaphore_mem>>)
    %dma_start3A_12 = tpu.memref_slice %arg8[%add3A_6] : memref<204800xi32, #tpu.memory_space<hbm>> -> memref<400xi32, #tpu.memory_space<hbm>>
    %dma_start3A_13 = tpu.memref_slice %arg8[%add3A_6] : memref<204800xi32, #tpu.memory_space<hbm>> -> memref<400xi32, #tpu.memory_space<hbm>>
    tpu.enqueue_dma source(%dma_start3A_13 : memref<400xi32, #tpu.memory_space<hbm>>) target(%arg16 : memref<400xi32, #tpu.memory_space<vmem>>) target_semaphore(%arg20 : memref<!tpu.dma_semaphore, #tpu.memory_space<semaphore_mem>>)
    %dma_wait3A = tpu.memref_slice %arg5[%add3A_6] : memref<204800xi32, #tpu.memory_space<hbm>> -> memref<400xi32, #tpu.memory_space<hbm>>
    %dma_wait3A_14 = tpu.memref_slice %arg5[%add3A_6] : memref<204800xi32, #tpu.memory_space<hbm>> -> memref<400xi32, #tpu.memory_space<hbm>>
    tpu.wait_dma2 semaphore(%arg20 : memref<!tpu.dma_semaphore, #tpu.memory_space<semaphore_mem>>) src(%dma_wait3A_14 : memref<400xi32, #tpu.memory_space<hbm>>) dst(%arg10 : memref<400xi32, #tpu.memory_space<vmem>>)
    %dma_wait3A_15 = tpu.memref_slice %arg6[%add3A_6] : memref<204800xi32, #tpu.memory_space<hbm>> -> memref<400xi32, #tpu.memory_space<hbm>>
    %dma_wait3A_16 = tpu.memref_slice %arg6[%add3A_6] : memref<204800xi32, #tpu.memory_space<hbm>> -> memref<400xi32, #tpu.memory_space<hbm>>
    tpu.wait_dma2 semaphore(%arg20 : memref<!tpu.dma_semaphore, #tpu.memory_space<semaphore_mem>>) src(%dma_wait3A_16 : memref<400xi32, #tpu.memory_space<hbm>>) dst(%arg12 : memref<400xi32, #tpu.memory_space<vmem>>)
    %dma_wait3A_17 = tpu.memref_slice %arg7[%add3A_6] : memref<204800xi32, #tpu.memory_space<hbm>> -> memref<400xi32, #tpu.memory_space<hbm>>
    %dma_wait3A_18 = tpu.memref_slice %arg7[%add3A_6] : memref<204800xi32, #tpu.memory_space<hbm>> -> memref<400xi32, #tpu.memory_space<hbm>>
    tpu.wait_dma2 semaphore(%arg20 : memref<!tpu.dma_semaphore, #tpu.memory_space<semaphore_mem>>) src(%dma_wait3A_18 : memref<400xi32, #tpu.memory_space<hbm>>) dst(%arg14 : memref<400xi32, #tpu.memory_space<vmem>>)
    %dma_wait3A_19 = tpu.memref_slice %arg8[%add3A_6] : memref<204800xi32, #tpu.memory_space<hbm>> -> memref<400xi32, #tpu.memory_space<hbm>>
    %dma_wait3A_20 = tpu.memref_slice %arg8[%add3A_6] : memref<204800xi32, #tpu.memory_space<hbm>> -> memref<400xi32, #tpu.memory_space<hbm>>
    tpu.wait_dma2 semaphore(%arg20 : memref<!tpu.dma_semaphore, #tpu.memory_space<semaphore_mem>>) src(%dma_wait3A_20 : memref<400xi32, #tpu.memory_space<hbm>>) dst(%arg16 : memref<400xi32, #tpu.memory_space<vmem>>)
    %scan3A = arith.constant 0 : i32
    %scan3A_21 = arith.constant 0 : i32
    %scan3A_22 = arith.constant 25 : i32
    %scan3A_23 = arith.addi %scan3A_21, %scan3A_22 : i32
    %scan3A_24 = arith.constant 1 : i32
    scf.for %scan3A_447 = %scan3A_21 to %scan3A_23 step %scan3A_24  : i32 {
      %mul3A_448 = arith.constant 16 : i32
      %mul3A_449 = arith.muli %scan3A_447, %mul3A_448 : i32
      %get3A = arith.index_cast %mul3A_449 : i32 to index
      %get3A_450 = tpu.vector_load %arg10[%get3A] {strides = array<i32>} : memref<400xi32, #tpu.memory_space<vmem>>, vector<16xi32>,
      %get3A_451 = vector.shape_cast %get3A_450 : vector<16xi32> to vector<16xi32>
      %mul3A_452 = arith.constant 3 : i32
      %mul3A_453 = vector.broadcast %mul3A_452 : i32 to vector<16xi32>
      %mul3A_454 = arith.muli %get3A_451, %mul3A_453 : vector<16xi32>
      %get3A_455 = arith.index_cast %mul3A_449 : i32 to index
      %get3A_456 = tpu.vector_load %arg12[%get3A_455] {strides = array<i32>} : memref<400xi32, #tpu.memory_space<vmem>>, vector<16xi32>,
      %get3A_457 = vector.shape_cast %get3A_456 : vector<16xi32> to vector<16xi32>
      %add3A_458 = arith.addi %mul3A_454, %get3A_457 : vector<16xi32>
      %swap3A = arith.index_cast %mul3A_449 : i32 to index
      %swap3A_459 = tpu.vector_load %arg10[%swap3A] {strides = array<i32>} : memref<400xi32, #tpu.memory_space<vmem>>, vector<16xi32>,
      %swap3A_460 = vector.shape_cast %swap3A_459 : vector<16xi32> to vector<16xi32>
      %swap3A_461 = vector.shape_cast %add3A_458 : vector<16xi32> to vector<16xi32>
      tpu.vector_store %arg10[%swap3A], %swap3A_461 {strides = array<i32>} : memref<400xi32, #tpu.memory_space<vmem>>, vector<16xi32>,
    }
    %scan3A_25 = arith.constant 25 : i32
    %dma_start3A_26 = arith.constant 0 : i32
    %dma_start3A_27 = arith.constant 0 : i32
    %dma_start3A_28 = tpu.memref_slice %arg2[%dma_start3A_26, %dma_start3A_27] : memref<4617x128xf32, #tpu.memory_space<hbm>> -> memref<4617x128xf32, #tpu.memory_space<hbm>>
    tpu.enqueue_indirect_dma source(%dma_start3A_28 : memref<4617x128xf32, #tpu.memory_space<hbm>>) target(%arg18 : memref<400x128xf32, #tpu.memory_space<vmem>>) offsets(%arg10 : memref<400xi32, #tpu.memory_space<vmem>>) semaphore(%arg22 : memref<!tpu.dma_semaphore, #tpu.memory_space<semaphore_mem>>)
    %add3A_29 = arith.constant 400 : i32
    %add3A_30 = arith.addi %mul3A_2, %add3A_29 : i32
    %multiple_of3A_31 = tpu.assume_multiple %add3A_30, 400 : i32
    %add3A_32 = arith.constant 102400 : i32
    %add3A_33 = arith.addi %add3A_32, %multiple_of3A_31 : i32
    %dma_start3A_34 = tpu.memref_slice %arg5[%add3A_33] : memref<204800xi32, #tpu.memory_space<hbm>> -> memref<400xi32, #tpu.memory_space<hbm>>
    %dma_start3A_35 = tpu.memref_slice %arg5[%add3A_33] : memref<204800xi32, #tpu.memory_space<hbm>> -> memref<400xi32, #tpu.memory_space<hbm>>
    tpu.enqueue_dma source(%dma_start3A_35 : memref<400xi32, #tpu.memory_space<hbm>>) target(%arg11 : memref<400xi32, #tpu.memory_space<vmem>>) target_semaphore(%arg21 : memref<!tpu.dma_semaphore, #tpu.memory_space<semaphore_mem>>)
    %dma_start3A_36 = tpu.memref_slice %arg6[%add3A_33] : memref<204800xi32, #tpu.memory_space<hbm>> -> memref<400xi32, #tpu.memory_space<hbm>>
    %dma_start3A_37 = tpu.memref_slice %arg6[%add3A_33] : memref<204800xi32, #tpu.memory_space<hbm>> -> memref<400xi32, #tpu.memory_space<hbm>>
    tpu.enqueue_dma source(%dma_start3A_37 : memref<400xi32, #tpu.memory_space<hbm>>) target(%arg13 : memref<400xi32, #tpu.memory_space<vmem>>) target_semaphore(%arg21 : memref<!tpu.dma_semaphore, #tpu.memory_space<semaphore_mem>>)
    %dma_start3A_38 = tpu.memref_slice %arg7[%add3A_33] : memref<204800xi32, #tpu.memory_space<hbm>> -> memref<400xi32, #tpu.memory_space<hbm>>
    %dma_start3A_39 = tpu.memref_slice %arg7[%add3A_33] : memref<204800xi32, #tpu.memory_space<hbm>> -> memref<400xi32, #tpu.memory_space<hbm>>
    tpu.enqueue_dma source(%dma_start3A_39 : memref<400xi32, #tpu.memory_space<hbm>>) target(%arg15 : memref<400xi32, #tpu.memory_space<vmem>>) target_semaphore(%arg21 : memref<!tpu.dma_semaphore, #tpu.memory_space<semaphore_mem>>)
    %dma_start3A_40 = tpu.memref_slice %arg8[%add3A_33] : memref<204800xi32, #tpu.memory_space<hbm>> -> memref<400xi32, #tpu.memory_space<hbm>>
    %dma_start3A_41 = tpu.memref_slice %arg8[%add3A_33] : memref<204800xi32, #tpu.memory_space<hbm>> -> memref<400xi32, #tpu.memory_space<hbm>>
    tpu.enqueue_dma source(%dma_start3A_41 : memref<400xi32, #tpu.memory_space<hbm>>) target(%arg17 : memref<400xi32, #tpu.memory_space<vmem>>) target_semaphore(%arg21 : memref<!tpu.dma_semaphore, #tpu.memory_space<semaphore_mem>>)
    %dma_wait3A_42 = arith.constant 0 : i32
    %dma_wait3A_43 = arith.constant 0 : i32
    %dma_wait3A_44 = tpu.memref_slice %arg2[%dma_wait3A_42, %dma_wait3A_43] : memref<4617x128xf32, #tpu.memory_space<hbm>> -> memref<4617x128xf32, #tpu.memory_space<hbm>>
    tpu.wait_indirect_dma semaphore(%arg22 : memref<!tpu.dma_semaphore, #tpu.memory_space<semaphore_mem>>) src(%dma_wait3A_44 : memref<4617x128xf32, #tpu.memory_space<hbm>>) dst(%arg18 : memref<400x128xf32, #tpu.memory_space<vmem>>)
    %dma_start3A_45 = arith.constant 0 : i32
    %dma_start3A_46 = arith.constant 0 : i32
    %dma_start3A_47 = tpu.memref_slice %arg3[%dma_start3A_45, %dma_start3A_46] : memref<100001x128xf32, #tpu.memory_space<hbm>> -> memref<100001x128xf32, #tpu.memory_space<hbm>>
    tpu.enqueue_indirect_dma source(%dma_start3A_47 : memref<100001x128xf32, #tpu.memory_space<hbm>>) target(%arg18 : memref<400x128xf32, #tpu.memory_space<vmem>>) offsets(%arg14 : memref<400xi32, #tpu.memory_space<vmem>>) semaphore(%arg24 : memref<!tpu.dma_semaphore, #tpu.memory_space<semaphore_mem>>) {add = true}
    %dma_start3A_48 = arith.constant 0 : i32
    %dma_start3A_49 = arith.constant 0 : i32
    %dma_start3A_50 = tpu.memref_slice %arg4[%dma_start3A_48, %dma_start3A_49] : memref<914x128xf32, #tpu.memory_space<hbm>> -> memref<914x128xf32, #tpu.memory_space<hbm>>
    tpu.enqueue_indirect_dma source(%dma_start3A_50 : memref<914x128xf32, #tpu.memory_space<hbm>>) target(%arg18 : memref<400x128xf32, #tpu.memory_space<vmem>>) offsets(%arg16 : memref<400xi32, #tpu.memory_space<vmem>>) semaphore(%arg24 : memref<!tpu.dma_semaphore, #tpu.memory_space<semaphore_mem>>) {add = true}
    %dma_wait3A_51 = tpu.memref_slice %arg5[%add3A_33] : memref<204800xi32, #tpu.memory_space<hbm>> -> memref<400xi32, #tpu.memory_space<hbm>>
    %dma_wait3A_52 = tpu.memref_slice %arg5[%add3A_33] : memref<204800xi32, #tpu.memory_space<hbm>> -> memref<400xi32, #tpu.memory_space<hbm>>
    tpu.wait_dma2 semaphore(%arg21 : memref<!tpu.dma_semaphore, #tpu.memory_space<semaphore_mem>>) src(%dma_wait3A_52 : memref<400xi32, #tpu.memory_space<hbm>>) dst(%arg11 : memref<400xi32, #tpu.memory_space<vmem>>)
    %dma_wait3A_53 = tpu.memref_slice %arg6[%add3A_33] : memref<204800xi32, #tpu.memory_space<hbm>> -> memref<400xi32, #tpu.memory_space<hbm>>
    %dma_wait3A_54 = tpu.memref_slice %arg6[%add3A_33] : memref<204800xi32, #tpu.memory_space<hbm>> -> memref<400xi32, #tpu.memory_space<hbm>>
    tpu.wait_dma2 semaphore(%arg21 : memref<!tpu.dma_semaphore, #tpu.memory_space<semaphore_mem>>) src(%dma_wait3A_54 : memref<400xi32, #tpu.memory_space<hbm>>) dst(%arg13 : memref<400xi32, #tpu.memory_space<vmem>>)
    %dma_wait3A_55 = tpu.memref_slice %arg7[%add3A_33] : memref<204800xi32, #tpu.memory_space<hbm>> -> memref<400xi32, #tpu.memory_space<hbm>>
    %dma_wait3A_56 = tpu.memref_slice %arg7[%add3A_33] : memref<204800xi32, #tpu.memory_space<hbm>> -> memref<400xi32, #tpu.memory_space<hbm>>
    tpu.wait_dma2 semaphore(%arg21 : memref<!tpu.dma_semaphore, #tpu.memory_space<semaphore_mem>>) src(%dma_wait3A_56 : memref<400xi32, #tpu.memory_space<hbm>>) dst(%arg15 : memref<400xi32, #tpu.memory_space<vmem>>)
    %dma_wait3A_57 = tpu.memref_slice %arg8[%add3A_33] : memref<204800xi32, #tpu.memory_space<hbm>> -> memref<400xi32, #tpu.memory_space<hbm>>
    %dma_wait3A_58 = tpu.memref_slice %arg8[%add3A_33] : memref<204800xi32, #tpu.memory_space<hbm>> -> memref<400xi32, #tpu.memory_space<hbm>>
    tpu.wait_dma2 semaphore(%arg21 : memref<!tpu.dma_semaphore, #tpu.memory_space<semaphore_mem>>) src(%dma_wait3A_58 : memref<400xi32, #tpu.memory_space<hbm>>) dst(%arg17 : memref<400xi32, #tpu.memory_space<vmem>>)
    %scan3A_59 = arith.constant 0 : i32
    %scan3A_60 = arith.constant 0 : i32
    %scan3A_61 = arith.constant 25 : i32
    %scan3A_62 = arith.addi %scan3A_60, %scan3A_61 : i32
    %scan3A_63 = arith.constant 1 : i32
    scf.for %scan3A_447 = %scan3A_60 to %scan3A_62 step %scan3A_63  : i32 {
      %mul3A_448 = arith.constant 16 : i32
      %mul3A_449 = arith.muli %scan3A_447, %mul3A_448 : i32
      %get3A = arith.index_cast %mul3A_449 : i32 to index
      %get3A_450 = tpu.vector_load %arg11[%get3A] {strides = array<i32>} : memref<400xi32, #tpu.memory_space<vmem>>, vector<16xi32>,
      %get3A_451 = vector.shape_cast %get3A_450 : vector<16xi32> to vector<16xi32>
      %mul3A_452 = arith.constant 3 : i32
      %mul3A_453 = vector.broadcast %mul3A_452 : i32 to vector<16xi32>
      %mul3A_454 = arith.muli %get3A_451, %mul3A_453 : vector<16xi32>
      %get3A_455 = arith.index_cast %mul3A_449 : i32 to index
      %get3A_456 = tpu.vector_load %arg13[%get3A_455] {strides = array<i32>} : memref<400xi32, #tpu.memory_space<vmem>>, vector<16xi32>,
      %get3A_457 = vector.shape_cast %get3A_456 : vector<16xi32> to vector<16xi32>
      %add3A_458 = arith.addi %mul3A_454, %get3A_457 : vector<16xi32>
      %swap3A = arith.index_cast %mul3A_449 : i32 to index
      %swap3A_459 = tpu.vector_load %arg11[%swap3A] {strides = array<i32>} : memref<400xi32, #tpu.memory_space<vmem>>, vector<16xi32>,
      %swap3A_460 = vector.shape_cast %swap3A_459 : vector<16xi32> to vector<16xi32>
      %swap3A_461 = vector.shape_cast %add3A_458 : vector<16xi32> to vector<16xi32>
      tpu.vector_store %arg11[%swap3A], %swap3A_461 {strides = array<i32>} : memref<400xi32, #tpu.memory_space<vmem>>, vector<16xi32>,
    }
    %scan3A_64 = arith.constant 25 : i32
    %dma_start3A_65 = arith.constant 0 : i32
    %dma_start3A_66 = arith.constant 0 : i32
    %dma_start3A_67 = tpu.memref_slice %arg2[%dma_start3A_65, %dma_start3A_66] : memref<4617x128xf32, #tpu.memory_space<hbm>> -> memref<4617x128xf32, #tpu.memory_space<hbm>>
    tpu.enqueue_indirect_dma source(%dma_start3A_67 : memref<4617x128xf32, #tpu.memory_space<hbm>>) target(%arg19 : memref<400x128xf32, #tpu.memory_space<vmem>>) offsets(%arg11 : memref<400xi32, #tpu.memory_space<vmem>>) semaphore(%arg23 : memref<!tpu.dma_semaphore, #tpu.memory_space<semaphore_mem>>)
    %dma_wait3A_68 = arith.constant 0 : i32
    %dma_wait3A_69 = arith.constant 0 : i32
    %dma_wait3A_70 = tpu.memref_slice %arg3[%dma_wait3A_68, %dma_wait3A_69] : memref<100001x128xf32, #tpu.memory_space<hbm>> -> memref<100001x128xf32, #tpu.memory_space<hbm>>
    tpu.wait_indirect_dma semaphore(%arg24 : memref<!tpu.dma_semaphore, #tpu.memory_space<semaphore_mem>>) src(%dma_wait3A_70 : memref<100001x128xf32, #tpu.memory_space<hbm>>) dst(%arg18 : memref<400x128xf32, #tpu.memory_space<vmem>>)
    %dma_wait3A_71 = arith.constant 0 : i32
    %dma_wait3A_72 = arith.constant 0 : i32
    %dma_wait3A_73 = tpu.memref_slice %arg4[%dma_wait3A_71, %dma_wait3A_72] : memref<914x128xf32, #tpu.memory_space<hbm>> -> memref<914x128xf32, #tpu.memory_space<hbm>>
    tpu.wait_indirect_dma semaphore(%arg24 : memref<!tpu.dma_semaphore, #tpu.memory_space<semaphore_mem>>) src(%dma_wait3A_73 : memref<914x128xf32, #tpu.memory_space<hbm>>) dst(%arg18 : memref<400x128xf32, #tpu.memory_space<vmem>>)
    %add3A_74 = arith.constant 0 : i32
    %add3A_75 = arith.addi %mul3A_2, %add3A_74 : i32
    %multiple_of3A_76 = tpu.assume_multiple %add3A_75, 400 : i32
    %dma_start3A_77 = arith.constant 0 : i32
    %dma_start3A_78 = tpu.memref_slice %arg9[%multiple_of3A_76, %dma_start3A_77] : memref<102400x128xf32, #tpu.memory_space<hbm>> -> memref<400x128xf32, #tpu.memory_space<hbm>>
    %dma_start3A_79 = arith.constant 0 : i32
    %dma_start3A_80 = tpu.memref_slice %arg9[%multiple_of3A_76, %dma_start3A_79] : memref<102400x128xf32, #tpu.memory_space<hbm>> -> memref<400x128xf32, #tpu.memory_space<hbm>>
    tpu.enqueue_dma source(%arg18 : memref<400x128xf32, #tpu.memory_space<vmem>>) target(%dma_start3A_80 : memref<400x128xf32, #tpu.memory_space<hbm>>) target_semaphore(%arg26 : memref<!tpu.dma_semaphore, #tpu.memory_space<semaphore_mem>>)
    %add3A_81 = arith.constant 800 : i32
    %add3A_82 = arith.addi %mul3A_2, %add3A_81 : i32
    %multiple_of3A_83 = tpu.assume_multiple %add3A_82, 400 : i32
    %add3A_84 = arith.constant 102400 : i32
    %add3A_85 = arith.addi %add3A_84, %multiple_of3A_83 : i32
    %dma_start3A_86 = tpu.memref_slice %arg5[%add3A_85] : memref<204800xi32, #tpu.memory_space<hbm>> -> memref<400xi32, #tpu.memory_space<hbm>>
    %dma_start3A_87 = tpu.memref_slice %arg5[%add3A_85] : memref<204800xi32, #tpu.memory_space<hbm>> -> memref<400xi32, #tpu.memory_space<hbm>>
    tpu.enqueue_dma source(%dma_start3A_87 : memref<400xi32, #tpu.memory_space<hbm>>) target(%arg10 : memref<400xi32, #tpu.memory_space<vmem>>) target_semaphore(%arg20 : memref<!tpu.dma_semaphore, #tpu.memory_space<semaphore_mem>>)
    %dma_start3A_88 = tpu.memref_slice %arg6[%add3A_85] : memref<204800xi32, #tpu.memory_space<hbm>> -> memref<400xi32, #tpu.memory_space<hbm>>
    %dma_start3A_89 = tpu.memref_slice %arg6[%add3A_85] : memref<204800xi32, #tpu.memory_space<hbm>> -> memref<400xi32, #tpu.memory_space<hbm>>
    tpu.enqueue_dma source(%dma_start3A_89 : memref<400xi32, #tpu.memory_space<hbm>>) target(%arg12 : memref<400xi32, #tpu.memory_space<vmem>>) target_semaphore(%arg20 : memref<!tpu.dma_semaphore, #tpu.memory_space<semaphore_mem>>)
    %dma_start3A_90 = tpu.memref_slice %arg7[%add3A_85] : memref<204800xi32, #tpu.memory_space<hbm>> -> memref<400xi32, #tpu.memory_space<hbm>>
    %dma_start3A_91 = tpu.memref_slice %arg7[%add3A_85] : memref<204800xi32, #tpu.memory_space<hbm>> -> memref<400xi32, #tpu.memory_space<hbm>>
    tpu.enqueue_dma source(%dma_start3A_91 : memref<400xi32, #tpu.memory_space<hbm>>) target(%arg14 : memref<400xi32, #tpu.memory_space<vmem>>) target_semaphore(%arg20 : memref<!tpu.dma_semaphore, #tpu.memory_space<semaphore_mem>>)
    %dma_start3A_92 = tpu.memref_slice %arg8[%add3A_85] : memref<204800xi32, #tpu.memory_space<hbm>> -> memref<400xi32, #tpu.memory_space<hbm>>
    %dma_start3A_93 = tpu.memref_slice %arg8[%add3A_85] : memref<204800xi32, #tpu.memory_space<hbm>> -> memref<400xi32, #tpu.memory_space<hbm>>
    tpu.enqueue_dma source(%dma_start3A_93 : memref<400xi32, #tpu.memory_space<hbm>>) target(%arg16 : memref<400xi32, #tpu.memory_space<vmem>>) target_semaphore(%arg20 : memref<!tpu.dma_semaphore, #tpu.memory_space<semaphore_mem>>)
    %dma_wait3A_94 = arith.constant 0 : i32
    %dma_wait3A_95 = arith.constant 0 : i32
    %dma_wait3A_96 = tpu.memref_slice %arg2[%dma_wait3A_94, %dma_wait3A_95] : memref<4617x128xf32, #tpu.memory_space<hbm>> -> memref<4617x128xf32, #tpu.memory_space<hbm>>
    tpu.wait_indirect_dma semaphore(%arg23 : memref<!tpu.dma_semaphore, #tpu.memory_space<semaphore_mem>>) src(%dma_wait3A_96 : memref<4617x128xf32, #tpu.memory_space<hbm>>) dst(%arg19 : memref<400x128xf32, #tpu.memory_space<vmem>>)
    %dma_start3A_97 = arith.constant 0 : i32
    %dma_start3A_98 = arith.constant 0 : i32
    %dma_start3A_99 = tpu.memref_slice %arg3[%dma_start3A_97, %dma_start3A_98] : memref<100001x128xf32, #tpu.memory_space<hbm>> -> memref<100001x128xf32, #tpu.memory_space<hbm>>
    tpu.enqueue_indirect_dma source(%dma_start3A_99 : memref<100001x128xf32, #tpu.memory_space<hbm>>) target(%arg19 : memref<400x128xf32, #tpu.memory_space<vmem>>) offsets(%arg15 : memref<400xi32, #tpu.memory_space<vmem>>) semaphore(%arg25 : memref<!tpu.dma_semaphore, #tpu.memory_space<semaphore_mem>>) {add = true}
    %dma_start3A_100 = arith.constant 0 : i32
    %dma_start3A_101 = arith.constant 0 : i32
    %dma_start3A_102 = tpu.memref_slice %arg4[%dma_start3A_100, %dma_start3A_101] : memref<914x128xf32, #tpu.memory_space<hbm>> -> memref<914x128xf32, #tpu.memory_space<hbm>>
    tpu.enqueue_indirect_dma source(%dma_start3A_102 : memref<914x128xf32, #tpu.memory_space<hbm>>) target(%arg19 : memref<400x128xf32, #tpu.memory_space<vmem>>) offsets(%arg17 : memref<400xi32, #tpu.memory_space<vmem>>) semaphore(%arg25 : memref<!tpu.dma_semaphore, #tpu.memory_space<semaphore_mem>>) {add = true}
    %dma_wait3A_103 = tpu.memref_slice %arg5[%add3A_85] : memref<204800xi32, #tpu.memory_space<hbm>> -> memref<400xi32, #tpu.memory_space<hbm>>
    %dma_wait3A_104 = tpu.memref_slice %arg5[%add3A_85] : memref<204800xi32, #tpu.memory_space<hbm>> -> memref<400xi32, #tpu.memory_space<hbm>>
    tpu.wait_dma2 semaphore(%arg20 : memref<!tpu.dma_semaphore, #tpu.memory_space<semaphore_mem>>) src(%dma_wait3A_104 : memref<400xi32, #tpu.memory_space<hbm>>) dst(%arg10 : memref<400xi32, #tpu.memory_space<vmem>>)
    %dma_wait3A_105 = tpu.memref_slice %arg6[%add3A_85] : memref<204800xi32, #tpu.memory_space<hbm>> -> memref<400xi32, #tpu.memory_space<hbm>>
    %dma_wait3A_106 = tpu.memref_slice %arg6[%add3A_85] : memref<204800xi32, #tpu.memory_space<hbm>> -> memref<400xi32, #tpu.memory_space<hbm>>
    tpu.wait_dma2 semaphore(%arg20 : memref<!tpu.dma_semaphore, #tpu.memory_space<semaphore_mem>>) src(%dma_wait3A_106 : memref<400xi32, #tpu.memory_space<hbm>>) dst(%arg12 : memref<400xi32, #tpu.memory_space<vmem>>)
    %dma_wait3A_107 = tpu.memref_slice %arg7[%add3A_85] : memref<204800xi32, #tpu.memory_space<hbm>> -> memref<400xi32, #tpu.memory_space<hbm>>
    %dma_wait3A_108 = tpu.memref_slice %arg7[%add3A_85] : memref<204800xi32, #tpu.memory_space<hbm>> -> memref<400xi32, #tpu.memory_space<hbm>>
    tpu.wait_dma2 semaphore(%arg20 : memref<!tpu.dma_semaphore, #tpu.memory_space<semaphore_mem>>) src(%dma_wait3A_108 : memref<400xi32, #tpu.memory_space<hbm>>) dst(%arg14 : memref<400xi32, #tpu.memory_space<vmem>>)
    %dma_wait3A_109 = tpu.memref_slice %arg8[%add3A_85] : memref<204800xi32, #tpu.memory_space<hbm>> -> memref<400xi32, #tpu.memory_space<hbm>>
    %dma_wait3A_110 = tpu.memref_slice %arg8[%add3A_85] : memref<204800xi32, #tpu.memory_space<hbm>> -> memref<400xi32, #tpu.memory_space<hbm>>
    tpu.wait_dma2 semaphore(%arg20 : memref<!tpu.dma_semaphore, #tpu.memory_space<semaphore_mem>>) src(%dma_wait3A_110 : memref<400xi32, #tpu.memory_space<hbm>>) dst(%arg16 : memref<400xi32, #tpu.memory_space<vmem>>)
    %scan3A_111 = arith.constant 0 : i32
    %scan3A_112 = arith.constant 0 : i32
    %scan3A_113 = arith.constant 25 : i32
    %scan3A_114 = arith.addi %scan3A_112, %scan3A_113 : i32
    %scan3A_115 = arith.constant 1 : i32
    scf.for %scan3A_447 = %scan3A_112 to %scan3A_114 step %scan3A_115  : i32 {
      %mul3A_448 = arith.constant 16 : i32
      %mul3A_449 = arith.muli %scan3A_447, %mul3A_448 : i32
      %get3A = arith.index_cast %mul3A_449 : i32 to index
      %get3A_450 = tpu.vector_load %arg10[%get3A] {strides = array<i32>} : memref<400xi32, #tpu.memory_space<vmem>>, vector<16xi32>,
      %get3A_451 = vector.shape_cast %get3A_450 : vector<16xi32> to vector<16xi32>
      %mul3A_452 = arith.constant 3 : i32
      %mul3A_453 = vector.broadcast %mul3A_452 : i32 to vector<16xi32>
      %mul3A_454 = arith.muli %get3A_451, %mul3A_453 : vector<16xi32>
      %get3A_455 = arith.index_cast %mul3A_449 : i32 to index
      %get3A_456 = tpu.vector_load %arg12[%get3A_455] {strides = array<i32>} : memref<400xi32, #tpu.memory_space<vmem>>, vector<16xi32>,
      %get3A_457 = vector.shape_cast %get3A_456 : vector<16xi32> to vector<16xi32>
      %add3A_458 = arith.addi %mul3A_454, %get3A_457 : vector<16xi32>
      %swap3A = arith.index_cast %mul3A_449 : i32 to index
      %swap3A_459 = tpu.vector_load %arg10[%swap3A] {strides = array<i32>} : memref<400xi32, #tpu.memory_space<vmem>>, vector<16xi32>,
      %swap3A_460 = vector.shape_cast %swap3A_459 : vector<16xi32> to vector<16xi32>
      %swap3A_461 = vector.shape_cast %add3A_458 : vector<16xi32> to vector<16xi32>
      tpu.vector_store %arg10[%swap3A], %swap3A_461 {strides = array<i32>} : memref<400xi32, #tpu.memory_space<vmem>>, vector<16xi32>,
    }
    %scan3A_116 = arith.constant 25 : i32
    %dma_wait3A_117 = arith.constant 0 : i32
    %dma_wait3A_118 = tpu.memref_slice %arg9[%multiple_of3A_76, %dma_wait3A_117] : memref<102400x128xf32, #tpu.memory_space<hbm>> -> memref<400x128xf32, #tpu.memory_space<hbm>>
    %dma_wait3A_119 = arith.constant 0 : i32
    %dma_wait3A_120 = tpu.memref_slice %arg9[%multiple_of3A_76, %dma_wait3A_119] : memref<102400x128xf32, #tpu.memory_space<hbm>> -> memref<400x128xf32, #tpu.memory_space<hbm>>
    tpu.wait_dma2 semaphore(%arg26 : memref<!tpu.dma_semaphore, #tpu.memory_space<semaphore_mem>>) src(%arg18 : memref<400x128xf32, #tpu.memory_space<vmem>>) dst(%dma_wait3A_120 : memref<400x128xf32, #tpu.memory_space<hbm>>)
    %dma_start3A_121 = arith.constant 0 : i32
    %dma_start3A_122 = arith.constant 0 : i32
    %dma_start3A_123 = tpu.memref_slice %arg2[%dma_start3A_121, %dma_start3A_122] : memref<4617x128xf32, #tpu.memory_space<hbm>> -> memref<4617x128xf32, #tpu.memory_space<hbm>>
    tpu.enqueue_indirect_dma source(%dma_start3A_123 : memref<4617x128xf32, #tpu.memory_space<hbm>>) target(%arg18 : memref<400x128xf32, #tpu.memory_space<vmem>>) offsets(%arg10 : memref<400xi32, #tpu.memory_space<vmem>>) semaphore(%arg22 : memref<!tpu.dma_semaphore, #tpu.memory_space<semaphore_mem>>)
    %dma_wait3A_124 = arith.constant 0 : i32
    %dma_wait3A_125 = arith.constant 0 : i32
    %dma_wait3A_126 = tpu.memref_slice %arg3[%dma_wait3A_124, %dma_wait3A_125] : memref<100001x128xf32, #tpu.memory_space<hbm>> -> memref<100001x128xf32, #tpu.memory_space<hbm>>
    tpu.wait_indirect_dma semaphore(%arg25 : memref<!tpu.dma_semaphore, #tpu.memory_space<semaphore_mem>>) src(%dma_wait3A_126 : memref<100001x128xf32, #tpu.memory_space<hbm>>) dst(%arg19 : memref<400x128xf32, #tpu.memory_space<vmem>>)
    %dma_wait3A_127 = arith.constant 0 : i32
    %dma_wait3A_128 = arith.constant 0 : i32
    %dma_wait3A_129 = tpu.memref_slice %arg4[%dma_wait3A_127, %dma_wait3A_128] : memref<914x128xf32, #tpu.memory_space<hbm>> -> memref<914x128xf32, #tpu.memory_space<hbm>>
    tpu.wait_indirect_dma semaphore(%arg25 : memref<!tpu.dma_semaphore, #tpu.memory_space<semaphore_mem>>) src(%dma_wait3A_129 : memref<914x128xf32, #tpu.memory_space<hbm>>) dst(%arg19 : memref<400x128xf32, #tpu.memory_space<vmem>>)
    %add3A_130 = arith.constant 400 : i32
    %add3A_131 = arith.addi %mul3A_2, %add3A_130 : i32
    %multiple_of3A_132 = tpu.assume_multiple %add3A_131, 400 : i32
    %dma_start3A_133 = arith.constant 0 : i32
    %dma_start3A_134 = tpu.memref_slice %arg9[%multiple_of3A_132, %dma_start3A_133] : memref<102400x128xf32, #tpu.memory_space<hbm>> -> memref<400x128xf32, #tpu.memory_space<hbm>>
    %dma_start3A_135 = arith.constant 0 : i32
    %dma_start3A_136 = tpu.memref_slice %arg9[%multiple_of3A_132, %dma_start3A_135] : memref<102400x128xf32, #tpu.memory_space<hbm>> -> memref<400x128xf32, #tpu.memory_space<hbm>>
    tpu.enqueue_dma source(%arg19 : memref<400x128xf32, #tpu.memory_space<vmem>>) target(%dma_start3A_136 : memref<400x128xf32, #tpu.memory_space<hbm>>) target_semaphore(%arg27 : memref<!tpu.dma_semaphore, #tpu.memory_space<semaphore_mem>>)
    %add3A_137 = arith.constant 1200 : i32
    %add3A_138 = arith.addi %mul3A_2, %add3A_137 : i32
    %multiple_of3A_139 = tpu.assume_multiple %add3A_138, 400 : i32
    %add3A_140 = arith.constant 102400 : i32
    %add3A_141 = arith.addi %add3A_140, %multiple_of3A_139 : i32
    %dma_start3A_142 = tpu.memref_slice %arg5[%add3A_141] : memref<204800xi32, #tpu.memory_space<hbm>> -> memref<400xi32, #tpu.memory_space<hbm>>
    %dma_start3A_143 = tpu.memref_slice %arg5[%add3A_141] : memref<204800xi32, #tpu.memory_space<hbm>> -> memref<400xi32, #tpu.memory_space<hbm>>
    tpu.enqueue_dma source(%dma_start3A_143 : memref<400xi32, #tpu.memory_space<hbm>>) target(%arg11 : memref<400xi32, #tpu.memory_space<vmem>>) target_semaphore(%arg21 : memref<!tpu.dma_semaphore, #tpu.memory_space<semaphore_mem>>)
    %dma_start3A_144 = tpu.memref_slice %arg6[%add3A_141] : memref<204800xi32, #tpu.memory_space<hbm>> -> memref<400xi32, #tpu.memory_space<hbm>>
    %dma_start3A_145 = tpu.memref_slice %arg6[%add3A_141] : memref<204800xi32, #tpu.memory_space<hbm>> -> memref<400xi32, #tpu.memory_space<hbm>>
    tpu.enqueue_dma source(%dma_start3A_145 : memref<400xi32, #tpu.memory_space<hbm>>) target(%arg13 : memref<400xi32, #tpu.memory_space<vmem>>) target_semaphore(%arg21 : memref<!tpu.dma_semaphore, #tpu.memory_space<semaphore_mem>>)
    %dma_start3A_146 = tpu.memref_slice %arg7[%add3A_141] : memref<204800xi32, #tpu.memory_space<hbm>> -> memref<400xi32, #tpu.memory_space<hbm>>
    %dma_start3A_147 = tpu.memref_slice %arg7[%add3A_141] : memref<204800xi32, #tpu.memory_space<hbm>> -> memref<400xi32, #tpu.memory_space<hbm>>
    tpu.enqueue_dma source(%dma_start3A_147 : memref<400xi32, #tpu.memory_space<hbm>>) target(%arg15 : memref<400xi32, #tpu.memory_space<vmem>>) target_semaphore(%arg21 : memref<!tpu.dma_semaphore, #tpu.memory_space<semaphore_mem>>)
    %dma_start3A_148 = tpu.memref_slice %arg8[%add3A_141] : memref<204800xi32, #tpu.memory_space<hbm>> -> memref<400xi32, #tpu.memory_space<hbm>>
    %dma_start3A_149 = tpu.memref_slice %arg8[%add3A_141] : memref<204800xi32, #tpu.memory_space<hbm>> -> memref<400xi32, #tpu.memory_space<hbm>>
    tpu.enqueue_dma source(%dma_start3A_149 : memref<400xi32, #tpu.memory_space<hbm>>) target(%arg17 : memref<400xi32, #tpu.memory_space<vmem>>) target_semaphore(%arg21 : memref<!tpu.dma_semaphore, #tpu.memory_space<semaphore_mem>>)
    %dma_wait3A_150 = arith.constant 0 : i32
    %dma_wait3A_151 = arith.constant 0 : i32
    %dma_wait3A_152 = tpu.memref_slice %arg2[%dma_wait3A_150, %dma_wait3A_151] : memref<4617x128xf32, #tpu.memory_space<hbm>> -> memref<4617x128xf32, #tpu.memory_space<hbm>>
    tpu.wait_indirect_dma semaphore(%arg22 : memref<!tpu.dma_semaphore, #tpu.memory_space<semaphore_mem>>) src(%dma_wait3A_152 : memref<4617x128xf32, #tpu.memory_space<hbm>>) dst(%arg18 : memref<400x128xf32, #tpu.memory_space<vmem>>)
    %dma_start3A_153 = arith.constant 0 : i32
    %dma_start3A_154 = arith.constant 0 : i32
    %dma_start3A_155 = tpu.memref_slice %arg3[%dma_start3A_153, %dma_start3A_154] : memref<100001x128xf32, #tpu.memory_space<hbm>> -> memref<100001x128xf32, #tpu.memory_space<hbm>>
    tpu.enqueue_indirect_dma source(%dma_start3A_155 : memref<100001x128xf32, #tpu.memory_space<hbm>>) target(%arg18 : memref<400x128xf32, #tpu.memory_space<vmem>>) offsets(%arg14 : memref<400xi32, #tpu.memory_space<vmem>>) semaphore(%arg24 : memref<!tpu.dma_semaphore, #tpu.memory_space<semaphore_mem>>) {add = true}
    %dma_start3A_156 = arith.constant 0 : i32
    %dma_start3A_157 = arith.constant 0 : i32
    %dma_start3A_158 = tpu.memref_slice %arg4[%dma_start3A_156, %dma_start3A_157] : memref<914x128xf32, #tpu.memory_space<hbm>> -> memref<914x128xf32, #tpu.memory_space<hbm>>
    tpu.enqueue_indirect_dma source(%dma_start3A_158 : memref<914x128xf32, #tpu.memory_space<hbm>>) target(%arg18 : memref<400x128xf32, #tpu.memory_space<vmem>>) offsets(%arg16 : memref<400xi32, #tpu.memory_space<vmem>>) semaphore(%arg24 : memref<!tpu.dma_semaphore, #tpu.memory_space<semaphore_mem>>) {add = true}
    %dma_wait3A_159 = tpu.memref_slice %arg5[%add3A_141] : memref<204800xi32, #tpu.memory_space<hbm>> -> memref<400xi32, #tpu.memory_space<hbm>>
    %dma_wait3A_160 = tpu.memref_slice %arg5[%add3A_141] : memref<204800xi32, #tpu.memory_space<hbm>> -> memref<400xi32, #tpu.memory_space<hbm>>
    tpu.wait_dma2 semaphore(%arg21 : memref<!tpu.dma_semaphore, #tpu.memory_space<semaphore_mem>>) src(%dma_wait3A_160 : memref<400xi32, #tpu.memory_space<hbm>>) dst(%arg11 : memref<400xi32, #tpu.memory_space<vmem>>)
    %dma_wait3A_161 = tpu.memref_slice %arg6[%add3A_141] : memref<204800xi32, #tpu.memory_space<hbm>> -> memref<400xi32, #tpu.memory_space<hbm>>
    %dma_wait3A_162 = tpu.memref_slice %arg6[%add3A_141] : memref<204800xi32, #tpu.memory_space<hbm>> -> memref<400xi32, #tpu.memory_space<hbm>>
    tpu.wait_dma2 semaphore(%arg21 : memref<!tpu.dma_semaphore, #tpu.memory_space<semaphore_mem>>) src(%dma_wait3A_162 : memref<400xi32, #tpu.memory_space<hbm>>) dst(%arg13 : memref<400xi32, #tpu.memory_space<vmem>>)
    %dma_wait3A_163 = tpu.memref_slice %arg7[%add3A_141] : memref<204800xi32, #tpu.memory_space<hbm>> -> memref<400xi32, #tpu.memory_space<hbm>>
    %dma_wait3A_164 = tpu.memref_slice %arg7[%add3A_141] : memref<204800xi32, #tpu.memory_space<hbm>> -> memref<400xi32, #tpu.memory_space<hbm>>
    tpu.wait_dma2 semaphore(%arg21 : memref<!tpu.dma_semaphore, #tpu.memory_space<semaphore_mem>>) src(%dma_wait3A_164 : memref<400xi32, #tpu.memory_space<hbm>>) dst(%arg15 : memref<400xi32, #tpu.memory_space<vmem>>)
    %dma_wait3A_165 = tpu.memref_slice %arg8[%add3A_141] : memref<204800xi32, #tpu.memory_space<hbm>> -> memref<400xi32, #tpu.memory_space<hbm>>
    %dma_wait3A_166 = tpu.memref_slice %arg8[%add3A_141] : memref<204800xi32, #tpu.memory_space<hbm>> -> memref<400xi32, #tpu.memory_space<hbm>>
    tpu.wait_dma2 semaphore(%arg21 : memref<!tpu.dma_semaphore, #tpu.memory_space<semaphore_mem>>) src(%dma_wait3A_166 : memref<400xi32, #tpu.memory_space<hbm>>) dst(%arg17 : memref<400xi32, #tpu.memory_space<vmem>>)
    %scan3A_167 = arith.constant 0 : i32
    %scan3A_168 = arith.constant 0 : i32
    %scan3A_169 = arith.constant 25 : i32
    %scan3A_170 = arith.addi %scan3A_168, %scan3A_169 : i32
    %scan3A_171 = arith.constant 1 : i32
    scf.for %scan3A_447 = %scan3A_168 to %scan3A_170 step %scan3A_171  : i32 {
      %mul3A_448 = arith.constant 16 : i32
      %mul3A_449 = arith.muli %scan3A_447, %mul3A_448 : i32
      %get3A = arith.index_cast %mul3A_449 : i32 to index
      %get3A_450 = tpu.vector_load %arg11[%get3A] {strides = array<i32>} : memref<400xi32, #tpu.memory_space<vmem>>, vector<16xi32>,
      %get3A_451 = vector.shape_cast %get3A_450 : vector<16xi32> to vector<16xi32>
      %mul3A_452 = arith.constant 3 : i32
      %mul3A_453 = vector.broadcast %mul3A_452 : i32 to vector<16xi32>
      %mul3A_454 = arith.muli %get3A_451, %mul3A_453 : vector<16xi32>
      %get3A_455 = arith.index_cast %mul3A_449 : i32 to index
      %get3A_456 = tpu.vector_load %arg13[%get3A_455] {strides = array<i32>} : memref<400xi32, #tpu.memory_space<vmem>>, vector<16xi32>,
      %get3A_457 = vector.shape_cast %get3A_456 : vector<16xi32> to vector<16xi32>
      %add3A_458 = arith.addi %mul3A_454, %get3A_457 : vector<16xi32>
      %swap3A = arith.index_cast %mul3A_449 : i32 to index
      %swap3A_459 = tpu.vector_load %arg11[%swap3A] {strides = array<i32>} : memref<400xi32, #tpu.memory_space<vmem>>, vector<16xi32>,
      %swap3A_460 = vector.shape_cast %swap3A_459 : vector<16xi32> to vector<16xi32>
      %swap3A_461 = vector.shape_cast %add3A_458 : vector<16xi32> to vector<16xi32>
      tpu.vector_store %arg11[%swap3A], %swap3A_461 {strides = array<i32>} : memref<400xi32, #tpu.memory_space<vmem>>, vector<16xi32>,
    }
    %scan3A_172 = arith.constant 25 : i32
    %dma_wait3A_173 = arith.constant 0 : i32
    %dma_wait3A_174 = tpu.memref_slice %arg9[%multiple_of3A_132, %dma_wait3A_173] : memref<102400x128xf32, #tpu.memory_space<hbm>> -> memref<400x128xf32, #tpu.memory_space<hbm>>
    %dma_wait3A_175 = arith.constant 0 : i32
    %dma_wait3A_176 = tpu.memref_slice %arg9[%multiple_of3A_132, %dma_wait3A_175] : memref<102400x128xf32, #tpu.memory_space<hbm>> -> memref<400x128xf32, #tpu.memory_space<hbm>>
    tpu.wait_dma2 semaphore(%arg27 : memref<!tpu.dma_semaphore, #tpu.memory_space<semaphore_mem>>) src(%arg19 : memref<400x128xf32, #tpu.memory_space<vmem>>) dst(%dma_wait3A_176 : memref<400x128xf32, #tpu.memory_space<hbm>>)
    %dma_start3A_177 = arith.constant 0 : i32
    %dma_start3A_178 = arith.constant 0 : i32
    %dma_start3A_179 = tpu.memref_slice %arg2[%dma_start3A_177, %dma_start3A_178] : memref<4617x128xf32, #tpu.memory_space<hbm>> -> memref<4617x128xf32, #tpu.memory_space<hbm>>
    tpu.enqueue_indirect_dma source(%dma_start3A_179 : memref<4617x128xf32, #tpu.memory_space<hbm>>) target(%arg19 : memref<400x128xf32, #tpu.memory_space<vmem>>) offsets(%arg11 : memref<400xi32, #tpu.memory_space<vmem>>) semaphore(%arg23 : memref<!tpu.dma_semaphore, #tpu.memory_space<semaphore_mem>>)
    %dma_wait3A_180 = arith.constant 0 : i32
    %dma_wait3A_181 = arith.constant 0 : i32
    %dma_wait3A_182 = tpu.memref_slice %arg3[%dma_wait3A_180, %dma_wait3A_181] : memref<100001x128xf32, #tpu.memory_space<hbm>> -> memref<100001x128xf32, #tpu.memory_space<hbm>>
    tpu.wait_indirect_dma semaphore(%arg24 : memref<!tpu.dma_semaphore, #tpu.memory_space<semaphore_mem>>) src(%dma_wait3A_182 : memref<100001x128xf32, #tpu.memory_space<hbm>>) dst(%arg18 : memref<400x128xf32, #tpu.memory_space<vmem>>)
    %dma_wait3A_183 = arith.constant 0 : i32
    %dma_wait3A_184 = arith.constant 0 : i32
    %dma_wait3A_185 = tpu.memref_slice %arg4[%dma_wait3A_183, %dma_wait3A_184] : memref<914x128xf32, #tpu.memory_space<hbm>> -> memref<914x128xf32, #tpu.memory_space<hbm>>
    tpu.wait_indirect_dma semaphore(%arg24 : memref<!tpu.dma_semaphore, #tpu.memory_space<semaphore_mem>>) src(%dma_wait3A_185 : memref<914x128xf32, #tpu.memory_space<hbm>>) dst(%arg18 : memref<400x128xf32, #tpu.memory_space<vmem>>)
    %add3A_186 = arith.constant 800 : i32
    %add3A_187 = arith.addi %mul3A_2, %add3A_186 : i32
    %multiple_of3A_188 = tpu.assume_multiple %add3A_187, 400 : i32
    %dma_start3A_189 = arith.constant 0 : i32
    %dma_start3A_190 = tpu.memref_slice %arg9[%multiple_of3A_188, %dma_start3A_189] : memref<102400x128xf32, #tpu.memory_space<hbm>> -> memref<400x128xf32, #tpu.memory_space<hbm>>
    %dma_start3A_191 = arith.constant 0 : i32
    %dma_start3A_192 = tpu.memref_slice %arg9[%multiple_of3A_188, %dma_start3A_191] : memref<102400x128xf32, #tpu.memory_space<hbm>> -> memref<400x128xf32, #tpu.memory_space<hbm>>
    tpu.enqueue_dma source(%arg18 : memref<400x128xf32, #tpu.memory_space<vmem>>) target(%dma_start3A_192 : memref<400x128xf32, #tpu.memory_space<hbm>>) target_semaphore(%arg26 : memref<!tpu.dma_semaphore, #tpu.memory_space<semaphore_mem>>)
    %add3A_193 = arith.constant 1600 : i32
    %add3A_194 = arith.addi %mul3A_2, %add3A_193 : i32
    %multiple_of3A_195 = tpu.assume_multiple %add3A_194, 400 : i32
    %add3A_196 = arith.constant 102400 : i32
    %add3A_197 = arith.addi %add3A_196, %multiple_of3A_195 : i32
    %dma_start3A_198 = tpu.memref_slice %arg5[%add3A_197] : memref<204800xi32, #tpu.memory_space<hbm>> -> memref<400xi32, #tpu.memory_space<hbm>>
    %dma_start3A_199 = tpu.memref_slice %arg5[%add3A_197] : memref<204800xi32, #tpu.memory_space<hbm>> -> memref<400xi32, #tpu.memory_space<hbm>>
    tpu.enqueue_dma source(%dma_start3A_199 : memref<400xi32, #tpu.memory_space<hbm>>) target(%arg10 : memref<400xi32, #tpu.memory_space<vmem>>) target_semaphore(%arg20 : memref<!tpu.dma_semaphore, #tpu.memory_space<semaphore_mem>>)
    %dma_start3A_200 = tpu.memref_slice %arg6[%add3A_197] : memref<204800xi32, #tpu.memory_space<hbm>> -> memref<400xi32, #tpu.memory_space<hbm>>
    %dma_start3A_201 = tpu.memref_slice %arg6[%add3A_197] : memref<204800xi32, #tpu.memory_space<hbm>> -> memref<400xi32, #tpu.memory_space<hbm>>
    tpu.enqueue_dma source(%dma_start3A_201 : memref<400xi32, #tpu.memory_space<hbm>>) target(%arg12 : memref<400xi32, #tpu.memory_space<vmem>>) target_semaphore(%arg20 : memref<!tpu.dma_semaphore, #tpu.memory_space<semaphore_mem>>)
    %dma_start3A_202 = tpu.memref_slice %arg7[%add3A_197] : memref<204800xi32, #tpu.memory_space<hbm>> -> memref<400xi32, #tpu.memory_space<hbm>>
    %dma_start3A_203 = tpu.memref_slice %arg7[%add3A_197] : memref<204800xi32, #tpu.memory_space<hbm>> -> memref<400xi32, #tpu.memory_space<hbm>>
    tpu.enqueue_dma source(%dma_start3A_203 : memref<400xi32, #tpu.memory_space<hbm>>) target(%arg14 : memref<400xi32, #tpu.memory_space<vmem>>) target_semaphore(%arg20 : memref<!tpu.dma_semaphore, #tpu.memory_space<semaphore_mem>>)
    %dma_start3A_204 = tpu.memref_slice %arg8[%add3A_197] : memref<204800xi32, #tpu.memory_space<hbm>> -> memref<400xi32, #tpu.memory_space<hbm>>
    %dma_start3A_205 = tpu.memref_slice %arg8[%add3A_197] : memref<204800xi32, #tpu.memory_space<hbm>> -> memref<400xi32, #tpu.memory_space<hbm>>
    tpu.enqueue_dma source(%dma_start3A_205 : memref<400xi32, #tpu.memory_space<hbm>>) target(%arg16 : memref<400xi32, #tpu.memory_space<vmem>>) target_semaphore(%arg20 : memref<!tpu.dma_semaphore, #tpu.memory_space<semaphore_mem>>)
    %dma_wait3A_206 = arith.constant 0 : i32
    %dma_wait3A_207 = arith.constant 0 : i32
    %dma_wait3A_208 = tpu.memref_slice %arg2[%dma_wait3A_206, %dma_wait3A_207] : memref<4617x128xf32, #tpu.memory_space<hbm>> -> memref<4617x128xf32, #tpu.memory_space<hbm>>
    tpu.wait_indirect_dma semaphore(%arg23 : memref<!tpu.dma_semaphore, #tpu.memory_space<semaphore_mem>>) src(%dma_wait3A_208 : memref<4617x128xf32, #tpu.memory_space<hbm>>) dst(%arg19 : memref<400x128xf32, #tpu.memory_space<vmem>>)
    %dma_start3A_209 = arith.constant 0 : i32
    %dma_start3A_210 = arith.constant 0 : i32
    %dma_start3A_211 = tpu.memref_slice %arg3[%dma_start3A_209, %dma_start3A_210] : memref<100001x128xf32, #tpu.memory_space<hbm>> -> memref<100001x128xf32, #tpu.memory_space<hbm>>
    tpu.enqueue_indirect_dma source(%dma_start3A_211 : memref<100001x128xf32, #tpu.memory_space<hbm>>) target(%arg19 : memref<400x128xf32, #tpu.memory_space<vmem>>) offsets(%arg15 : memref<400xi32, #tpu.memory_space<vmem>>) semaphore(%arg25 : memref<!tpu.dma_semaphore, #tpu.memory_space<semaphore_mem>>) {add = true}
    %dma_start3A_212 = arith.constant 0 : i32
    %dma_start3A_213 = arith.constant 0 : i32
    %dma_start3A_214 = tpu.memref_slice %arg4[%dma_start3A_212, %dma_start3A_213] : memref<914x128xf32, #tpu.memory_space<hbm>> -> memref<914x128xf32, #tpu.memory_space<hbm>>
    tpu.enqueue_indirect_dma source(%dma_start3A_214 : memref<914x128xf32, #tpu.memory_space<hbm>>) target(%arg19 : memref<400x128xf32, #tpu.memory_space<vmem>>) offsets(%arg17 : memref<400xi32, #tpu.memory_space<vmem>>) semaphore(%arg25 : memref<!tpu.dma_semaphore, #tpu.memory_space<semaphore_mem>>) {add = true}
    %dma_wait3A_215 = tpu.memref_slice %arg5[%add3A_197] : memref<204800xi32, #tpu.memory_space<hbm>> -> memref<400xi32, #tpu.memory_space<hbm>>
    %dma_wait3A_216 = tpu.memref_slice %arg5[%add3A_197] : memref<204800xi32, #tpu.memory_space<hbm>> -> memref<400xi32, #tpu.memory_space<hbm>>
    tpu.wait_dma2 semaphore(%arg20 : memref<!tpu.dma_semaphore, #tpu.memory_space<semaphore_mem>>) src(%dma_wait3A_216 : memref<400xi32, #tpu.memory_space<hbm>>) dst(%arg10 : memref<400xi32, #tpu.memory_space<vmem>>)
    %dma_wait3A_217 = tpu.memref_slice %arg6[%add3A_197] : memref<204800xi32, #tpu.memory_space<hbm>> -> memref<400xi32, #tpu.memory_space<hbm>>
    %dma_wait3A_218 = tpu.memref_slice %arg6[%add3A_197] : memref<204800xi32, #tpu.memory_space<hbm>> -> memref<400xi32, #tpu.memory_space<hbm>>
    tpu.wait_dma2 semaphore(%arg20 : memref<!tpu.dma_semaphore, #tpu.memory_space<semaphore_mem>>) src(%dma_wait3A_218 : memref<400xi32, #tpu.memory_space<hbm>>) dst(%arg12 : memref<400xi32, #tpu.memory_space<vmem>>)
    %dma_wait3A_219 = tpu.memref_slice %arg7[%add3A_197] : memref<204800xi32, #tpu.memory_space<hbm>> -> memref<400xi32, #tpu.memory_space<hbm>>
    %dma_wait3A_220 = tpu.memref_slice %arg7[%add3A_197] : memref<204800xi32, #tpu.memory_space<hbm>> -> memref<400xi32, #tpu.memory_space<hbm>>
    tpu.wait_dma2 semaphore(%arg20 : memref<!tpu.dma_semaphore, #tpu.memory_space<semaphore_mem>>) src(%dma_wait3A_220 : memref<400xi32, #tpu.memory_space<hbm>>) dst(%arg14 : memref<400xi32, #tpu.memory_space<vmem>>)
    %dma_wait3A_221 = tpu.memref_slice %arg8[%add3A_197] : memref<204800xi32, #tpu.memory_space<hbm>> -> memref<400xi32, #tpu.memory_space<hbm>>
    %dma_wait3A_222 = tpu.memref_slice %arg8[%add3A_197] : memref<204800xi32, #tpu.memory_space<hbm>> -> memref<400xi32, #tpu.memory_space<hbm>>
    tpu.wait_dma2 semaphore(%arg20 : memref<!tpu.dma_semaphore, #tpu.memory_space<semaphore_mem>>) src(%dma_wait3A_222 : memref<400xi32, #tpu.memory_space<hbm>>) dst(%arg16 : memref<400xi32, #tpu.memory_space<vmem>>)
    %scan3A_223 = arith.constant 0 : i32
    %scan3A_224 = arith.constant 0 : i32
    %scan3A_225 = arith.constant 25 : i32
    %scan3A_226 = arith.addi %scan3A_224, %scan3A_225 : i32
    %scan3A_227 = arith.constant 1 : i32
    scf.for %scan3A_447 = %scan3A_224 to %scan3A_226 step %scan3A_227  : i32 {
      %mul3A_448 = arith.constant 16 : i32
      %mul3A_449 = arith.muli %scan3A_447, %mul3A_448 : i32
      %get3A = arith.index_cast %mul3A_449 : i32 to index
      %get3A_450 = tpu.vector_load %arg10[%get3A] {strides = array<i32>} : memref<400xi32, #tpu.memory_space<vmem>>, vector<16xi32>,
      %get3A_451 = vector.shape_cast %get3A_450 : vector<16xi32> to vector<16xi32>
      %mul3A_452 = arith.constant 3 : i32
      %mul3A_453 = vector.broadcast %mul3A_452 : i32 to vector<16xi32>
      %mul3A_454 = arith.muli %get3A_451, %mul3A_453 : vector<16xi32>
      %get3A_455 = arith.index_cast %mul3A_449 : i32 to index
      %get3A_456 = tpu.vector_load %arg12[%get3A_455] {strides = array<i32>} : memref<400xi32, #tpu.memory_space<vmem>>, vector<16xi32>,
      %get3A_457 = vector.shape_cast %get3A_456 : vector<16xi32> to vector<16xi32>
      %add3A_458 = arith.addi %mul3A_454, %get3A_457 : vector<16xi32>
      %swap3A = arith.index_cast %mul3A_449 : i32 to index
      %swap3A_459 = tpu.vector_load %arg10[%swap3A] {strides = array<i32>} : memref<400xi32, #tpu.memory_space<vmem>>, vector<16xi32>,
      %swap3A_460 = vector.shape_cast %swap3A_459 : vector<16xi32> to vector<16xi32>
      %swap3A_461 = vector.shape_cast %add3A_458 : vector<16xi32> to vector<16xi32>
      tpu.vector_store %arg10[%swap3A], %swap3A_461 {strides = array<i32>} : memref<400xi32, #tpu.memory_space<vmem>>, vector<16xi32>,
    }
    %scan3A_228 = arith.constant 25 : i32
    %dma_wait3A_229 = arith.constant 0 : i32
    %dma_wait3A_230 = tpu.memref_slice %arg9[%multiple_of3A_188, %dma_wait3A_229] : memref<102400x128xf32, #tpu.memory_space<hbm>> -> memref<400x128xf32, #tpu.memory_space<hbm>>
    %dma_wait3A_231 = arith.constant 0 : i32
    %dma_wait3A_232 = tpu.memref_slice %arg9[%multiple_of3A_188, %dma_wait3A_231] : memref<102400x128xf32, #tpu.memory_space<hbm>> -> memref<400x128xf32, #tpu.memory_space<hbm>>
    tpu.wait_dma2 semaphore(%arg26 : memref<!tpu.dma_semaphore, #tpu.memory_space<semaphore_mem>>) src(%arg18 : memref<400x128xf32, #tpu.memory_space<vmem>>) dst(%dma_wait3A_232 : memref<400x128xf32, #tpu.memory_space<hbm>>)
    %dma_start3A_233 = arith.constant 0 : i32
    %dma_start3A_234 = arith.constant 0 : i32
    %dma_start3A_235 = tpu.memref_slice %arg2[%dma_start3A_233, %dma_start3A_234] : memref<4617x128xf32, #tpu.memory_space<hbm>> -> memref<4617x128xf32, #tpu.memory_space<hbm>>
    tpu.enqueue_indirect_dma source(%dma_start3A_235 : memref<4617x128xf32, #tpu.memory_space<hbm>>) target(%arg18 : memref<400x128xf32, #tpu.memory_space<vmem>>) offsets(%arg10 : memref<400xi32, #tpu.memory_space<vmem>>) semaphore(%arg22 : memref<!tpu.dma_semaphore, #tpu.memory_space<semaphore_mem>>)
    %dma_wait3A_236 = arith.constant 0 : i32
    %dma_wait3A_237 = arith.constant 0 : i32
    %dma_wait3A_238 = tpu.memref_slice %arg3[%dma_wait3A_236, %dma_wait3A_237] : memref<100001x128xf32, #tpu.memory_space<hbm>> -> memref<100001x128xf32, #tpu.memory_space<hbm>>
    tpu.wait_indirect_dma semaphore(%arg25 : memref<!tpu.dma_semaphore, #tpu.memory_space<semaphore_mem>>) src(%dma_wait3A_238 : memref<100001x128xf32, #tpu.memory_space<hbm>>) dst(%arg19 : memref<400x128xf32, #tpu.memory_space<vmem>>)
    %dma_wait3A_239 = arith.constant 0 : i32
    %dma_wait3A_240 = arith.constant 0 : i32
    %dma_wait3A_241 = tpu.memref_slice %arg4[%dma_wait3A_239, %dma_wait3A_240] : memref<914x128xf32, #tpu.memory_space<hbm>> -> memref<914x128xf32, #tpu.memory_space<hbm>>
    tpu.wait_indirect_dma semaphore(%arg25 : memref<!tpu.dma_semaphore, #tpu.memory_space<semaphore_mem>>) src(%dma_wait3A_241 : memref<914x128xf32, #tpu.memory_space<hbm>>) dst(%arg19 : memref<400x128xf32, #tpu.memory_space<vmem>>)
    %add3A_242 = arith.constant 1200 : i32
    %add3A_243 = arith.addi %mul3A_2, %add3A_242 : i32
    %multiple_of3A_244 = tpu.assume_multiple %add3A_243, 400 : i32
    %dma_start3A_245 = arith.constant 0 : i32
    %dma_start3A_246 = tpu.memref_slice %arg9[%multiple_of3A_244, %dma_start3A_245] : memref<102400x128xf32, #tpu.memory_space<hbm>> -> memref<400x128xf32, #tpu.memory_space<hbm>>
    %dma_start3A_247 = arith.constant 0 : i32
    %dma_start3A_248 = tpu.memref_slice %arg9[%multiple_of3A_244, %dma_start3A_247] : memref<102400x128xf32, #tpu.memory_space<hbm>> -> memref<400x128xf32, #tpu.memory_space<hbm>>
    tpu.enqueue_dma source(%arg19 : memref<400x128xf32, #tpu.memory_space<vmem>>) target(%dma_start3A_248 : memref<400x128xf32, #tpu.memory_space<hbm>>) target_semaphore(%arg27 : memref<!tpu.dma_semaphore, #tpu.memory_space<semaphore_mem>>)
    %add3A_249 = arith.constant 2000 : i32
    %add3A_250 = arith.addi %mul3A_2, %add3A_249 : i32
    %multiple_of3A_251 = tpu.assume_multiple %add3A_250, 400 : i32
    %add3A_252 = arith.constant 102400 : i32
    %add3A_253 = arith.addi %add3A_252, %multiple_of3A_251 : i32
    %dma_start3A_254 = tpu.memref_slice %arg5[%add3A_253] : memref<204800xi32, #tpu.memory_space<hbm>> -> memref<400xi32, #tpu.memory_space<hbm>>
    %dma_start3A_255 = tpu.memref_slice %arg5[%add3A_253] : memref<204800xi32, #tpu.memory_space<hbm>> -> memref<400xi32, #tpu.memory_space<hbm>>
    tpu.enqueue_dma source(%dma_start3A_255 : memref<400xi32, #tpu.memory_space<hbm>>) target(%arg11 : memref<400xi32, #tpu.memory_space<vmem>>) target_semaphore(%arg21 : memref<!tpu.dma_semaphore, #tpu.memory_space<semaphore_mem>>)
    %dma_start3A_256 = tpu.memref_slice %arg6[%add3A_253] : memref<204800xi32, #tpu.memory_space<hbm>> -> memref<400xi32, #tpu.memory_space<hbm>>
    %dma_start3A_257 = tpu.memref_slice %arg6[%add3A_253] : memref<204800xi32, #tpu.memory_space<hbm>> -> memref<400xi32, #tpu.memory_space<hbm>>
    tpu.enqueue_dma source(%dma_start3A_257 : memref<400xi32, #tpu.memory_space<hbm>>) target(%arg13 : memref<400xi32, #tpu.memory_space<vmem>>) target_semaphore(%arg21 : memref<!tpu.dma_semaphore, #tpu.memory_space<semaphore_mem>>)
    %dma_start3A_258 = tpu.memref_slice %arg7[%add3A_253] : memref<204800xi32, #tpu.memory_space<hbm>> -> memref<400xi32, #tpu.memory_space<hbm>>
    %dma_start3A_259 = tpu.memref_slice %arg7[%add3A_253] : memref<204800xi32, #tpu.memory_space<hbm>> -> memref<400xi32, #tpu.memory_space<hbm>>
    tpu.enqueue_dma source(%dma_start3A_259 : memref<400xi32, #tpu.memory_space<hbm>>) target(%arg15 : memref<400xi32, #tpu.memory_space<vmem>>) target_semaphore(%arg21 : memref<!tpu.dma_semaphore, #tpu.memory_space<semaphore_mem>>)
    %dma_start3A_260 = tpu.memref_slice %arg8[%add3A_253] : memref<204800xi32, #tpu.memory_space<hbm>> -> memref<400xi32, #tpu.memory_space<hbm>>
    %dma_start3A_261 = tpu.memref_slice %arg8[%add3A_253] : memref<204800xi32, #tpu.memory_space<hbm>> -> memref<400xi32, #tpu.memory_space<hbm>>
    tpu.enqueue_dma source(%dma_start3A_261 : memref<400xi32, #tpu.memory_space<hbm>>) target(%arg17 : memref<400xi32, #tpu.memory_space<vmem>>) target_semaphore(%arg21 : memref<!tpu.dma_semaphore, #tpu.memory_space<semaphore_mem>>)
    %dma_wait3A_262 = arith.constant 0 : i32
    %dma_wait3A_263 = arith.constant 0 : i32
    %dma_wait3A_264 = tpu.memref_slice %arg2[%dma_wait3A_262, %dma_wait3A_263] : memref<4617x128xf32, #tpu.memory_space<hbm>> -> memref<4617x128xf32, #tpu.memory_space<hbm>>
    tpu.wait_indirect_dma semaphore(%arg22 : memref<!tpu.dma_semaphore, #tpu.memory_space<semaphore_mem>>) src(%dma_wait3A_264 : memref<4617x128xf32, #tpu.memory_space<hbm>>) dst(%arg18 : memref<400x128xf32, #tpu.memory_space<vmem>>)
    %dma_start3A_265 = arith.constant 0 : i32
    %dma_start3A_266 = arith.constant 0 : i32
    %dma_start3A_267 = tpu.memref_slice %arg3[%dma_start3A_265, %dma_start3A_266] : memref<100001x128xf32, #tpu.memory_space<hbm>> -> memref<100001x128xf32, #tpu.memory_space<hbm>>
    tpu.enqueue_indirect_dma source(%dma_start3A_267 : memref<100001x128xf32, #tpu.memory_space<hbm>>) target(%arg18 : memref<400x128xf32, #tpu.memory_space<vmem>>) offsets(%arg14 : memref<400xi32, #tpu.memory_space<vmem>>) semaphore(%arg24 : memref<!tpu.dma_semaphore, #tpu.memory_space<semaphore_mem>>) {add = true}
    %dma_start3A_268 = arith.constant 0 : i32
    %dma_start3A_269 = arith.constant 0 : i32
    %dma_start3A_270 = tpu.memref_slice %arg4[%dma_start3A_268, %dma_start3A_269] : memref<914x128xf32, #tpu.memory_space<hbm>> -> memref<914x128xf32, #tpu.memory_space<hbm>>
    tpu.enqueue_indirect_dma source(%dma_start3A_270 : memref<914x128xf32, #tpu.memory_space<hbm>>) target(%arg18 : memref<400x128xf32, #tpu.memory_space<vmem>>) offsets(%arg16 : memref<400xi32, #tpu.memory_space<vmem>>) semaphore(%arg24 : memref<!tpu.dma_semaphore, #tpu.memory_space<semaphore_mem>>) {add = true}
    %dma_wait3A_271 = tpu.memref_slice %arg5[%add3A_253] : memref<204800xi32, #tpu.memory_space<hbm>> -> memref<400xi32, #tpu.memory_space<hbm>>
    %dma_wait3A_272 = tpu.memref_slice %arg5[%add3A_253] : memref<204800xi32, #tpu.memory_space<hbm>> -> memref<400xi32, #tpu.memory_space<hbm>>
    tpu.wait_dma2 semaphore(%arg21 : memref<!tpu.dma_semaphore, #tpu.memory_space<semaphore_mem>>) src(%dma_wait3A_272 : memref<400xi32, #tpu.memory_space<hbm>>) dst(%arg11 : memref<400xi32, #tpu.memory_space<vmem>>)
    %dma_wait3A_273 = tpu.memref_slice %arg6[%add3A_253] : memref<204800xi32, #tpu.memory_space<hbm>> -> memref<400xi32, #tpu.memory_space<hbm>>
    %dma_wait3A_274 = tpu.memref_slice %arg6[%add3A_253] : memref<204800xi32, #tpu.memory_space<hbm>> -> memref<400xi32, #tpu.memory_space<hbm>>
    tpu.wait_dma2 semaphore(%arg21 : memref<!tpu.dma_semaphore, #tpu.memory_space<semaphore_mem>>) src(%dma_wait3A_274 : memref<400xi32, #tpu.memory_space<hbm>>) dst(%arg13 : memref<400xi32, #tpu.memory_space<vmem>>)
    %dma_wait3A_275 = tpu.memref_slice %arg7[%add3A_253] : memref<204800xi32, #tpu.memory_space<hbm>> -> memref<400xi32, #tpu.memory_space<hbm>>
    %dma_wait3A_276 = tpu.memref_slice %arg7[%add3A_253] : memref<204800xi32, #tpu.memory_space<hbm>> -> memref<400xi32, #tpu.memory_space<hbm>>
    tpu.wait_dma2 semaphore(%arg21 : memref<!tpu.dma_semaphore, #tpu.memory_space<semaphore_mem>>) src(%dma_wait3A_276 : memref<400xi32, #tpu.memory_space<hbm>>) dst(%arg15 : memref<400xi32, #tpu.memory_space<vmem>>)
    %dma_wait3A_277 = tpu.memref_slice %arg8[%add3A_253] : memref<204800xi32, #tpu.memory_space<hbm>> -> memref<400xi32, #tpu.memory_space<hbm>>
    %dma_wait3A_278 = tpu.memref_slice %arg8[%add3A_253] : memref<204800xi32, #tpu.memory_space<hbm>> -> memref<400xi32, #tpu.memory_space<hbm>>
    tpu.wait_dma2 semaphore(%arg21 : memref<!tpu.dma_semaphore, #tpu.memory_space<semaphore_mem>>) src(%dma_wait3A_278 : memref<400xi32, #tpu.memory_space<hbm>>) dst(%arg17 : memref<400xi32, #tpu.memory_space<vmem>>)
    %scan3A_279 = arith.constant 0 : i32
    %scan3A_280 = arith.constant 0 : i32
    %scan3A_281 = arith.constant 25 : i32
    %scan3A_282 = arith.addi %scan3A_280, %scan3A_281 : i32
    %scan3A_283 = arith.constant 1 : i32
    scf.for %scan3A_447 = %scan3A_280 to %scan3A_282 step %scan3A_283  : i32 {
      %mul3A_448 = arith.constant 16 : i32
      %mul3A_449 = arith.muli %scan3A_447, %mul3A_448 : i32
      %get3A = arith.index_cast %mul3A_449 : i32 to index
      %get3A_450 = tpu.vector_load %arg11[%get3A] {strides = array<i32>} : memref<400xi32, #tpu.memory_space<vmem>>, vector<16xi32>,
      %get3A_451 = vector.shape_cast %get3A_450 : vector<16xi32> to vector<16xi32>
      %mul3A_452 = arith.constant 3 : i32
      %mul3A_453 = vector.broadcast %mul3A_452 : i32 to vector<16xi32>
      %mul3A_454 = arith.muli %get3A_451, %mul3A_453 : vector<16xi32>
      %get3A_455 = arith.index_cast %mul3A_449 : i32 to index
      %get3A_456 = tpu.vector_load %arg13[%get3A_455] {strides = array<i32>} : memref<400xi32, #tpu.memory_space<vmem>>, vector<16xi32>,
      %get3A_457 = vector.shape_cast %get3A_456 : vector<16xi32> to vector<16xi32>
      %add3A_458 = arith.addi %mul3A_454, %get3A_457 : vector<16xi32>
      %swap3A = arith.index_cast %mul3A_449 : i32 to index
      %swap3A_459 = tpu.vector_load %arg11[%swap3A] {strides = array<i32>} : memref<400xi32, #tpu.memory_space<vmem>>, vector<16xi32>,
      %swap3A_460 = vector.shape_cast %swap3A_459 : vector<16xi32> to vector<16xi32>
      %swap3A_461 = vector.shape_cast %add3A_458 : vector<16xi32> to vector<16xi32>
      tpu.vector_store %arg11[%swap3A], %swap3A_461 {strides = array<i32>} : memref<400xi32, #tpu.memory_space<vmem>>, vector<16xi32>,
    }
    %scan3A_284 = arith.constant 25 : i32
    %dma_wait3A_285 = arith.constant 0 : i32
    %dma_wait3A_286 = tpu.memref_slice %arg9[%multiple_of3A_244, %dma_wait3A_285] : memref<102400x128xf32, #tpu.memory_space<hbm>> -> memref<400x128xf32, #tpu.memory_space<hbm>>
    %dma_wait3A_287 = arith.constant 0 : i32
    %dma_wait3A_288 = tpu.memref_slice %arg9[%multiple_of3A_244, %dma_wait3A_287] : memref<102400x128xf32, #tpu.memory_space<hbm>> -> memref<400x128xf32, #tpu.memory_space<hbm>>
    tpu.wait_dma2 semaphore(%arg27 : memref<!tpu.dma_semaphore, #tpu.memory_space<semaphore_mem>>) src(%arg19 : memref<400x128xf32, #tpu.memory_space<vmem>>) dst(%dma_wait3A_288 : memref<400x128xf32, #tpu.memory_space<hbm>>)
    %dma_start3A_289 = arith.constant 0 : i32
    %dma_start3A_290 = arith.constant 0 : i32
    %dma_start3A_291 = tpu.memref_slice %arg2[%dma_start3A_289, %dma_start3A_290] : memref<4617x128xf32, #tpu.memory_space<hbm>> -> memref<4617x128xf32, #tpu.memory_space<hbm>>
    tpu.enqueue_indirect_dma source(%dma_start3A_291 : memref<4617x128xf32, #tpu.memory_space<hbm>>) target(%arg19 : memref<400x128xf32, #tpu.memory_space<vmem>>) offsets(%arg11 : memref<400xi32, #tpu.memory_space<vmem>>) semaphore(%arg23 : memref<!tpu.dma_semaphore, #tpu.memory_space<semaphore_mem>>)
    %dma_wait3A_292 = arith.constant 0 : i32
    %dma_wait3A_293 = arith.constant 0 : i32
    %dma_wait3A_294 = tpu.memref_slice %arg3[%dma_wait3A_292, %dma_wait3A_293] : memref<100001x128xf32, #tpu.memory_space<hbm>> -> memref<100001x128xf32, #tpu.memory_space<hbm>>
    tpu.wait_indirect_dma semaphore(%arg24 : memref<!tpu.dma_semaphore, #tpu.memory_space<semaphore_mem>>) src(%dma_wait3A_294 : memref<100001x128xf32, #tpu.memory_space<hbm>>) dst(%arg18 : memref<400x128xf32, #tpu.memory_space<vmem>>)
    %dma_wait3A_295 = arith.constant 0 : i32
    %dma_wait3A_296 = arith.constant 0 : i32
    %dma_wait3A_297 = tpu.memref_slice %arg4[%dma_wait3A_295, %dma_wait3A_296] : memref<914x128xf32, #tpu.memory_space<hbm>> -> memref<914x128xf32, #tpu.memory_space<hbm>>
    tpu.wait_indirect_dma semaphore(%arg24 : memref<!tpu.dma_semaphore, #tpu.memory_space<semaphore_mem>>) src(%dma_wait3A_297 : memref<914x128xf32, #tpu.memory_space<hbm>>) dst(%arg18 : memref<400x128xf32, #tpu.memory_space<vmem>>)
    %add3A_298 = arith.constant 1600 : i32
    %add3A_299 = arith.addi %mul3A_2, %add3A_298 : i32
    %multiple_of3A_300 = tpu.assume_multiple %add3A_299, 400 : i32
    %dma_start3A_301 = arith.constant 0 : i32
    %dma_start3A_302 = tpu.memref_slice %arg9[%multiple_of3A_300, %dma_start3A_301] : memref<102400x128xf32, #tpu.memory_space<hbm>> -> memref<400x128xf32, #tpu.memory_space<hbm>>
    %dma_start3A_303 = arith.constant 0 : i32
    %dma_start3A_304 = tpu.memref_slice %arg9[%multiple_of3A_300, %dma_start3A_303] : memref<102400x128xf32, #tpu.memory_space<hbm>> -> memref<400x128xf32, #tpu.memory_space<hbm>>
    tpu.enqueue_dma source(%arg18 : memref<400x128xf32, #tpu.memory_space<vmem>>) target(%dma_start3A_304 : memref<400x128xf32, #tpu.memory_space<hbm>>) target_semaphore(%arg26 : memref<!tpu.dma_semaphore, #tpu.memory_space<semaphore_mem>>)
    %add3A_305 = arith.constant 2400 : i32
    %add3A_306 = arith.addi %mul3A_2, %add3A_305 : i32
    %multiple_of3A_307 = tpu.assume_multiple %add3A_306, 400 : i32
    %add3A_308 = arith.constant 102400 : i32
    %add3A_309 = arith.addi %add3A_308, %multiple_of3A_307 : i32
    %dma_start3A_310 = tpu.memref_slice %arg5[%add3A_309] : memref<204800xi32, #tpu.memory_space<hbm>> -> memref<400xi32, #tpu.memory_space<hbm>>
    %dma_start3A_311 = tpu.memref_slice %arg5[%add3A_309] : memref<204800xi32, #tpu.memory_space<hbm>> -> memref<400xi32, #tpu.memory_space<hbm>>
    tpu.enqueue_dma source(%dma_start3A_311 : memref<400xi32, #tpu.memory_space<hbm>>) target(%arg10 : memref<400xi32, #tpu.memory_space<vmem>>) target_semaphore(%arg20 : memref<!tpu.dma_semaphore, #tpu.memory_space<semaphore_mem>>)
    %dma_start3A_312 = tpu.memref_slice %arg6[%add3A_309] : memref<204800xi32, #tpu.memory_space<hbm>> -> memref<400xi32, #tpu.memory_space<hbm>>
    %dma_start3A_313 = tpu.memref_slice %arg6[%add3A_309] : memref<204800xi32, #tpu.memory_space<hbm>> -> memref<400xi32, #tpu.memory_space<hbm>>
    tpu.enqueue_dma source(%dma_start3A_313 : memref<400xi32, #tpu.memory_space<hbm>>) target(%arg12 : memref<400xi32, #tpu.memory_space<vmem>>) target_semaphore(%arg20 : memref<!tpu.dma_semaphore, #tpu.memory_space<semaphore_mem>>)
    %dma_start3A_314 = tpu.memref_slice %arg7[%add3A_309] : memref<204800xi32, #tpu.memory_space<hbm>> -> memref<400xi32, #tpu.memory_space<hbm>>
    %dma_start3A_315 = tpu.memref_slice %arg7[%add3A_309] : memref<204800xi32, #tpu.memory_space<hbm>> -> memref<400xi32, #tpu.memory_space<hbm>>
    tpu.enqueue_dma source(%dma_start3A_315 : memref<400xi32, #tpu.memory_space<hbm>>) target(%arg14 : memref<400xi32, #tpu.memory_space<vmem>>) target_semaphore(%arg20 : memref<!tpu.dma_semaphore, #tpu.memory_space<semaphore_mem>>)
    %dma_start3A_316 = tpu.memref_slice %arg8[%add3A_309] : memref<204800xi32, #tpu.memory_space<hbm>> -> memref<400xi32, #tpu.memory_space<hbm>>
    %dma_start3A_317 = tpu.memref_slice %arg8[%add3A_309] : memref<204800xi32, #tpu.memory_space<hbm>> -> memref<400xi32, #tpu.memory_space<hbm>>
    tpu.enqueue_dma source(%dma_start3A_317 : memref<400xi32, #tpu.memory_space<hbm>>) target(%arg16 : memref<400xi32, #tpu.memory_space<vmem>>) target_semaphore(%arg20 : memref<!tpu.dma_semaphore, #tpu.memory_space<semaphore_mem>>)
    %dma_wait3A_318 = arith.constant 0 : i32
    %dma_wait3A_319 = arith.constant 0 : i32
    %dma_wait3A_320 = tpu.memref_slice %arg2[%dma_wait3A_318, %dma_wait3A_319] : memref<4617x128xf32, #tpu.memory_space<hbm>> -> memref<4617x128xf32, #tpu.memory_space<hbm>>
    tpu.wait_indirect_dma semaphore(%arg23 : memref<!tpu.dma_semaphore, #tpu.memory_space<semaphore_mem>>) src(%dma_wait3A_320 : memref<4617x128xf32, #tpu.memory_space<hbm>>) dst(%arg19 : memref<400x128xf32, #tpu.memory_space<vmem>>)
    %dma_start3A_321 = arith.constant 0 : i32
    %dma_start3A_322 = arith.constant 0 : i32
    %dma_start3A_323 = tpu.memref_slice %arg3[%dma_start3A_321, %dma_start3A_322] : memref<100001x128xf32, #tpu.memory_space<hbm>> -> memref<100001x128xf32, #tpu.memory_space<hbm>>
    tpu.enqueue_indirect_dma source(%dma_start3A_323 : memref<100001x128xf32, #tpu.memory_space<hbm>>) target(%arg19 : memref<400x128xf32, #tpu.memory_space<vmem>>) offsets(%arg15 : memref<400xi32, #tpu.memory_space<vmem>>) semaphore(%arg25 : memref<!tpu.dma_semaphore, #tpu.memory_space<semaphore_mem>>) {add = true}
    %dma_start3A_324 = arith.constant 0 : i32
    %dma_start3A_325 = arith.constant 0 : i32
    %dma_start3A_326 = tpu.memref_slice %arg4[%dma_start3A_324, %dma_start3A_325] : memref<914x128xf32, #tpu.memory_space<hbm>> -> memref<914x128xf32, #tpu.memory_space<hbm>>
    tpu.enqueue_indirect_dma source(%dma_start3A_326 : memref<914x128xf32, #tpu.memory_space<hbm>>) target(%arg19 : memref<400x128xf32, #tpu.memory_space<vmem>>) offsets(%arg17 : memref<400xi32, #tpu.memory_space<vmem>>) semaphore(%arg25 : memref<!tpu.dma_semaphore, #tpu.memory_space<semaphore_mem>>) {add = true}
    %dma_wait3A_327 = tpu.memref_slice %arg5[%add3A_309] : memref<204800xi32, #tpu.memory_space<hbm>> -> memref<400xi32, #tpu.memory_space<hbm>>
    %dma_wait3A_328 = tpu.memref_slice %arg5[%add3A_309] : memref<204800xi32, #tpu.memory_space<hbm>> -> memref<400xi32, #tpu.memory_space<hbm>>
    tpu.wait_dma2 semaphore(%arg20 : memref<!tpu.dma_semaphore, #tpu.memory_space<semaphore_mem>>) src(%dma_wait3A_328 : memref<400xi32, #tpu.memory_space<hbm>>) dst(%arg10 : memref<400xi32, #tpu.memory_space<vmem>>)
    %dma_wait3A_329 = tpu.memref_slice %arg6[%add3A_309] : memref<204800xi32, #tpu.memory_space<hbm>> -> memref<400xi32, #tpu.memory_space<hbm>>
    %dma_wait3A_330 = tpu.memref_slice %arg6[%add3A_309] : memref<204800xi32, #tpu.memory_space<hbm>> -> memref<400xi32, #tpu.memory_space<hbm>>
    tpu.wait_dma2 semaphore(%arg20 : memref<!tpu.dma_semaphore, #tpu.memory_space<semaphore_mem>>) src(%dma_wait3A_330 : memref<400xi32, #tpu.memory_space<hbm>>) dst(%arg12 : memref<400xi32, #tpu.memory_space<vmem>>)
    %dma_wait3A_331 = tpu.memref_slice %arg7[%add3A_309] : memref<204800xi32, #tpu.memory_space<hbm>> -> memref<400xi32, #tpu.memory_space<hbm>>
    %dma_wait3A_332 = tpu.memref_slice %arg7[%add3A_309] : memref<204800xi32, #tpu.memory_space<hbm>> -> memref<400xi32, #tpu.memory_space<hbm>>
    tpu.wait_dma2 semaphore(%arg20 : memref<!tpu.dma_semaphore, #tpu.memory_space<semaphore_mem>>) src(%dma_wait3A_332 : memref<400xi32, #tpu.memory_space<hbm>>) dst(%arg14 : memref<400xi32, #tpu.memory_space<vmem>>)
    %dma_wait3A_333 = tpu.memref_slice %arg8[%add3A_309] : memref<204800xi32, #tpu.memory_space<hbm>> -> memref<400xi32, #tpu.memory_space<hbm>>
    %dma_wait3A_334 = tpu.memref_slice %arg8[%add3A_309] : memref<204800xi32, #tpu.memory_space<hbm>> -> memref<400xi32, #tpu.memory_space<hbm>>
    tpu.wait_dma2 semaphore(%arg20 : memref<!tpu.dma_semaphore, #tpu.memory_space<semaphore_mem>>) src(%dma_wait3A_334 : memref<400xi32, #tpu.memory_space<hbm>>) dst(%arg16 : memref<400xi32, #tpu.memory_space<vmem>>)
    %scan3A_335 = arith.constant 0 : i32
    %scan3A_336 = arith.constant 0 : i32
    %scan3A_337 = arith.constant 25 : i32
    %scan3A_338 = arith.addi %scan3A_336, %scan3A_337 : i32
    %scan3A_339 = arith.constant 1 : i32
    scf.for %scan3A_447 = %scan3A_336 to %scan3A_338 step %scan3A_339  : i32 {
      %mul3A_448 = arith.constant 16 : i32
      %mul3A_449 = arith.muli %scan3A_447, %mul3A_448 : i32
      %get3A = arith.index_cast %mul3A_449 : i32 to index
      %get3A_450 = tpu.vector_load %arg10[%get3A] {strides = array<i32>} : memref<400xi32, #tpu.memory_space<vmem>>, vector<16xi32>,
      %get3A_451 = vector.shape_cast %get3A_450 : vector<16xi32> to vector<16xi32>
      %mul3A_452 = arith.constant 3 : i32
      %mul3A_453 = vector.broadcast %mul3A_452 : i32 to vector<16xi32>
      %mul3A_454 = arith.muli %get3A_451, %mul3A_453 : vector<16xi32>
      %get3A_455 = arith.index_cast %mul3A_449 : i32 to index
      %get3A_456 = tpu.vector_load %arg12[%get3A_455] {strides = array<i32>} : memref<400xi32, #tpu.memory_space<vmem>>, vector<16xi32>,
      %get3A_457 = vector.shape_cast %get3A_456 : vector<16xi32> to vector<16xi32>
      %add3A_458 = arith.addi %mul3A_454, %get3A_457 : vector<16xi32>
      %swap3A = arith.index_cast %mul3A_449 : i32 to index
      %swap3A_459 = tpu.vector_load %arg10[%swap3A] {strides = array<i32>} : memref<400xi32, #tpu.memory_space<vmem>>, vector<16xi32>,
      %swap3A_460 = vector.shape_cast %swap3A_459 : vector<16xi32> to vector<16xi32>
      %swap3A_461 = vector.shape_cast %add3A_458 : vector<16xi32> to vector<16xi32>
      tpu.vector_store %arg10[%swap3A], %swap3A_461 {strides = array<i32>} : memref<400xi32, #tpu.memory_space<vmem>>, vector<16xi32>,
    }
    %scan3A_340 = arith.constant 25 : i32
    %dma_wait3A_341 = arith.constant 0 : i32
    %dma_wait3A_342 = tpu.memref_slice %arg9[%multiple_of3A_300, %dma_wait3A_341] : memref<102400x128xf32, #tpu.memory_space<hbm>> -> memref<400x128xf32, #tpu.memory_space<hbm>>
    %dma_wait3A_343 = arith.constant 0 : i32
    %dma_wait3A_344 = tpu.memref_slice %arg9[%multiple_of3A_300, %dma_wait3A_343] : memref<102400x128xf32, #tpu.memory_space<hbm>> -> memref<400x128xf32, #tpu.memory_space<hbm>>
    tpu.wait_dma2 semaphore(%arg26 : memref<!tpu.dma_semaphore, #tpu.memory_space<semaphore_mem>>) src(%arg18 : memref<400x128xf32, #tpu.memory_space<vmem>>) dst(%dma_wait3A_344 : memref<400x128xf32, #tpu.memory_space<hbm>>)
    %dma_start3A_345 = arith.constant 0 : i32
    %dma_start3A_346 = arith.constant 0 : i32
    %dma_start3A_347 = tpu.memref_slice %arg2[%dma_start3A_345, %dma_start3A_346] : memref<4617x128xf32, #tpu.memory_space<hbm>> -> memref<4617x128xf32, #tpu.memory_space<hbm>>
    tpu.enqueue_indirect_dma source(%dma_start3A_347 : memref<4617x128xf32, #tpu.memory_space<hbm>>) target(%arg18 : memref<400x128xf32, #tpu.memory_space<vmem>>) offsets(%arg10 : memref<400xi32, #tpu.memory_space<vmem>>) semaphore(%arg22 : memref<!tpu.dma_semaphore, #tpu.memory_space<semaphore_mem>>)
    %dma_wait3A_348 = arith.constant 0 : i32
    %dma_wait3A_349 = arith.constant 0 : i32
    %dma_wait3A_350 = tpu.memref_slice %arg3[%dma_wait3A_348, %dma_wait3A_349] : memref<100001x128xf32, #tpu.memory_space<hbm>> -> memref<100001x128xf32, #tpu.memory_space<hbm>>
    tpu.wait_indirect_dma semaphore(%arg25 : memref<!tpu.dma_semaphore, #tpu.memory_space<semaphore_mem>>) src(%dma_wait3A_350 : memref<100001x128xf32, #tpu.memory_space<hbm>>) dst(%arg19 : memref<400x128xf32, #tpu.memory_space<vmem>>)
    %dma_wait3A_351 = arith.constant 0 : i32
    %dma_wait3A_352 = arith.constant 0 : i32
    %dma_wait3A_353 = tpu.memref_slice %arg4[%dma_wait3A_351, %dma_wait3A_352] : memref<914x128xf32, #tpu.memory_space<hbm>> -> memref<914x128xf32, #tpu.memory_space<hbm>>
    tpu.wait_indirect_dma semaphore(%arg25 : memref<!tpu.dma_semaphore, #tpu.memory_space<semaphore_mem>>) src(%dma_wait3A_353 : memref<914x128xf32, #tpu.memory_space<hbm>>) dst(%arg19 : memref<400x128xf32, #tpu.memory_space<vmem>>)
    %add3A_354 = arith.constant 2000 : i32
    %add3A_355 = arith.addi %mul3A_2, %add3A_354 : i32
    %multiple_of3A_356 = tpu.assume_multiple %add3A_355, 400 : i32
    %dma_start3A_357 = arith.constant 0 : i32
    %dma_start3A_358 = tpu.memref_slice %arg9[%multiple_of3A_356, %dma_start3A_357] : memref<102400x128xf32, #tpu.memory_space<hbm>> -> memref<400x128xf32, #tpu.memory_space<hbm>>
    %dma_start3A_359 = arith.constant 0 : i32
    %dma_start3A_360 = tpu.memref_slice %arg9[%multiple_of3A_356, %dma_start3A_359] : memref<102400x128xf32, #tpu.memory_space<hbm>> -> memref<400x128xf32, #tpu.memory_space<hbm>>
    tpu.enqueue_dma source(%arg19 : memref<400x128xf32, #tpu.memory_space<vmem>>) target(%dma_start3A_360 : memref<400x128xf32, #tpu.memory_space<hbm>>) target_semaphore(%arg27 : memref<!tpu.dma_semaphore, #tpu.memory_space<semaphore_mem>>)
    %add3A_361 = arith.constant 2800 : i32
    %add3A_362 = arith.addi %mul3A_2, %add3A_361 : i32
    %multiple_of3A_363 = tpu.assume_multiple %add3A_362, 400 : i32
    %add3A_364 = arith.constant 102400 : i32
    %add3A_365 = arith.addi %add3A_364, %multiple_of3A_363 : i32
    %dma_start3A_366 = tpu.memref_slice %arg5[%add3A_365] : memref<204800xi32, #tpu.memory_space<hbm>> -> memref<400xi32, #tpu.memory_space<hbm>>
    %dma_start3A_367 = tpu.memref_slice %arg5[%add3A_365] : memref<204800xi32, #tpu.memory_space<hbm>> -> memref<400xi32, #tpu.memory_space<hbm>>
    tpu.enqueue_dma source(%dma_start3A_367 : memref<400xi32, #tpu.memory_space<hbm>>) target(%arg11 : memref<400xi32, #tpu.memory_space<vmem>>) target_semaphore(%arg21 : memref<!tpu.dma_semaphore, #tpu.memory_space<semaphore_mem>>)
    %dma_start3A_368 = tpu.memref_slice %arg6[%add3A_365] : memref<204800xi32, #tpu.memory_space<hbm>> -> memref<400xi32, #tpu.memory_space<hbm>>
    %dma_start3A_369 = tpu.memref_slice %arg6[%add3A_365] : memref<204800xi32, #tpu.memory_space<hbm>> -> memref<400xi32, #tpu.memory_space<hbm>>
    tpu.enqueue_dma source(%dma_start3A_369 : memref<400xi32, #tpu.memory_space<hbm>>) target(%arg13 : memref<400xi32, #tpu.memory_space<vmem>>) target_semaphore(%arg21 : memref<!tpu.dma_semaphore, #tpu.memory_space<semaphore_mem>>)
    %dma_start3A_370 = tpu.memref_slice %arg7[%add3A_365] : memref<204800xi32, #tpu.memory_space<hbm>> -> memref<400xi32, #tpu.memory_space<hbm>>
    %dma_start3A_371 = tpu.memref_slice %arg7[%add3A_365] : memref<204800xi32, #tpu.memory_space<hbm>> -> memref<400xi32, #tpu.memory_space<hbm>>
    tpu.enqueue_dma source(%dma_start3A_371 : memref<400xi32, #tpu.memory_space<hbm>>) target(%arg15 : memref<400xi32, #tpu.memory_space<vmem>>) target_semaphore(%arg21 : memref<!tpu.dma_semaphore, #tpu.memory_space<semaphore_mem>>)
    %dma_start3A_372 = tpu.memref_slice %arg8[%add3A_365] : memref<204800xi32, #tpu.memory_space<hbm>> -> memref<400xi32, #tpu.memory_space<hbm>>
    %dma_start3A_373 = tpu.memref_slice %arg8[%add3A_365] : memref<204800xi32, #tpu.memory_space<hbm>> -> memref<400xi32, #tpu.memory_space<hbm>>
    tpu.enqueue_dma source(%dma_start3A_373 : memref<400xi32, #tpu.memory_space<hbm>>) target(%arg17 : memref<400xi32, #tpu.memory_space<vmem>>) target_semaphore(%arg21 : memref<!tpu.dma_semaphore, #tpu.memory_space<semaphore_mem>>)
    %dma_wait3A_374 = arith.constant 0 : i32
    %dma_wait3A_375 = arith.constant 0 : i32
    %dma_wait3A_376 = tpu.memref_slice %arg2[%dma_wait3A_374, %dma_wait3A_375] : memref<4617x128xf32, #tpu.memory_space<hbm>> -> memref<4617x128xf32, #tpu.memory_space<hbm>>
    tpu.wait_indirect_dma semaphore(%arg22 : memref<!tpu.dma_semaphore, #tpu.memory_space<semaphore_mem>>) src(%dma_wait3A_376 : memref<4617x128xf32, #tpu.memory_space<hbm>>) dst(%arg18 : memref<400x128xf32, #tpu.memory_space<vmem>>)
    %dma_start3A_377 = arith.constant 0 : i32
    %dma_start3A_378 = arith.constant 0 : i32
    %dma_start3A_379 = tpu.memref_slice %arg3[%dma_start3A_377, %dma_start3A_378] : memref<100001x128xf32, #tpu.memory_space<hbm>> -> memref<100001x128xf32, #tpu.memory_space<hbm>>
    tpu.enqueue_indirect_dma source(%dma_start3A_379 : memref<100001x128xf32, #tpu.memory_space<hbm>>) target(%arg18 : memref<400x128xf32, #tpu.memory_space<vmem>>) offsets(%arg14 : memref<400xi32, #tpu.memory_space<vmem>>) semaphore(%arg24 : memref<!tpu.dma_semaphore, #tpu.memory_space<semaphore_mem>>) {add = true}
    %dma_start3A_380 = arith.constant 0 : i32
    %dma_start3A_381 = arith.constant 0 : i32
    %dma_start3A_382 = tpu.memref_slice %arg4[%dma_start3A_380, %dma_start3A_381] : memref<914x128xf32, #tpu.memory_space<hbm>> -> memref<914x128xf32, #tpu.memory_space<hbm>>
    tpu.enqueue_indirect_dma source(%dma_start3A_382 : memref<914x128xf32, #tpu.memory_space<hbm>>) target(%arg18 : memref<400x128xf32, #tpu.memory_space<vmem>>) offsets(%arg16 : memref<400xi32, #tpu.memory_space<vmem>>) semaphore(%arg24 : memref<!tpu.dma_semaphore, #tpu.memory_space<semaphore_mem>>) {add = true}
    %dma_wait3A_383 = tpu.memref_slice %arg5[%add3A_365] : memref<204800xi32, #tpu.memory_space<hbm>> -> memref<400xi32, #tpu.memory_space<hbm>>
    %dma_wait3A_384 = tpu.memref_slice %arg5[%add3A_365] : memref<204800xi32, #tpu.memory_space<hbm>> -> memref<400xi32, #tpu.memory_space<hbm>>
    tpu.wait_dma2 semaphore(%arg21 : memref<!tpu.dma_semaphore, #tpu.memory_space<semaphore_mem>>) src(%dma_wait3A_384 : memref<400xi32, #tpu.memory_space<hbm>>) dst(%arg11 : memref<400xi32, #tpu.memory_space<vmem>>)
    %dma_wait3A_385 = tpu.memref_slice %arg6[%add3A_365] : memref<204800xi32, #tpu.memory_space<hbm>> -> memref<400xi32, #tpu.memory_space<hbm>>
    %dma_wait3A_386 = tpu.memref_slice %arg6[%add3A_365] : memref<204800xi32, #tpu.memory_space<hbm>> -> memref<400xi32, #tpu.memory_space<hbm>>
    tpu.wait_dma2 semaphore(%arg21 : memref<!tpu.dma_semaphore, #tpu.memory_space<semaphore_mem>>) src(%dma_wait3A_386 : memref<400xi32, #tpu.memory_space<hbm>>) dst(%arg13 : memref<400xi32, #tpu.memory_space<vmem>>)
    %dma_wait3A_387 = tpu.memref_slice %arg7[%add3A_365] : memref<204800xi32, #tpu.memory_space<hbm>> -> memref<400xi32, #tpu.memory_space<hbm>>
    %dma_wait3A_388 = tpu.memref_slice %arg7[%add3A_365] : memref<204800xi32, #tpu.memory_space<hbm>> -> memref<400xi32, #tpu.memory_space<hbm>>
    tpu.wait_dma2 semaphore(%arg21 : memref<!tpu.dma_semaphore, #tpu.memory_space<semaphore_mem>>) src(%dma_wait3A_388 : memref<400xi32, #tpu.memory_space<hbm>>) dst(%arg15 : memref<400xi32, #tpu.memory_space<vmem>>)
    %dma_wait3A_389 = tpu.memref_slice %arg8[%add3A_365] : memref<204800xi32, #tpu.memory_space<hbm>> -> memref<400xi32, #tpu.memory_space<hbm>>
    %dma_wait3A_390 = tpu.memref_slice %arg8[%add3A_365] : memref<204800xi32, #tpu.memory_space<hbm>> -> memref<400xi32, #tpu.memory_space<hbm>>
    tpu.wait_dma2 semaphore(%arg21 : memref<!tpu.dma_semaphore, #tpu.memory_space<semaphore_mem>>) src(%dma_wait3A_390 : memref<400xi32, #tpu.memory_space<hbm>>) dst(%arg17 : memref<400xi32, #tpu.memory_space<vmem>>)
    %scan3A_391 = arith.constant 0 : i32
    %scan3A_392 = arith.constant 0 : i32
    %scan3A_393 = arith.constant 25 : i32
    %scan3A_394 = arith.addi %scan3A_392, %scan3A_393 : i32
    %scan3A_395 = arith.constant 1 : i32
    scf.for %scan3A_447 = %scan3A_392 to %scan3A_394 step %scan3A_395  : i32 {
      %mul3A_448 = arith.constant 16 : i32
      %mul3A_449 = arith.muli %scan3A_447, %mul3A_448 : i32
      %get3A = arith.index_cast %mul3A_449 : i32 to index
      %get3A_450 = tpu.vector_load %arg11[%get3A] {strides = array<i32>} : memref<400xi32, #tpu.memory_space<vmem>>, vector<16xi32>,
      %get3A_451 = vector.shape_cast %get3A_450 : vector<16xi32> to vector<16xi32>
      %mul3A_452 = arith.constant 3 : i32
      %mul3A_453 = vector.broadcast %mul3A_452 : i32 to vector<16xi32>
      %mul3A_454 = arith.muli %get3A_451, %mul3A_453 : vector<16xi32>
      %get3A_455 = arith.index_cast %mul3A_449 : i32 to index
      %get3A_456 = tpu.vector_load %arg13[%get3A_455] {strides = array<i32>} : memref<400xi32, #tpu.memory_space<vmem>>, vector<16xi32>,
      %get3A_457 = vector.shape_cast %get3A_456 : vector<16xi32> to vector<16xi32>
      %add3A_458 = arith.addi %mul3A_454, %get3A_457 : vector<16xi32>
      %swap3A = arith.index_cast %mul3A_449 : i32 to index
      %swap3A_459 = tpu.vector_load %arg11[%swap3A] {strides = array<i32>} : memref<400xi32, #tpu.memory_space<vmem>>, vector<16xi32>,
      %swap3A_460 = vector.shape_cast %swap3A_459 : vector<16xi32> to vector<16xi32>
      %swap3A_461 = vector.shape_cast %add3A_458 : vector<16xi32> to vector<16xi32>
      tpu.vector_store %arg11[%swap3A], %swap3A_461 {strides = array<i32>} : memref<400xi32, #tpu.memory_space<vmem>>, vector<16xi32>,
    }
    %scan3A_396 = arith.constant 25 : i32
    %dma_wait3A_397 = arith.constant 0 : i32
    %dma_wait3A_398 = tpu.memref_slice %arg9[%multiple_of3A_356, %dma_wait3A_397] : memref<102400x128xf32, #tpu.memory_space<hbm>> -> memref<400x128xf32, #tpu.memory_space<hbm>>
    %dma_wait3A_399 = arith.constant 0 : i32
    %dma_wait3A_400 = tpu.memref_slice %arg9[%multiple_of3A_356, %dma_wait3A_399] : memref<102400x128xf32, #tpu.memory_space<hbm>> -> memref<400x128xf32, #tpu.memory_space<hbm>>
    tpu.wait_dma2 semaphore(%arg27 : memref<!tpu.dma_semaphore, #tpu.memory_space<semaphore_mem>>) src(%arg19 : memref<400x128xf32, #tpu.memory_space<vmem>>) dst(%dma_wait3A_400 : memref<400x128xf32, #tpu.memory_space<hbm>>)
    %dma_start3A_401 = arith.constant 0 : i32
    %dma_start3A_402 = arith.constant 0 : i32
    %dma_start3A_403 = tpu.memref_slice %arg2[%dma_start3A_401, %dma_start3A_402] : memref<4617x128xf32, #tpu.memory_space<hbm>> -> memref<4617x128xf32, #tpu.memory_space<hbm>>
    tpu.enqueue_indirect_dma source(%dma_start3A_403 : memref<4617x128xf32, #tpu.memory_space<hbm>>) target(%arg19 : memref<400x128xf32, #tpu.memory_space<vmem>>) offsets(%arg11 : memref<400xi32, #tpu.memory_space<vmem>>) semaphore(%arg23 : memref<!tpu.dma_semaphore, #tpu.memory_space<semaphore_mem>>)
    %dma_wait3A_404 = arith.constant 0 : i32
    %dma_wait3A_405 = arith.constant 0 : i32
    %dma_wait3A_406 = tpu.memref_slice %arg3[%dma_wait3A_404, %dma_wait3A_405] : memref<100001x128xf32, #tpu.memory_space<hbm>> -> memref<100001x128xf32, #tpu.memory_space<hbm>>
    tpu.wait_indirect_dma semaphore(%arg24 : memref<!tpu.dma_semaphore, #tpu.memory_space<semaphore_mem>>) src(%dma_wait3A_406 : memref<100001x128xf32, #tpu.memory_space<hbm>>) dst(%arg18 : memref<400x128xf32, #tpu.memory_space<vmem>>)
    %dma_wait3A_407 = arith.constant 0 : i32
    %dma_wait3A_408 = arith.constant 0 : i32
    %dma_wait3A_409 = tpu.memref_slice %arg4[%dma_wait3A_407, %dma_wait3A_408] : memref<914x128xf32, #tpu.memory_space<hbm>> -> memref<914x128xf32, #tpu.memory_space<hbm>>
    tpu.wait_indirect_dma semaphore(%arg24 : memref<!tpu.dma_semaphore, #tpu.memory_space<semaphore_mem>>) src(%dma_wait3A_409 : memref<914x128xf32, #tpu.memory_space<hbm>>) dst(%arg18 : memref<400x128xf32, #tpu.memory_space<vmem>>)
    %add3A_410 = arith.constant 2400 : i32
    %add3A_411 = arith.addi %mul3A_2, %add3A_410 : i32
    %multiple_of3A_412 = tpu.assume_multiple %add3A_411, 400 : i32
    %dma_start3A_413 = arith.constant 0 : i32
    %dma_start3A_414 = tpu.memref_slice %arg9[%multiple_of3A_412, %dma_start3A_413] : memref<102400x128xf32, #tpu.memory_space<hbm>> -> memref<400x128xf32, #tpu.memory_space<hbm>>
    %dma_start3A_415 = arith.constant 0 : i32
    %dma_start3A_416 = tpu.memref_slice %arg9[%multiple_of3A_412, %dma_start3A_415] : memref<102400x128xf32, #tpu.memory_space<hbm>> -> memref<400x128xf32, #tpu.memory_space<hbm>>
    tpu.enqueue_dma source(%arg18 : memref<400x128xf32, #tpu.memory_space<vmem>>) target(%dma_start3A_416 : memref<400x128xf32, #tpu.memory_space<hbm>>) target_semaphore(%arg26 : memref<!tpu.dma_semaphore, #tpu.memory_space<semaphore_mem>>)
    %dma_wait3A_417 = arith.constant 0 : i32
    %dma_wait3A_418 = arith.constant 0 : i32
    %dma_wait3A_419 = tpu.memref_slice %arg2[%dma_wait3A_417, %dma_wait3A_418] : memref<4617x128xf32, #tpu.memory_space<hbm>> -> memref<4617x128xf32, #tpu.memory_space<hbm>>
    tpu.wait_indirect_dma semaphore(%arg23 : memref<!tpu.dma_semaphore, #tpu.memory_space<semaphore_mem>>) src(%dma_wait3A_419 : memref<4617x128xf32, #tpu.memory_space<hbm>>) dst(%arg19 : memref<400x128xf32, #tpu.memory_space<vmem>>)
    %dma_start3A_420 = arith.constant 0 : i32
    %dma_start3A_421 = arith.constant 0 : i32
    %dma_start3A_422 = tpu.memref_slice %arg3[%dma_start3A_420, %dma_start3A_421] : memref<100001x128xf32, #tpu.memory_space<hbm>> -> memref<100001x128xf32, #tpu.memory_space<hbm>>
    tpu.enqueue_indirect_dma source(%dma_start3A_422 : memref<100001x128xf32, #tpu.memory_space<hbm>>) target(%arg19 : memref<400x128xf32, #tpu.memory_space<vmem>>) offsets(%arg15 : memref<400xi32, #tpu.memory_space<vmem>>) semaphore(%arg25 : memref<!tpu.dma_semaphore, #tpu.memory_space<semaphore_mem>>) {add = true}
    %dma_start3A_423 = arith.constant 0 : i32
    %dma_start3A_424 = arith.constant 0 : i32
    %dma_start3A_425 = tpu.memref_slice %arg4[%dma_start3A_423, %dma_start3A_424] : memref<914x128xf32, #tpu.memory_space<hbm>> -> memref<914x128xf32, #tpu.memory_space<hbm>>
    tpu.enqueue_indirect_dma source(%dma_start3A_425 : memref<914x128xf32, #tpu.memory_space<hbm>>) target(%arg19 : memref<400x128xf32, #tpu.memory_space<vmem>>) offsets(%arg17 : memref<400xi32, #tpu.memory_space<vmem>>) semaphore(%arg25 : memref<!tpu.dma_semaphore, #tpu.memory_space<semaphore_mem>>) {add = true}
    %dma_wait3A_426 = arith.constant 0 : i32
    %dma_wait3A_427 = arith.constant 0 : i32
    %dma_wait3A_428 = tpu.memref_slice %arg3[%dma_wait3A_426, %dma_wait3A_427] : memref<100001x128xf32, #tpu.memory_space<hbm>> -> memref<100001x128xf32, #tpu.memory_space<hbm>>
    tpu.wait_indirect_dma semaphore(%arg25 : memref<!tpu.dma_semaphore, #tpu.memory_space<semaphore_mem>>) src(%dma_wait3A_428 : memref<100001x128xf32, #tpu.memory_space<hbm>>) dst(%arg19 : memref<400x128xf32, #tpu.memory_space<vmem>>)
    %dma_wait3A_429 = arith.constant 0 : i32
    %dma_wait3A_430 = arith.constant 0 : i32
    %dma_wait3A_431 = tpu.memref_slice %arg4[%dma_wait3A_429, %dma_wait3A_430] : memref<914x128xf32, #tpu.memory_space<hbm>> -> memref<914x128xf32, #tpu.memory_space<hbm>>
    tpu.wait_indirect_dma semaphore(%arg25 : memref<!tpu.dma_semaphore, #tpu.memory_space<semaphore_mem>>) src(%dma_wait3A_431 : memref<914x128xf32, #tpu.memory_space<hbm>>) dst(%arg19 : memref<400x128xf32, #tpu.memory_space<vmem>>)
    %add3A_432 = arith.constant 2800 : i32
    %add3A_433 = arith.addi %mul3A_2, %add3A_432 : i32
    %multiple_of3A_434 = tpu.assume_multiple %add3A_433, 400 : i32
    %dma_start3A_435 = arith.constant 0 : i32
    %dma_start3A_436 = tpu.memref_slice %arg9[%multiple_of3A_434, %dma_start3A_435] : memref<102400x128xf32, #tpu.memory_space<hbm>> -> memref<400x128xf32, #tpu.memory_space<hbm>>
    %dma_start3A_437 = arith.constant 0 : i32
    %dma_start3A_438 = tpu.memref_slice %arg9[%multiple_of3A_434, %dma_start3A_437] : memref<102400x128xf32, #tpu.memory_space<hbm>> -> memref<400x128xf32, #tpu.memory_space<hbm>>
    tpu.enqueue_dma source(%arg19 : memref<400x128xf32, #tpu.memory_space<vmem>>) target(%dma_start3A_438 : memref<400x128xf32, #tpu.memory_space<hbm>>) target_semaphore(%arg27 : memref<!tpu.dma_semaphore, #tpu.memory_space<semaphore_mem>>)
    %dma_wait3A_439 = arith.constant 0 : i32
    %dma_wait3A_440 = tpu.memref_slice %arg9[%multiple_of3A_412, %dma_wait3A_439] : memref<102400x128xf32, #tpu.memory_space<hbm>> -> memref<400x128xf32, #tpu.memory_space<hbm>>
    %dma_wait3A_441 = arith.constant 0 : i32
    %dma_wait3A_442 = tpu.memref_slice %arg9[%multiple_of3A_412, %dma_wait3A_441] : memref<102400x128xf32, #tpu.memory_space<hbm>> -> memref<400x128xf32, #tpu.memory_space<hbm>>
    tpu.wait_dma2 semaphore(%arg26 : memref<!tpu.dma_semaphore, #tpu.memory_space<semaphore_mem>>) src(%arg18 : memref<400x128xf32, #tpu.memory_space<vmem>>) dst(%dma_wait3A_442 : memref<400x128xf32, #tpu.memory_space<hbm>>)
    %dma_wait3A_443 = arith.constant 0 : i32
    %dma_wait3A_444 = tpu.memref_slice %arg9[%multiple_of3A_434, %dma_wait3A_443] : memref<102400x128xf32, #tpu.memory_space<hbm>> -> memref<400x128xf32, #tpu.memory_space<hbm>>
    %dma_wait3A_445 = arith.constant 0 : i32
    %dma_wait3A_446 = tpu.memref_slice %arg9[%multiple_of3A_434, %dma_wait3A_445] : memref<102400x128xf32, #tpu.memory_space<hbm>> -> memref<400x128xf32, #tpu.memory_space<hbm>>
    tpu.wait_dma2 semaphore(%arg27 : memref<!tpu.dma_semaphore, #tpu.memory_space<semaphore_mem>>) src(%arg19 : memref<400x128xf32, #tpu.memory_space<vmem>>) dst(%dma_wait3A_446 : memref<400x128xf32, #tpu.memory_space<hbm>>)
    return
  }
}

module attributes {stable_mosaic.version = 14 : i64} {
  func.func @_cross_body(%arg0: memref<1539x64xf32, #tpu.memory_space<vmem>>, %arg1: memref<64x128xf32, #tpu.memory_space<vmem>>, %arg2: memref<3x64xf32, #tpu.memory_space<vmem>>, %arg3: memref<64x128xf32, #tpu.memory_space<vmem>>, %arg4: memref<1x128xf32, #tpu.memory_space<vmem>>, %arg5: memref<1539x3x128xf32, #tpu.memory_space<vmem>>) attributes {dimension_semantics = [], scalar_prefetch = 0 : i64, scratch_operands = 0 : i64, tpu.core_type = #tpu.core_type<tc>} {
    %get3A = arith.constant 0 : index
    %get3A_0 = arith.constant 0 : index
    %get3A_1 = vector.load %arg0[%get3A, %get3A_0] : memref<1539x64xf32, #tpu.memory_space<vmem>>, vector<1539x64xf32>
    %get3A_2 = arith.constant 0 : index
    %get3A_3 = arith.constant 0 : index
    %get3A_4 = vector.load %arg1[%get3A_2, %get3A_3] : memref<64x128xf32, #tpu.memory_space<vmem>>, vector<64x128xf32>
    %dot_general3A = arith.constant dense<0.000000e+00> : vector<1539x128xf32>
    %dot_general3A_5 = tpu.matmul %get3A_1, %get3A_4, %dot_general3A {dimension_numbers = #tpu.dot_dimension_numbers<[1], [0], [0], [1], [0, 0, 1, 1], [], []>, transpose_lhs_hint = false} : vector<1539x64xf32>, vector<64x128xf32>, vector<1539x128xf32> -> vector<1539x128xf32>
    %get3A_6 = arith.constant 0 : index
    %get3A_7 = arith.constant 0 : index
    %get3A_8 = vector.load %arg2[%get3A_6, %get3A_7] : memref<3x64xf32, #tpu.memory_space<vmem>>, vector<3x64xf32>
    %get3A_9 = arith.constant 0 : index
    %get3A_10 = arith.constant 0 : index
    %get3A_11 = vector.load %arg3[%get3A_9, %get3A_10] : memref<64x128xf32, #tpu.memory_space<vmem>>, vector<64x128xf32>
    %dot_general3A_12 = arith.constant dense<0.000000e+00> : vector<3x128xf32>
    %dot_general3A_13 = tpu.matmul %get3A_8, %get3A_11, %dot_general3A_12 {dimension_numbers = #tpu.dot_dimension_numbers<[1], [0], [0], [1], [0, 0, 1, 1], [], []>, transpose_lhs_hint = false} : vector<3x64xf32>, vector<64x128xf32>, vector<3x128xf32> -> vector<3x128xf32>
    %broadcast_in_dim3A = vector.shape_cast %dot_general3A_5 : vector<1539x128xf32> to vector<1539x1x128xf32>
    %broadcast_in_dim3A_14 = vector.shape_cast %dot_general3A_13 : vector<3x128xf32> to vector<1x3x128xf32>
    %add3A = vector.broadcast %broadcast_in_dim3A : vector<1539x1x128xf32> to vector<1539x3x128xf32>
    %add3A_15 = vector.broadcast %broadcast_in_dim3A_14 : vector<1x3x128xf32> to vector<1539x3x128xf32>
    %add3A_16 = arith.addf %add3A, %add3A_15 : vector<1539x3x128xf32>
    %get3A_17 = arith.constant 0 : index
    %get3A_18 = arith.constant 0 : index
    %get3A_19 = vector.load %arg4[%get3A_17, %get3A_18] : memref<1x128xf32, #tpu.memory_space<vmem>>, vector<1x128xf32>
    %broadcast_in_dim3A_20 = vector.shape_cast %get3A_19 : vector<1x128xf32> to vector<1x1x128xf32>
    %add3A_21 = vector.broadcast %broadcast_in_dim3A_20 : vector<1x1x128xf32> to vector<1539x3x128xf32>
    %add3A_22 = arith.addf %add3A_16, %add3A_21 : vector<1539x3x128xf32>
    %swap3A = arith.constant 0 : index
    %swap3A_23 = arith.constant 0 : index
    %swap3A_24 = arith.constant 0 : index
    %swap3A_25 = vector.load %arg5[%swap3A, %swap3A_23, %swap3A_24] : memref<1539x3x128xf32, #tpu.memory_space<vmem>>, vector<1539x3x128xf32>
    tpu.vector_store %arg5[%swap3A, %swap3A_23, %swap3A_24], %add3A_22 {strides = array<i32>} : memref<1539x3x128xf32, #tpu.memory_space<vmem>>, vector<1539x3x128xf32>,
    return
  }
}

module attributes {stable_mosaic.version = 14 : i64} {
  func.func @_proj_body(%arg0: i32, %arg1: memref<2048x64xf32, #tpu.memory_space<vmem>>, %arg2: memref<64x128xf32, #tpu.memory_space<vmem>>, %arg3: memref<2048x128xf32, #tpu.memory_space<vmem>>) attributes {dimension_semantics = [#tpu.dimension_semantics<arbitrary>], iteration_bounds = array<i64: 1>, scalar_prefetch = 0 : i64, scratch_operands = 0 : i64, tpu.core_type = #tpu.core_type<tc>, window_params = [{transform_indices = @transform_0, window_bounds = array<i64: 2048, 64>}, {pipeline_mode = #tpu.pipeline_mode<synchronous>, transform_indices = @transform_1, window_bounds = array<i64: 64, 128>}, {transform_indices = @transform_2, window_bounds = array<i64: 2048, 128>}]} {
    %get3A = arith.constant 0 : index
    %get3A_0 = arith.constant 0 : index
    %get3A_1 = vector.load %arg1[%get3A, %get3A_0] : memref<2048x64xf32, #tpu.memory_space<vmem>>, vector<2048x64xf32>
    %get3A_2 = arith.constant 0 : index
    %get3A_3 = arith.constant 0 : index
    %get3A_4 = vector.load %arg2[%get3A_2, %get3A_3] : memref<64x128xf32, #tpu.memory_space<vmem>>, vector<64x128xf32>
    %dot_general3A = arith.constant dense<0.000000e+00> : vector<2048x128xf32>
    %dot_general3A_5 = tpu.matmul %get3A_1, %get3A_4, %dot_general3A {dimension_numbers = #tpu.dot_dimension_numbers<[1], [0], [0], [1], [0, 0, 1, 1], [], []>, transpose_lhs_hint = false} : vector<2048x64xf32>, vector<64x128xf32>, vector<2048x128xf32> -> vector<2048x128xf32>
    %swap3A = arith.constant 0 : index
    %swap3A_6 = arith.constant 0 : index
    %swap3A_7 = vector.load %arg3[%swap3A, %swap3A_6] : memref<2048x128xf32, #tpu.memory_space<vmem>>, vector<2048x128xf32>
    tpu.vector_store %arg3[%swap3A, %swap3A_6], %dot_general3A_5 {strides = array<i32>} : memref<2048x128xf32, #tpu.memory_space<vmem>>, vector<2048x128xf32>,
    return
  }
  func.func @transform_0(%arg0: i32) -> (i32, i32) {
    %c0_i32 = arith.constant 0 : i32
    %c0_i32_0 = arith.constant 0 : i32
    return %arg0, %c0_i32 : i32, i32
  }
  func.func @transform_1(%arg0: i32) -> (i32, i32) {
    %c0_i32 = arith.constant 0 : i32
    %c0_i32_0 = arith.constant 0 : i32
    %c0_i32_1 = arith.constant 0 : i32
    return %c0_i32, %c0_i32_0 : i32, i32
  }
  func.func @transform_2(%arg0: i32) -> (i32, i32) {
    %c0_i32 = arith.constant 0 : i32
    %c0_i32_0 = arith.constant 0 : i32
    return %arg0, %c0_i32 : i32, i32
  }
}

module attributes {stable_mosaic.version = 14 : i64} {
  func.func @_proj_body_bf16(%arg0: i32, %arg1: memref<2048x64xbf16, #tpu.memory_space<vmem>>, %arg2: memref<64x128xf32, #tpu.memory_space<vmem>>, %arg3: memref<2048x128xf32, #tpu.memory_space<vmem>>) attributes {dimension_semantics = [#tpu.dimension_semantics<arbitrary>], iteration_bounds = array<i64: 49>, scalar_prefetch = 0 : i64, scratch_operands = 0 : i64, tpu.core_type = #tpu.core_type<tc>, window_params = [{transform_indices = @transform_0, window_bounds = array<i64: 2048, 64>}, {pipeline_mode = #tpu.pipeline_mode<synchronous>, transform_indices = @transform_1, window_bounds = array<i64: 64, 128>}, {transform_indices = @transform_2, window_bounds = array<i64: 2048, 128>}]} {
    %get3A = arith.constant 0 : index
    %get3A_0 = arith.constant 0 : index
    %get3A_1 = vector.load %arg1[%get3A, %get3A_0] : memref<2048x64xbf16, #tpu.memory_space<vmem>>, vector<2048x64xbf16>
    %get3A_2 = arith.constant 0 : index
    %get3A_3 = arith.constant 0 : index
    %get3A_4 = vector.load %arg2[%get3A_2, %get3A_3] : memref<64x128xf32, #tpu.memory_space<vmem>>, vector<64x128xf32>
    %convert_element_type3A = arith.truncf %get3A_4 : vector<64x128xf32> to vector<64x128xbf16>
    %dot_general3A = arith.constant dense<0.000000e+00> : vector<2048x128xf32>
    %dot_general3A_5 = tpu.matmul %get3A_1, %convert_element_type3A, %dot_general3A {dimension_numbers = #tpu.dot_dimension_numbers<[1], [0], [0], [1], [0, 0, 1, 1], [], []>, transpose_lhs_hint = false} : vector<2048x64xbf16>, vector<64x128xbf16>, vector<2048x128xf32> -> vector<2048x128xf32>
    %swap3A = arith.constant 0 : index
    %swap3A_6 = arith.constant 0 : index
    %swap3A_7 = vector.load %arg3[%swap3A, %swap3A_6] : memref<2048x128xf32, #tpu.memory_space<vmem>>, vector<2048x128xf32>
    tpu.vector_store %arg3[%swap3A, %swap3A_6], %dot_general3A_5 {strides = array<i32>} : memref<2048x128xf32, #tpu.memory_space<vmem>>, vector<2048x128xf32>,
    return
  }
  func.func @transform_0(%arg0: i32) -> (i32, i32) {
    %c0_i32 = arith.constant 0 : i32
    %c0_i32_0 = arith.constant 0 : i32
    return %arg0, %c0_i32 : i32, i32
  }
  func.func @transform_1(%arg0: i32) -> (i32, i32) {
    %c0_i32 = arith.constant 0 : i32
    %c0_i32_0 = arith.constant 0 : i32
    %c0_i32_1 = arith.constant 0 : i32
    return %c0_i32, %c0_i32_0 : i32, i32
  }
  func.func @transform_2(%arg0: i32) -> (i32, i32) {
    %c0_i32 = arith.constant 0 : i32
    %c0_i32_0 = arith.constant 0 : i32
    return %arg0, %c0_i32 : i32, i32
  }
}

module attributes {stable_mosaic.version = 14 : i64} {
  func.func @_ln_body0(%arg0: i32, %arg1: memref<4096x128xf32, #tpu.memory_space<vmem>>, %arg2: memref<1x128xf32, #tpu.memory_space<vmem>>, %arg3: memref<1x128xf32, #tpu.memory_space<vmem>>, %arg4: memref<4096x128xf32, #tpu.memory_space<vmem>>) attributes {dimension_semantics = [#tpu.dimension_semantics<arbitrary>], iteration_bounds = array<i64: 25>, scalar_prefetch = 0 : i64, scratch_operands = 0 : i64, tpu.core_type = #tpu.core_type<tc>, window_params = [{transform_indices = @transform_0, window_bounds = array<i64: 4096, 128>}, {pipeline_mode = #tpu.pipeline_mode<synchronous>, transform_indices = @transform_1, window_bounds = array<i64: 1, 128>}, {pipeline_mode = #tpu.pipeline_mode<synchronous>, transform_indices = @transform_2, window_bounds = array<i64: 1, 128>}, {transform_indices = @transform_3, window_bounds = array<i64: 4096, 128>}]} {
    %get3A = arith.constant 0 : index
    %get3A_0 = arith.constant 0 : index
    %get3A_1 = vector.load %arg1[%get3A, %get3A_0] : memref<4096x128xf32, #tpu.memory_space<vmem>>, vector<4096x128xf32>
    %get3A_2 = arith.constant 0 : index
    %get3A_3 = arith.constant 0 : index
    %get3A_4 = vector.load %arg2[%get3A_2, %get3A_3] : memref<1x128xf32, #tpu.memory_space<vmem>>, vector<1x128xf32>
    %get3A_5 = arith.constant 0 : index
    %get3A_6 = arith.constant 0 : index
    %get3A_7 = vector.load %arg3[%get3A_5, %get3A_6] : memref<1x128xf32, #tpu.memory_space<vmem>>, vector<1x128xf32>
    %reduce_sum3A = arith.constant dense<0.000000e+00> : vector<4096xf32>
    %reduce_sum3A_8 = vector.multi_reduction <add>, %get3A_1, %reduce_sum3A [1] : vector<4096x128xf32> to vector<4096xf32>
    %broadcast_in_dim3A = vector.shape_cast %reduce_sum3A_8 : vector<4096xf32> to vector<4096x1xf32>
    %div3A = arith.constant 1.280000e+02 : f32
    %div3A_9 = vector.broadcast %div3A : f32 to vector<4096x1xf32>
    %div3A_10 = arith.divf %broadcast_in_dim3A, %div3A_9 : vector<4096x1xf32>
    %sub3A = vector.broadcast %div3A_10 : vector<4096x1xf32> to vector<4096x128xf32>
    %sub3A_11 = arith.subf %get3A_1, %sub3A : vector<4096x128xf32>
    %mul3A = arith.mulf %sub3A_11, %sub3A_11 : vector<4096x128xf32>
    %reduce_sum3A_12 = arith.constant dense<0.000000e+00> : vector<4096xf32>
    %reduce_sum3A_13 = vector.multi_reduction <add>, %mul3A, %reduce_sum3A_12 [1] : vector<4096x128xf32> to vector<4096xf32>
    %broadcast_in_dim3A_14 = vector.shape_cast %reduce_sum3A_13 : vector<4096xf32> to vector<4096x1xf32>
    %div3A_15 = arith.constant 1.280000e+02 : f32
    %div3A_16 = vector.broadcast %div3A_15 : f32 to vector<4096x1xf32>
    %div3A_17 = arith.divf %broadcast_in_dim3A_14, %div3A_16 : vector<4096x1xf32>
    %add3A = arith.constant 9.99999997E-7 : f32
    %add3A_18 = vector.broadcast %add3A : f32 to vector<4096x1xf32>
    %add3A_19 = arith.addf %div3A_17, %add3A_18 : vector<4096x1xf32>
    %rsqrt3A = math.rsqrt %add3A_19 : vector<4096x1xf32>
    %mul3A_20 = vector.broadcast %rsqrt3A : vector<4096x1xf32> to vector<4096x128xf32>
    %mul3A_21 = arith.mulf %sub3A_11, %mul3A_20 : vector<4096x128xf32>
    %mul3A_22 = vector.broadcast %get3A_4 : vector<1x128xf32> to vector<4096x128xf32>
    %mul3A_23 = arith.mulf %mul3A_21, %mul3A_22 : vector<4096x128xf32>
    %add3A_24 = vector.broadcast %get3A_7 : vector<1x128xf32> to vector<4096x128xf32>
    %add3A_25 = arith.addf %mul3A_23, %add3A_24 : vector<4096x128xf32>
    %swap3A = arith.constant 0 : index
    %swap3A_26 = arith.constant 0 : index
    %swap3A_27 = vector.load %arg4[%swap3A, %swap3A_26] : memref<4096x128xf32, #tpu.memory_space<vmem>>, vector<4096x128xf32>
    tpu.vector_store %arg4[%swap3A, %swap3A_26], %add3A_25 {strides = array<i32>} : memref<4096x128xf32, #tpu.memory_space<vmem>>, vector<4096x128xf32>,
    return
  }
  func.func @transform_0(%arg0: i32) -> (i32, i32) {
    %c0_i32 = arith.constant 0 : i32
    %c0_i32_0 = arith.constant 0 : i32
    return %arg0, %c0_i32 : i32, i32
  }
  func.func @transform_1(%arg0: i32) -> (i32, i32) {
    %c0_i32 = arith.constant 0 : i32
    %c0_i32_0 = arith.constant 0 : i32
    %c0_i32_1 = arith.constant 0 : i32
    return %c0_i32, %c0_i32_0 : i32, i32
  }
  func.func @transform_2(%arg0: i32) -> (i32, i32) {
    %c0_i32 = arith.constant 0 : i32
    %c0_i32_0 = arith.constant 0 : i32
    %c0_i32_1 = arith.constant 0 : i32
    return %c0_i32, %c0_i32_0 : i32, i32
  }
  func.func @transform_3(%arg0: i32) -> (i32, i32) {
    %c0_i32 = arith.constant 0 : i32
    %c0_i32_0 = arith.constant 0 : i32
    return %arg0, %c0_i32 : i32, i32
  }
}

module attributes {stable_mosaic.version = 14 : i64} {
  func.func @_ln_body1(%arg0: i32, %arg1: memref<4096x128xf32, #tpu.memory_space<vmem>>, %arg2: memref<1x128xf32, #tpu.memory_space<vmem>>, %arg3: memref<1x128xf32, #tpu.memory_space<vmem>>, %arg4: memref<204800x128xf32, #tpu.memory_space<any>>, %arg5: memref<4096x128xf32, #tpu.memory_space<vmem>>) attributes {dimension_semantics = [#tpu.dimension_semantics<arbitrary>], iteration_bounds = array<i64: 25>, scalar_prefetch = 0 : i64, scratch_operands = 0 : i64, tpu.core_type = #tpu.core_type<tc>, window_params = [{transform_indices = @transform_0, window_bounds = array<i64: 4096, 128>}, {pipeline_mode = #tpu.pipeline_mode<synchronous>, transform_indices = @transform_1, window_bounds = array<i64: 1, 128>}, {pipeline_mode = #tpu.pipeline_mode<synchronous>, transform_indices = @transform_2, window_bounds = array<i64: 1, 128>}, {}, {transform_indices = @transform_4, window_bounds = array<i64: 4096, 128>}]} {
    %get3A = arith.constant 0 : index
    %get3A_0 = arith.constant 0 : index
    %get3A_1 = vector.load %arg1[%get3A, %get3A_0] : memref<4096x128xf32, #tpu.memory_space<vmem>>, vector<4096x128xf32>
    %get3A_2 = arith.constant 0 : index
    %get3A_3 = arith.constant 0 : index
    %get3A_4 = vector.load %arg2[%get3A_2, %get3A_3] : memref<1x128xf32, #tpu.memory_space<vmem>>, vector<1x128xf32>
    %get3A_5 = arith.constant 0 : index
    %get3A_6 = arith.constant 0 : index
    %get3A_7 = vector.load %arg3[%get3A_5, %get3A_6] : memref<1x128xf32, #tpu.memory_space<vmem>>, vector<1x128xf32>
    %reduce_sum3A = arith.constant dense<0.000000e+00> : vector<4096xf32>
    %reduce_sum3A_8 = vector.multi_reduction <add>, %get3A_1, %reduce_sum3A [1] : vector<4096x128xf32> to vector<4096xf32>
    %broadcast_in_dim3A = vector.shape_cast %reduce_sum3A_8 : vector<4096xf32> to vector<4096x1xf32>
    %div3A = arith.constant 1.280000e+02 : f32
    %div3A_9 = vector.broadcast %div3A : f32 to vector<4096x1xf32>
    %div3A_10 = arith.divf %broadcast_in_dim3A, %div3A_9 : vector<4096x1xf32>
    %sub3A = vector.broadcast %div3A_10 : vector<4096x1xf32> to vector<4096x128xf32>
    %sub3A_11 = arith.subf %get3A_1, %sub3A : vector<4096x128xf32>
    %mul3A = arith.mulf %sub3A_11, %sub3A_11 : vector<4096x128xf32>
    %reduce_sum3A_12 = arith.constant dense<0.000000e+00> : vector<4096xf32>
    %reduce_sum3A_13 = vector.multi_reduction <add>, %mul3A, %reduce_sum3A_12 [1] : vector<4096x128xf32> to vector<4096xf32>
    %broadcast_in_dim3A_14 = vector.shape_cast %reduce_sum3A_13 : vector<4096xf32> to vector<4096x1xf32>
    %div3A_15 = arith.constant 1.280000e+02 : f32
    %div3A_16 = vector.broadcast %div3A_15 : f32 to vector<4096x1xf32>
    %div3A_17 = arith.divf %broadcast_in_dim3A_14, %div3A_16 : vector<4096x1xf32>
    %add3A = arith.constant 9.99999997E-7 : f32
    %add3A_18 = vector.broadcast %add3A : f32 to vector<4096x1xf32>
    %add3A_19 = arith.addf %div3A_17, %add3A_18 : vector<4096x1xf32>
    %rsqrt3A = math.rsqrt %add3A_19 : vector<4096x1xf32>
    %mul3A_20 = vector.broadcast %rsqrt3A : vector<4096x1xf32> to vector<4096x128xf32>
    %mul3A_21 = arith.mulf %sub3A_11, %mul3A_20 : vector<4096x128xf32>
    %mul3A_22 = vector.broadcast %get3A_4 : vector<1x128xf32> to vector<4096x128xf32>
    %mul3A_23 = arith.mulf %mul3A_21, %mul3A_22 : vector<4096x128xf32>
    %add3A_24 = vector.broadcast %get3A_7 : vector<1x128xf32> to vector<4096x128xf32>
    %add3A_25 = arith.addf %mul3A_23, %add3A_24 : vector<4096x128xf32>
    %swap3A = arith.constant 0 : index
    %swap3A_26 = arith.constant 0 : index
    %swap3A_27 = vector.load %arg5[%swap3A, %swap3A_26] : memref<4096x128xf32, #tpu.memory_space<vmem>>, vector<4096x128xf32>
    tpu.vector_store %arg5[%swap3A, %swap3A_26], %add3A_25 {strides = array<i32>} : memref<4096x128xf32, #tpu.memory_space<vmem>>, vector<4096x128xf32>,
    return
  }
  func.func @transform_0(%arg0: i32) -> (i32, i32) {
    %c0_i32 = arith.constant 0 : i32
    %c0_i32_0 = arith.constant 0 : i32
    return %arg0, %c0_i32 : i32, i32
  }
  func.func @transform_1(%arg0: i32) -> (i32, i32) {
    %c0_i32 = arith.constant 0 : i32
    %c0_i32_0 = arith.constant 0 : i32
    %c0_i32_1 = arith.constant 0 : i32
    return %c0_i32, %c0_i32_0 : i32, i32
  }
  func.func @transform_2(%arg0: i32) -> (i32, i32) {
    %c0_i32 = arith.constant 0 : i32
    %c0_i32_0 = arith.constant 0 : i32
    %c0_i32_1 = arith.constant 0 : i32
    return %c0_i32, %c0_i32_0 : i32, i32
  }
  func.func @transform_4(%arg0: i32) -> (i32, i32) {
    %add3A = arith.constant 25 : i32
    %add3A_0 = arith.addi %arg0, %add3A : i32
    %c0_i32 = arith.constant 0 : i32
    %c0_i32_1 = arith.constant 0 : i32
    return %add3A_0, %c0_i32 : i32, i32
  }
}

</mosaic_0001>

<sc_bundles>
// kernel: kernel.12.cloned.1.call-start
scs
__scs_entry_jumppad:
0x0: {  	(pc) =	sbr.rel $0x88, $3  }
0x1: {  	(tag) =	ssettag $0x0;
	lr =	simm.s32 $0x1  }
0x2: {  	[smem:$0x3F95] =	sst lr;
	_ =	strace $0xD0000000  }
0x3: {  	_ = 	snop  }
0x4: {  	_ = 	snop  }
0x5: {  	_ = 	snop  }
0x6: {  	_ = 	snop  }
0x7: {  	_ = 	snop  }
__scs_overlays_trampoline_lowered:
0x8: {  	[smem:$0x3FA4] =	sst s0  }
0x9: {  	[smem:$0x3FA5] =	sst s1  }
0xa: {  	[smem:$0x3FA6] =	sst s2  }
0xb: {  	[smem:$0x3FA7] =	sst s3  }
0xc: {  	[smem:$0x3FA8] =	sst s4  }
0xd: {  	[smem:$0x3FA9] =	sst s5  }
0xe: {  	[smem:$0x3FAA] =	sst s6  }
0xf: {  	[smem:$0x3FAB] =	sst s7  }
0x10: {  	[smem:$0x3FAC] =	sst s8  }
0x11: {  	[smem:$0x3FAD] =	sst s9;
	s0 =	simm.s32 @!p0 $0x0  }
0x12: {  	s1 =	sld [smem:$0x3F93];
	s0 =	simm.s32 @p0 $0x1  }
0x13: {  	[smem:$0x3FAE] =	sst s0;
	s0 =	simm.s32 @!p1 $0x0  }
0x14: {  	s2 =	sld [smem:$0x3F92];
	s0 =	simm.s32 @p1 $0x1  }
0x15: {  	[smem:$0x3FAF] =	sst s0;
	s0 =	simm.s32 @!p2 $0x0  }
0x16: {  	s3 =	sld [smem:$0x3FDB];
	s0 =	simm.s32 @p2 $0x1  }
0x17: {  	s4 =	simm.s32 $0x1BF5;
	[smem:$0x3FB1] =	sst s0  }
0x18: {  	s0 =	sld [smem:$0x3F94];
	_ =	swait.ge [sflag:s4], $0x0  }
0x19: {  	s7 =	sld [smem:$0x3F95]  }
0x1a: {  	s8 =	sadd.s32 $0xFFFFE003, lr  }
0x1b: {  	s9 =	sadd.s32 $0xFFFFFEF7, lr;
	s5 =	simm.s32 $0xFFFFFFFF;
	p2 =	slt.u32 s8, $0xFFFFF086  }
0x1c: {  	p1 =	slt.u32 s9, $0xF7A;
	s5 =	simm.s32 @!p2 $0x0  }
0x1d: {  	s5 =	simm.s32 @p1 $0x1;
	p0 =	seq.s32 s7, s2  }
0x1e: {  	s7 =	smul.u32 @!p0 $0xF7A, s2;
	p2 =	seq.s32 @!p0 s5, $0x0  }
0x1f: {  	s9 =	smul.u32 $0xF7A, s1;
	s8 =	simm.s32 @!p0 $0x1BF5;
	p2 =	por !p2, p0  }
0x20: {  	[sflag:s8] =	ssyncset.s32 @!p0 $0xFFFFF086;
	s6 =	sadd.s32 @!p0 s3, s7;
	s7 =	simm.s32 @!p0 $0x108  }
0x21: {  	s3 =	sadd.s32 s3, s9;
	s6 =	sadd.s32 @!p0 $0x88, s6;
	s7 =	simm.s32 @p2 $0x1082  }
0x22: {  	[simem:s7], [sflag:s8] =	dma.local @!p0 [hbm:s6], $0xF7A  }
0x23: {  	s9 =	sor.u32 $0xD0000000, s2;
	s6 =	simm.s32 $0x108;
	_ =	swait.ge @!p0 [sflag:s8], $0x0  }
0x24: {  	s3 =	sadd.s32 $0x88, s3;
	s6 =	simm.s32 @!p1 $0x1082;
	[sflag:s4] =	ssyncset.s32 $0xFFFFF086  }
0x25: {  	[simem:s6], [sflag:s4] =	dma.local [hbm:s3], $0xF7A  }
0x26: {  	[smem:$0x3F95] =	sst s1;
	(tag) =	ssettag s2;
	_ =	strace s9  }
0x27: {  	s1 =	sld [smem:$0x3FA5]  }
0x28: {  	s2 =	sld [smem:$0x3FA6]  }
0x29: {  	s4 =	sld [smem:$0x3FA8]  }
0x2a: {  	p0 =	seq.s32 s5, $0x0;
	s5 =	sld [smem:$0x3FA9]  }
0x2b: {  	s6 =	sld [smem:$0x3FAA]  }
0x2c: {  	s7 =	sld [smem:$0x3FAB]  }
0x2d: {  	s3 =	simm.s32 $0x108;
	s8 =	sld [smem:$0x3FAC]  }
0x2e: {  	s3 =	simm.s32 @!p0 $0x1082;
	s9 =	sld [smem:$0x3FAD]  }
0x2f: {  	lr =	sadd.s32 s0, s3;
	s0 =	sld [smem:$0x3FA4]  }
0x30: {  	s3 =	sld [smem:$0x3FA7]  }
0x31: {  	[smem:$0x3FB0] =	sst s10  }
0x32: {  	s10 =	sld [smem:$0x3FAE];
	_ =	sdelay $0x3  }
0x33: {  	p0 =	seq.s32 s10, $0x1;
	s10 =	sld [smem:$0x3FB0];
	_ =	sdelay $0x3  }
0x34: {  	[smem:$0x3FB0] =	sst s10  }
0x35: {  	s10 =	sld [smem:$0x3FAF];
	_ =	sdelay $0x3  }
0x36: {  	p1 =	seq.s32 s10, $0x1;
	s10 =	sld [smem:$0x3FB0];
	_ =	sdelay $0x3  }
0x37: {  	[smem:$0x3FB0] =	sst s10  }
0x38: {  	s10 =	sld [smem:$0x3FB1]  }
0x39: {  	_ = 	snop;
	(pc) =	sbr.ind lr, $3  }
0x3a: {  	_ = 	snop  }
0x3b: {  	_ = 	snop  }
0x3c: {  	p2 =	seq.s32 s10, $0x1;
	s10 =	sld [smem:$0x3FB0]  }
0x3d: {  	_ =	shalt  }
0x3e: {  	_ =	shalt  }
0x3f: {  	_ =	shalt  }
0x40: {  	_ =	shalt  }
0x41: {  	_ =	shalt  }
0x42: {  	_ =	shalt  }
0x43: {  	_ =	shalt  }
0x44: {  	_ =	shalt  }
0x45: {  	_ =	shalt  }
0x46: {  	_ =	shalt  }
0x47: {  	_ =	shalt  }
0x48: {  	_ =	shalt  }
0x49: {  	_ =	shalt  }
0x4a: {  	_ =	shalt  }
0x4b: {  	_ =	shalt  }
0x4c: {  	_ =	shalt  }
0x4d: {  	_ =	shalt  }
0x4e: {  	_ =	shalt  }
0x4f: {  	_ =	shalt  }
0x50: {  	_ =	shalt  }
0x51: {  	_ =	shalt  }
0x52: {  	_ =	shalt  }
0x53: {  	_ =	shalt  }
0x54: {  	_ =	shalt  }
0x55: {  	_ =	shalt  }
0x56: {  	_ =	shalt  }
0x57: {  	_ =	shalt  }
0x58: {  	_ =	shalt  }
0x59: {  	_ =	shalt  }
0x5a: {  	_ =	shalt  }
0x5b: {  	_ =	shalt  }
0x5c: {  	_ =	shalt  }
0x5d: {  	_ =	shalt  }
0x5e: {  	_ =	shalt  }
0x5f: {  	_ =	shalt  }
0x60: {  	_ =	shalt  }
0x61: {  	_ =	shalt  }
0x62: {  	_ =	shalt  }
0x63: {  	_ =	shalt  }
0x64: {  	_ =	shalt  }
0x65: {  	_ =	shalt  }
0x66: {  	_ =	shalt  }
0x67: {  	_ =	shalt  }
0x68: {  	_ =	shalt  }
0x69: {  	_ =	shalt  }
0x6a: {  	_ =	shalt  }
0x6b: {  	_ =	shalt  }
0x6c: {  	_ =	shalt  }
0x6d: {  	_ =	shalt  }
0x6e: {  	_ =	shalt  }
0x6f: {  	_ =	shalt  }
0x70: {  	_ =	shalt  }
0x71: {  	_ =	shalt  }
0x72: {  	_ =	shalt  }
0x73: {  	_ =	shalt  }
0x74: {  	_ =	shalt  }
0x75: {  	_ =	shalt  }
0x76: {  	_ =	shalt  }
0x77: {  	_ =	shalt  }
0x78: {  	_ =	shalt  }
0x79: {  	_ =	shalt  }
0x7a: {  	_ =	shalt  }
0x7b: {  	_ =	shalt  }
0x7c: {  	_ =	shalt  }
0x7d: {  	_ =	shalt  }
0x7e: {  	_ =	shalt  }
0x7f: {  	_ =	shalt  }
0x80: {  	_ =	shalt  }
0x81: {  	_ =	shalt  }
0x82: {  	_ =	shalt  }
0x83: {  	_ =	shalt  }
0x84: {  	_ =	shalt  }
0x85: {  	_ =	shalt  }
0x86: {  	_ =	shalt  }
0x87: {  	_ =	shalt  }
.Lfunc_end0:
.L_simem_size_0:
called_computation.1_lowered:
.L_overlay_start_0:
0x88: {  	s2 =	sld [smem:$0x3FD9]  }
0x89: {  	s3 =	sld [smem:$0x3FFE];
	_ =	sdelay $0x1  }
0x8a: {  	s1 =	srdreg.scid  }
0x8b: {  	s0 =	sand.u32 $0x1, s1  }
0x8c: {  	s17 =	sshll.u32 s0, $0xA;
	s2 =	sadd.s32 s3, s2  }
0x8d: {  	s2 =	sadd.s32 s2, s17  }
0x8e: {  	[smem:$0x3FBC] =	sst s2  }
0x8f: {  	_ = 	snop  }
0x90: {  	(tm) =	ssettm $0x1  }
0x91: {  	s18 =	sld [smem:$0x3FFB];
	_ =	sdelay $0x3  }
0x92: {  	_ =	strace s18  }
0x93: {  	s2 =	sld [smem:$0x3FFC];
	_ =	sdelay $0x3  }
0x94: {  	_ =	strace s2  }
0x95: {  	s2 =	sld [smem:$0x3FFD];
	_ =	sdelay $0x3  }
0x96: {  	_ =	strace s2  }
0x97: {  	_ =	strace $0x8FFFFFFF  }
0x98: {  	s19 =	sld [smem:$0x3FDB];
	_ =	sdelay $0x1  }
0x99: {  	s20 =	simm.s32 $_scs_section_size  }
0x9a: {  	s4 =	simm.s32 $_size__tile_overlayer_lowered;
	s5 =	simm.s32 $_tile_overlayer_lowered  }
0x9b: {  	s6 =	simm.s32 $0x1BFF;
	s21 =	sshll.u32 s5, $0x1;
	s3 =	sadd.s32 s20, s19  }
0x9c: {  	s22 =	simm.s32 $0x0;
	s4 =	sshll.u32 s4, $0x1;
	s5 =	sadd.s32 s21, s3  }
0x9d: {  	[timem:s22], [sflag:s6] =	dma.local [hbm:s5], s4  }
0x9e: {  	_ =	swait.ge [sflag:s6], s4  }
0x9f: {  	s4 =	ssub.s32 $0x0, s4;
	[sflag:s6] =	ssyncset.done $0x0  }
0xa0: {  	[sflag:s6] =	ssyncadd.s32 s4;
	_ =	sdelay $0x1  }
0xa1: {  	s23 =	simm.s32 $0x1B8B  }
0xa2: {  	_ =	swait.ge [sflag:s23], $0x1  }
0xa3: {  	[sflag:s23] =	ssyncset.done $0x0  }
0xa4: {  	[sflag:s23] =	ssyncadd.s32 $0xFFFFFFFF  }
0xa5: {  	s4 =	sld [smem:$0x0]  }
0xa6: {  	s5 =	sand.u32 $0xFFFFFFFE, s1  }
0xa7: {  	p0 =	sne.s32 s1, s5  }
0xa8: {  	s5 =	sshll.u32 @p0 s5, $0xE  }
0xa9: {  	s5 =	sadd.s32 @p0 $0x11B8D, s5;
	s6 =	sshll.u32 @p0 s4, $0x11  }
0xaa: {  	s5 =	sor.u32 @p0 s6, s5  }
0xab: {  	[sflag:s5] =	ssyncadd.remote.s32 @p0 $0x1;
	_ =	sdelay $0x1  }
0xac: {  	s5 =	simm.s32 @p0 $0x1B8D  }
0xad: {  	_ =	swait.eq @p0 [sflag:s5], $0x1  }
0xae: {  	[sflag:s5] =	ssyncadd.s32 @p0 $0xFFFFFFFF  }
0xaf: {  	s6 =	sshll.u32 @!p0 s1, $0xE  }
0xb0: {  	s6 =	sor.u32 @!p0 $0x4000, s6;
	s5 =	simm.s32 @!p0 $0x1B8D  }
0xb1: {  	s4 =	sshll.u32 @!p0 s4, $0x11;
	s6 =	sadd.s32 @!p0 $0x11B8D, s6;
	_ =	swait.eq @!p0 [sflag:s5], $0x1  }
0xb2: {  	s4 =	sor.u32 @!p0 s4, s6;
	[sflag:s5] =	ssyncadd.s32 @!p0 $0xFFFFFFFF  }
0xb3: {  	s25 =	simm.s32 $0x1B8E;
	s24 =	sld [smem:$0x3FFE];
	[sflag:s4] =	ssyncadd.remote.s32 @!p0 $0x1  }
0xb4: {  	s26 =	simm.s32 $execute0_lowered;
	[smem:$0x3FD2] =	sst s25  }
0xb5: {  	s5 =	sshll.u32 s26, $0x1;
	_ =	strace $0x80000049;
	[dreg:$0x1] =	wrdreg $0xFFFFFFFF  }
0xb6: {  	s28 =	simm.s32 $_size_execute0_lowered;
	s3 =	sadd.s32 s3, s5;
	[dreg:$0x0] =	wrdreg $0x0  }
0xb7: {  	s5 =	sshll.u32 s28, $0x1;
	[dreg:$0x2] =	wrdreg s3  }
0xb8: {  	[dreg:$0x3] =	wrdreg s5  }
0xb9: {  	[dreg:$0x4] =	wrdreg $0xC0  }
0xba: {  	_ =	task [dreg:s22], $0x5FFFF  }
0xbb: {  	[dreg:$0x1] =	wrdreg $0xFFFFFFFF  }
0xbc: {  	[dreg:$0x0] =	wrdreg $0x60  }
0xbd: {  	[dreg:$0x2] =	wrdreg s24  }
0xbe: {  	[dreg:$0x3] =	wrdreg $0xA  }
0xbf: {  	_ =	task.clear_ibuf [dreg:s22], $0x4FFFF;
	_ =	strace $0x90000049  }
0xc0: {  	s29 =	simm.s32 $0xA;
	_ =	strace $0x8000004B  }
0xc1: {  	_ =	swait.ge [sflag:s29], $0x1  }
0xc2: {  	[sflag:s29] =	ssyncadd.s32 $0xFFFFFFFF  }
0xc3: {  	_ =	strace $0x9000004B  }
0xc4: {  	_ =	sfence  }
0xc5: {  	s30 =	sld [smem:$0x0];
	_ =	sdelay $0x2  }
0xc6: {  	s31 =	sshll.u32 s1, $0xD;
	s1 =	sshrl.u32 s1, $0x2  }
0xc7: {  	s4 =	sand.u32 $0x4000, s31;
	s1 =	sadd.s32 s1, s30  }
0xc8: {  	s0 =	sor.u32 s4, s0;
	s1 =	sshll.u32 s1, $0x11  }
0xc9: {  	s0 =	sor.u32 s1, s0  }
0xca: {  	s0 =	sadd.s32 $0x8F2B, s0  }
0xcb: {  	[sflag:s0] =	ssyncadd.remote.s32 $0x1  }
0xcc: {  	_ =	sfence.sel $0xFFFF  }
0xcd: {  	[dreg:$0x0] =	wrdreg $0xFFFFFFFF;
	(pc) =	sbr.abs _section_cstart, $3  }
0xce: {  	[dreg:$0x1] =	wrdreg $0xFFFFFFFF  }
0xcf: {  	_ =	task.clear_ibuf [dreg:s22], $0x2FFFF;
	_ =	strace $0x9FFFFFFF  }
0xd0: {  	(tm) =	ssettm $0x7FFFFFFF  }
0xd1: {  	_ =	shalt  }
tec
execute0_lowered:
.L_overlay_start_1:
0x0: {  	(tag) =	ssettag $0x1  }
0x1: {  	s1 =	srdreg.scid;
	s3 =	stileid.u32  }
0x2: {  	s1 =	sand.u32 $0x1, s1;
	s4 =	sshll.u32 s3, $0x1  }
0x3: {  	s6 =	sor.u32 s1, s4  }
0x4: {  	s7 =	smul.u32 $0xC80, s6  }
0x5: {  	s0 =	rddreg [dreg:$0x0];
	s2 =	simm.s32 $0x0  }
0x6: {  	[smem:$0x7FF] =	sst s2;
	s3 =	sadd.s32 $0x1A400, s0;
	s7 =	sshrl.u32 s7, $0x3  }
0x7: {  	s5 =	sadd.s32 $0x2C600, s0;
	s8 =	sadd.s32 $0x1400, s0;
	s13 =	sadd.s32 $0x3200, s7  }
0x8: {  	s9 =	sadd.s32 $0x14000, s0;
	s10 =	sadd.s32 $0x7800, s0;
	s20 =	sadd.s32 s8, s13  }
0x9: {  	_ =	strace $0x8000004A;
	s21 =	sadd.s32 s9, s13;
	[dreg:$0x2] =	wrdreg s20  }
0xa: {  	s11 =	sadd.s32 $0xDC00, s0;
	s22 =	sadd.s32 s10, s13;
	[dreg:$0x3] =	wrdreg s21  }
0xb: {  	s23 =	sadd.s32 $0x3232, s7;
	s24 =	sadd.s32 s11, s13;
	[dreg:$0x4] =	wrdreg s22  }
0xc: {  	s6 =	smul.u32 $0xC800, s6;
	s25 =	sadd.s32 s8, s23;
	[dreg:$0x5] =	wrdreg s24  }
0xd: {  	s4 =	sadd.s32 $0x30000, s0;
	s26 =	sadd.s32 s9, s23;
	[dreg:$0x6] =	wrdreg s25  }
0xe: {  	s0 =	sadd.s32 s6, s0;
	s13 =	sadd.s32 s10, s23;
	[dreg:$0x7] =	wrdreg s26  }
0xf: {  	s14 =	sadd.s32 $0x3264, s7;
	s6 =	sadd.s32 s11, s23;
	[dreg:$0x8] =	wrdreg s13  }
0x10: {  	s15 =	sadd.s32 s8, s14;
	[dreg:$0x9] =	wrdreg s6  }
0x11: {  	s1 =	ssub.s32 $0x2, s1;
	s16 =	sadd.s32 s9, s14;
	[dreg:$0xa] =	wrdreg s15  }
0x12: {  	s17 =	sadd.s32 $0x3296, s7;
	s18 =	sadd.s32 s10, s14;
	[dreg:$0xb] =	wrdreg s16  }
0x13: {  	s12 =	sshrl.u32 s1, $0x1;
	s19 =	sadd.s32 s8, s17;
	[dreg:$0xc] =	wrdreg s18  }
0x14: {  	s1 =	ssub.s32 s1, s12;
	s12 =	sadd.s32 s11, s17;
	[dreg:$0xe] =	wrdreg s19  }
0x15: {  	s6 =	sadd.s32 s11, s14;
	[dreg:$0x11] =	wrdreg s12  }
0x16: {  	s20 =	sadd.s32 s9, s17;
	[dreg:$0xd] =	wrdreg s6  }
0x17: {  	s21 =	sadd.s32 s10, s17;
	s22 =	sadd.s32 $0x32C8, s7;
	[dreg:$0xf] =	wrdreg s20  }
0x18: {  	[dreg:$0x10] =	wrdreg s21;
	s23 =	sadd.s32 s8, s22  }
0x19: {  	s24 =	sadd.s32 s9, s22;
	[dreg:$0x12] =	wrdreg s23  }
0x1a: {  	s25 =	sadd.s32 s10, s22;
	[dreg:$0x13] =	wrdreg s24  }
0x1b: {  	s26 =	sadd.s32 $0x32FA, s7;
	s6 =	sadd.s32 s11, s22;
	[dreg:$0x14] =	wrdreg s25  }
0x1c: {  	s13 =	sadd.s32 s8, s26;
	[dreg:$0x15] =	wrdreg s6  }
0x1d: {  	s14 =	sadd.s32 s9, s26;
	[dreg:$0x16] =	wrdreg s13  }
0x1e: {  	s16 =	sadd.s32 $0x332C, s7;
	s15 =	sadd.s32 s10, s26;
	[dreg:$0x17] =	wrdreg s14  }
0x1f: {  	s28 =	simm.s32 $0x600;
	s17 =	sadd.s32 s8, s16;
	[dreg:$0x18] =	wrdreg s15  }
0x20: {  	s29 =	simm.s32 $0xA00;
	s18 =	sadd.s32 s9, s16;
	[dreg:$0x1a] =	wrdreg s17  }
0x21: {  	s7 =	sadd.s32 $0x335E, s7;
	s19 =	sadd.s32 s10, s16;
	[dreg:$0x1b] =	wrdreg s18  }
0x22: {  	s30 =	simm.s32 $0xE00;
	s20 =	sadd.s32 s8, s7;
	[dreg:$0x1c] =	wrdreg s19  }
0x23: {  	s31 =	simm.s32 $0x3;
	s21 =	sadd.s32 $0x346C00, s0;
	[dreg:$0x1e] =	wrdreg s20  }
0x24: {  	s22 =	sadd.s32 s9, s7;
	s8 =	simm.s32 $0x7;
	[dreg:$0x1f] =	wrdreg s21  }
0x25: {  	s9 =	simm.s32 $0x6;
	s6 =	sadd.s32 s11, s26;
	[smem:$0x7F9] =	sst s22  }
0x26: {  	s23 =	sadd.s32 $0x348500, s0;
	s24 =	sadd.s32 $0x349E00, s0;
	s25 =	sadd.s32 s10, s7  }
0x27: {  	s26 =	sadd.s32 $0x34B700, s0;
	s14 =	sadd.s32 $0x34D000, s0;
	s15 =	sadd.s32 s11, s7  }
0x28: {  	s17 =	sadd.s32 $0x350200, s0;
	s18 =	sadd.s32 $0x351B00, s0;
	[dreg:$0x19] =	wrdreg s6  }
0x29: {  	s19 =	smax.u32 s1, $0x1;
	s20 =	simm.s32 $0x400;
	[smem:$0x7FA] =	sst s23  }
0x2a: {  	s21 =	simm.s32 $0x800;
	s22 =	simm.s32 $0xC00;
	[smem:$0x7FB] =	sst s24  }
0x2b: {  	s1 =	simm.s32 $0xD800;
	s7 =	simm.s32 $0x4;
	[smem:$0x7FC] =	sst s25  }
0x2c: {  	s10 =	simm.s32 $0x8;
	s6 =	sadd.s32 s11, s16;
	[smem:$0x7FD] =	sst s26  }
0x2d: {  	s16 =	sadd.s32 $0x34E900, s0;
	s23 =	simm.s32 $0x1;
	s24 =	simm.s32 $0x190  }
0x2e: {  	s25 =	simm.s32 $0x1000;
	s26 =	simm.s32 $0x200;
	s0 =	simm.s32 $0x2  }
0x2f: {  	s11 =	simm.s32 $0x0;
	[dreg:$0x1d] =	wrdreg s6;
	s6 =	simm.s32 $0x5  }
.LBB2_1:
0x30: {  	s12 =	rddreg [dreg:$0x2]  }
0x31: {  	[tilespmem:s2], [sflag:$0x1] =	stream.linear.gather [hbm4b:s12+s2], $0x190, $0x38;
	[tilespmem:$0x1A000] =	vst v63  }
0x32: {  	s13 =	rddreg [dreg:$0x3]  }
0x33: {  	[tilespmem:s20], [sflag:$0x1] =	stream.linear.gather [hbm4b:s13+s2], $0x190, $0x38;
	[tilespmem:$0x1A000] =	vst v63  }
0x34: {  	s13 =	rddreg [dreg:$0x4]  }
0x35: {  	[tilespmem:s21], [sflag:$0x1] =	stream.linear.gather [hbm4b:s13+s2], $0x190, $0x38;
	[tilespmem:$0x1A000] =	vst v63  }
0x36: {  	s13 =	rddreg [dreg:$0x5]  }
0x37: {  	[tilespmem:s22], [sflag:$0x1] =	stream.linear.gather [hbm4b:s13+s2], $0x190, $0x38;
	[tilespmem:$0x1A000] =	vst v63  }
0x38: {  	_ =	swait.ge [sflag:s23], $0x190  }
0x39: {  	[sflag:s23] =	ssyncset.done $0x0  }
0x3a: {  	[sflag:s23] =	ssyncadd.s32 $0xFFFFFE70  }
0x3b: {  	_ =	swait.ge [sflag:s23], $0x190  }
0x3c: {  	[sflag:s23] =	ssyncset.done $0x0  }
0x3d: {  	[sflag:s23] =	ssyncadd.s32 $0xFFFFFE70  }
0x3e: {  	_ =	swait.ge [sflag:s23], $0x190  }
0x3f: {  	[sflag:s23] =	ssyncset.done $0x0  }
0x40: {  	[sflag:s23] =	ssyncadd.s32 $0xFFFFFE70  }
0x41: {  	_ =	swait.ge [sflag:s23], $0x190  }
0x42: {  	[sflag:s23] =	ssyncset.done $0x0  }
0x43: {  	s12 =	simm.s32 $0x0;
	s13 =	simm.s32 $0x40;
	[sflag:s23] =	ssyncadd.s32 $0xFFFFFE70  }
.LBB2_2:
0x44: {  	p0 =	sne.s32 s13, $0x600;
	v0 =	vld [tilespmem:s12+$0x0];
	_ =	sdelay $0x1  }
0x45: {  	v1 =	vld [tilespmem:s12+$0x400];
	_ =	sdelay $0x1  }
.Ltmp0:
0x46: {  	(pc) =	sbr.rel @p0 .LBB2_2-.Ltmp0, $3  }
0x47: {  	v0 =	vmul.u32 $0x3, v0;
	_ =	sdelay $0x1  }
0x48: {  	v0 =	vadd.s32 v1, v0  }
0x49: {  	[tilespmem:s12+$0x0] =	vst v0;
	s12 =	sshra.s32 s13, $0x2;
	s13 =	sadd.s32 $0x40, s13  }
0x4a: {  	v0 =	vld [tilespmem:s12+$0x0];
	_ =	sdelay $0x1  }
0x4b: {  	v1 =	vld [tilespmem:s12+$0x400];
	_ =	sdelay $0x2  }
0x4c: {  	v0 =	vmul.u32 $0x3, v0;
	_ =	sdelay $0x1  }
0x4d: {  	v0 =	vadd.s32 v1, v0  }
0x4e: {  	[tilespmem:s12+$0x0] =	vst v0;
	s12 =	simm.s32 $0x0  }
0x4f: {  	[tilespmem:s25], [sflag:$0x3] =	stream.indirect.gather [hbm4b:s3+s24], $0x80, s12, s24, $0xb8;
	[tilespmem:$0x1A000] =	vst v63  }
0x50: {  	s13 =	rddreg [dreg:$0x6]  }
0x51: {  	[tilespmem:s26], [sflag:$0x2] =	stream.linear.gather [hbm4b:s13+s12], $0x190, $0x38;
	[tilespmem:$0x1A000] =	vst v63  }
0x52: {  	s13 =	rddreg [dreg:$0x7]  }
0x53: {  	[tilespmem:s28], [sflag:$0x2] =	stream.linear.gather [hbm4b:s13+s12], $0x190, $0x38;
	[tilespmem:$0x1A000] =	vst v63  }
0x54: {  	s13 =	rddreg [dreg:$0x8]  }
0x55: {  	[tilespmem:s29], [sflag:$0x2] =	stream.linear.gather [hbm4b:s13+s12], $0x190, $0x38;
	[tilespmem:$0x1A000] =	vst v63  }
0x56: {  	s13 =	rddreg [dreg:$0x9]  }
0x57: {  	[tilespmem:s30], [sflag:$0x2] =	stream.linear.gather [hbm4b:s13+s12], $0x190, $0x38;
	[tilespmem:$0x1A000] =	vst v63  }
0x58: {  	_ =	swait.ge [sflag:s31], $0xC800  }
0x59: {  	[sflag:s31] =	ssyncset.done $0x0  }
0x5a: {  	[sflag:s31] =	ssyncadd.s32 $0xFFFF3800  }
0x5b: {  	[tilespmem:s25], [sflag:$0x5] =	stream.indirect.gather.add.f32 [hbm:s4], $0x80, s21, s24, $0xb8;
	[tilespmem:$0x1A000] =	vst v63  }
0x5c: {  	_ = 	snop  }
0x5d: {  	[tilespmem:s25], [sflag:$0x5] =	stream.indirect.gather.add.f32 [hbm:s5], $0x80, s22, s24, $0xb8;
	[tilespmem:$0x1A000] =	vst v63  }
0x5e: {  	_ =	swait.ge [sflag:s0], $0x190  }
0x5f: {  	[sflag:s0] =	ssyncset.done $0x0  }
0x60: {  	[sflag:s0] =	ssyncadd.s32 $0xFFFFFE70  }
0x61: {  	_ =	swait.ge [sflag:s0], $0x190  }
0x62: {  	[sflag:s0] =	ssyncset.done $0x0  }
0x63: {  	[sflag:s0] =	ssyncadd.s32 $0xFFFFFE70  }
0x64: {  	_ =	swait.ge [sflag:s0], $0x190  }
0x65: {  	[sflag:s0] =	ssyncset.done $0x0  }
0x66: {  	[sflag:s0] =	ssyncadd.s32 $0xFFFFFE70  }
0x67: {  	_ =	swait.ge [sflag:s0], $0x190  }
0x68: {  	[sflag:s0] =	ssyncset.done $0x0  }
0x69: {  	s12 =	simm.s32 $0x0;
	s13 =	simm.s32 $0x40;
	[sflag:s0] =	ssyncadd.s32 $0xFFFFFE70  }
.LBB2_4:
0x6a: {  	p0 =	sne.s32 s13, $0x600;
	v0 =	vld [tilespmem:s12+$0x200];
	_ =	sdelay $0x1  }
0x6b: {  	v1 =	vld [tilespmem:s12+$0x600];
	_ =	sdelay $0x1  }
.Ltmp1:
0x6c: {  	(pc) =	sbr.rel @p0 .LBB2_4-.Ltmp1, $3  }
0x6d: {  	v0 =	vmul.u32 $0x3, v0;
	_ =	sdelay $0x1  }
0x6e: {  	v0 =	vadd.s32 v1, v0  }
0x6f: {  	[tilespmem:s12+$0x200] =	vst v0;
	s12 =	sshra.s32 s13, $0x2;
	s13 =	sadd.s32 $0x40, s13  }
0x70: {  	v0 =	vld [tilespmem:s12+$0x200];
	_ =	sdelay $0x1  }
0x71: {  	v1 =	vld [tilespmem:s12+$0x600];
	_ =	sdelay $0x2  }
0x72: {  	v0 =	vmul.u32 $0x3, v0;
	_ =	sdelay $0x1  }
0x73: {  	v0 =	vadd.s32 v1, v0  }
0x74: {  	[tilespmem:s12+$0x200] =	vst v0  }
0x75: {  	[tilespmem:s1], [sflag:$0x4] =	stream.indirect.gather [hbm4b:s3+s24], $0x80, s26, s24, $0xb8;
	[tilespmem:$0x1A000] =	vst v63  }
0x76: {  	_ =	swait.ge [sflag:s6], $0xC800  }
0x77: {  	[sflag:s6] =	ssyncset.done $0x0  }
0x78: {  	[sflag:s6] =	ssyncadd.s32 $0xFFFF3800  }
0x79: {  	_ =	swait.ge [sflag:s6], $0xC800  }
0x7a: {  	[sflag:s6] =	ssyncset.done $0x0  }
0x7b: {  	s12 =	simm.s32 $0x0;
	s13 =	rddreg [dreg:$0x1f];
	[sflag:s6] =	ssyncadd.s32 $0xFFFF3800  }
0x7c: {  	[hbm4b:s13+s12] =	stream.linear.scatter [tilespmem:s25], [sflag:$0x7], $0xC800, $0x38;
	[tilespmem:$0x1A000] =	vst v63  }
0x7d: {  	s13 =	rddreg [dreg:$0xa]  }
0x7e: {  	[tilespmem:s12], [sflag:$0x1] =	stream.linear.gather [hbm4b:s13+s12], $0x190, $0x38;
	[tilespmem:$0x1A000] =	vst v63  }
0x7f: {  	s13 =	rddreg [dreg:$0xb]  }
0x80: {  	[tilespmem:s20], [sflag:$0x1] =	stream.linear.gather [hbm4b:s13+s12], $0x190, $0x38;
	[tilespmem:$0x1A000] =	vst v63  }
0x81: {  	s13 =	rddreg [dreg:$0xc]  }
0x82: {  	[tilespmem:s21], [sflag:$0x1] =	stream.linear.gather [hbm4b:s13+s12], $0x190, $0x38;
	[tilespmem:$0x1A000] =	vst v63  }
0x83: {  	s13 =	rddreg [dreg:$0xd]  }
0x84: {  	[tilespmem:s22], [sflag:$0x1] =	stream.linear.gather [hbm4b:s13+s12], $0x190, $0x38;
	[tilespmem:$0x1A000] =	vst v63  }
0x85: {  	_ =	swait.ge [sflag:s7], $0xC800  }
0x86: {  	[sflag:s7] =	ssyncset.done $0x0  }
0x87: {  	[sflag:s7] =	ssyncadd.s32 $0xFFFF3800  }
0x88: {  	[tilespmem:s1], [sflag:$0x6] =	stream.indirect.gather.add.f32 [hbm:s4], $0x80, s29, s24, $0xb8;
	[tilespmem:$0x1A000] =	vst v63  }
0x89: {  	_ = 	snop  }
0x8a: {  	[tilespmem:s1], [sflag:$0x6] =	stream.indirect.gather.add.f32 [hbm:s5], $0x80, s30, s24, $0xb8;
	[tilespmem:$0x1A000] =	vst v63  }
0x8b: {  	_ =	swait.ge [sflag:s23], $0x190  }
0x8c: {  	[sflag:s23] =	ssyncset.done $0x0  }
0x8d: {  	[sflag:s23] =	ssyncadd.s32 $0xFFFFFE70  }
0x8e: {  	_ =	swait.ge [sflag:s23], $0x190  }
0x8f: {  	[sflag:s23] =	ssyncset.done $0x0  }
0x90: {  	[sflag:s23] =	ssyncadd.s32 $0xFFFFFE70  }
0x91: {  	_ =	swait.ge [sflag:s23], $0x190  }
0x92: {  	[sflag:s23] =	ssyncset.done $0x0  }
0x93: {  	[sflag:s23] =	ssyncadd.s32 $0xFFFFFE70  }
0x94: {  	_ =	swait.ge [sflag:s23], $0x190  }
0x95: {  	[sflag:s23] =	ssyncset.done $0x0  }
0x96: {  	s12 =	simm.s32 $0x0;
	s13 =	simm.s32 $0x40;
	[sflag:s23] =	ssyncadd.s32 $0xFFFFFE70  }
.LBB2_6:
0x97: {  	p0 =	sne.s32 s13, $0x600;
	v0 =	vld [tilespmem:s12+$0x0];
	_ =	sdelay $0x1  }
0x98: {  	v1 =	vld [tilespmem:s12+$0x400];
	_ =	sdelay $0x1  }
.Ltmp2:
0x99: {  	(pc) =	sbr.rel @p0 .LBB2_6-.Ltmp2, $3  }
0x9a: {  	v0 =	vmul.u32 $0x3, v0;
	_ =	sdelay $0x1  }
0x9b: {  	v0 =	vadd.s32 v1, v0  }
0x9c: {  	[tilespmem:s12+$0x0] =	vst v0;
	s12 =	sshra.s32 s13, $0x2;
	s13 =	sadd.s32 $0x40, s13  }
0x9d: {  	v0 =	vld [tilespmem:s12+$0x0];
	_ =	sdelay $0x1  }
0x9e: {  	v1 =	vld [tilespmem:s12+$0x400];
	_ =	sdelay $0x2  }
0x9f: {  	v0 =	vmul.u32 $0x3, v0;
	_ =	sdelay $0x1  }
0xa0: {  	v0 =	vadd.s32 v1, v0  }
0xa1: {  	[tilespmem:s12+$0x0] =	vst v0  }
0xa2: {  	_ =	swait.ge [sflag:s8], $0xC800  }
0xa3: {  	[sflag:s8] =	ssyncset.done $0x0  }
0xa4: {  	s12 =	simm.s32 $0x0;
	[sflag:s8] =	ssyncadd.s32 $0xFFFF3800  }
0xa5: {  	[tilespmem:s25], [sflag:$0x3] =	stream.indirect.gather [hbm4b:s3+s24], $0x80, s12, s24, $0xb8;
	[tilespmem:$0x1A000] =	vst v63  }
0xa6: {  	_ =	swait.ge [sflag:s9], $0xC800  }
0xa7: {  	[sflag:s9] =	ssyncset.done $0x0  }
0xa8: {  	[sflag:s9] =	ssyncadd.s32 $0xFFFF3800  }
0xa9: {  	_ =	swait.ge [sflag:s9], $0xC800  }
0xaa: {  	s13 =	sld [smem:$0x7FA]  }
0xab: {  	[sflag:s9] =	ssyncset.done $0x0  }
0xac: {  	[sflag:s9] =	ssyncadd.s32 $0xFFFF3800  }
0xad: {  	[hbm4b:s13+s12] =	stream.linear.scatter [tilespmem:s1], [sflag:$0x8], $0xC800, $0x38;
	[tilespmem:$0x1A000] =	vst v63  }
0xae: {  	s13 =	rddreg [dreg:$0xe]  }
0xaf: {  	[tilespmem:s26], [sflag:$0x2] =	stream.linear.gather [hbm4b:s13+s12], $0x190, $0x38;
	[tilespmem:$0x1A000] =	vst v63  }
0xb0: {  	s13 =	rddreg [dreg:$0xf]  }
0xb1: {  	[tilespmem:s28], [sflag:$0x2] =	stream.linear.gather [hbm4b:s13+s12], $0x190, $0x38;
	[tilespmem:$0x1A000] =	vst v63  }
0xb2: {  	s13 =	rddreg [dreg:$0x10]  }
0xb3: {  	[tilespmem:s29], [sflag:$0x2] =	stream.linear.gather [hbm4b:s13+s12], $0x190, $0x38;
	[tilespmem:$0x1A000] =	vst v63  }
0xb4: {  	s13 =	rddreg [dreg:$0x11]  }
0xb5: {  	[tilespmem:s30], [sflag:$0x2] =	stream.linear.gather [hbm4b:s13+s12], $0x190, $0x38;
	[tilespmem:$0x1A000] =	vst v63  }
0xb6: {  	_ =	swait.ge [sflag:s31], $0xC800  }
0xb7: {  	[sflag:s31] =	ssyncset.done $0x0  }
0xb8: {  	[sflag:s31] =	ssyncadd.s32 $0xFFFF3800  }
0xb9: {  	[tilespmem:s25], [sflag:$0x5] =	stream.indirect.gather.add.f32 [hbm:s4], $0x80, s21, s24, $0xb8;
	[tilespmem:$0x1A000] =	vst v63  }
0xba: {  	_ = 	snop  }
0xbb: {  	[tilespmem:s25], [sflag:$0x5] =	stream.indirect.gather.add.f32 [hbm:s5], $0x80, s22, s24, $0xb8;
	[tilespmem:$0x1A000] =	vst v63  }
0xbc: {  	_ =	swait.ge [sflag:s0], $0x190  }
0xbd: {  	[sflag:s0] =	ssyncset.done $0x0  }
0xbe: {  	[sflag:s0] =	ssyncadd.s32 $0xFFFFFE70  }
0xbf: {  	_ =	swait.ge [sflag:s0], $0x190  }
0xc0: {  	[sflag:s0] =	ssyncset.done $0x0  }
0xc1: {  	[sflag:s0] =	ssyncadd.s32 $0xFFFFFE70  }
0xc2: {  	_ =	swait.ge [sflag:s0], $0x190  }
0xc3: {  	[sflag:s0] =	ssyncset.done $0x0  }
0xc4: {  	[sflag:s0] =	ssyncadd.s32 $0xFFFFFE70  }
0xc5: {  	_ =	swait.ge [sflag:s0], $0x190  }
0xc6: {  	[sflag:s0] =	ssyncset.done $0x0  }
0xc7: {  	s12 =	simm.s32 $0x0;
	s13 =	simm.s32 $0x40;
	[sflag:s0] =	ssyncadd.s32 $0xFFFFFE70  }
.LBB2_8:
0xc8: {  	p0 =	sne.s32 s13, $0x600;
	v0 =	vld [tilespmem:s12+$0x200];
	_ =	sdelay $0x1  }
0xc9: {  	v1 =	vld [tilespmem:s12+$0x600];
	_ =	sdelay $0x1  }
.Ltmp3:
0xca: {  	(pc) =	sbr.rel @p0 .LBB2_8-.Ltmp3, $3  }
0xcb: {  	v0 =	vmul.u32 $0x3, v0;
	_ =	sdelay $0x1  }
0xcc: {  	v0 =	vadd.s32 v1, v0  }
0xcd: {  	[tilespmem:s12+$0x200] =	vst v0;
	s12 =	sshra.s32 s13, $0x2;
	s13 =	sadd.s32 $0x40, s13  }
0xce: {  	v0 =	vld [tilespmem:s12+$0x200];
	_ =	sdelay $0x1  }
0xcf: {  	v1 =	vld [tilespmem:s12+$0x600];
	_ =	sdelay $0x2  }
0xd0: {  	v0 =	vmul.u32 $0x3, v0;
	_ =	sdelay $0x1  }
0xd1: {  	v0 =	vadd.s32 v1, v0  }
0xd2: {  	[tilespmem:s12+$0x200] =	vst v0  }
0xd3: {  	_ =	swait.ge [sflag:s10], $0xC800  }
0xd4: {  	[sflag:s10] =	ssyncset.done $0x0  }
0xd5: {  	[sflag:s10] =	ssyncadd.s32 $0xFFFF3800  }
0xd6: {  	[tilespmem:s1], [sflag:$0x4] =	stream.indirect.gather [hbm4b:s3+s24], $0x80, s26, s24, $0xb8;
	[tilespmem:$0x1A000] =	vst v63  }
0xd7: {  	_ =	swait.ge [sflag:s6], $0xC800  }
0xd8: {  	[sflag:s6] =	ssyncset.done $0x0  }
0xd9: {  	[sflag:s6] =	ssyncadd.s32 $0xFFFF3800  }
0xda: {  	_ =	swait.ge [sflag:s6], $0xC800  }
0xdb: {  	s13 =	sld [smem:$0x7FB]  }
0xdc: {  	[sflag:s6] =	ssyncset.done $0x0  }
0xdd: {  	s12 =	simm.s32 $0x0;
	[sflag:s6] =	ssyncadd.s32 $0xFFFF3800  }
0xde: {  	[hbm4b:s13+s12] =	stream.linear.scatter [tilespmem:s25], [sflag:$0x7], $0xC800, $0x38;
	[tilespmem:$0x1A000] =	vst v63  }
0xdf: {  	s13 =	rddreg [dreg:$0x12]  }
0xe0: {  	[tilespmem:s12], [sflag:$0x1] =	stream.linear.gather [hbm4b:s13+s12], $0x190, $0x38;
	[tilespmem:$0x1A000] =	vst v63  }
0xe1: {  	s13 =	rddreg [dreg:$0x13]  }
0xe2: {  	[tilespmem:s20], [sflag:$0x1] =	stream.linear.gather [hbm4b:s13+s12], $0x190, $0x38;
	[tilespmem:$0x1A000] =	vst v63  }
0xe3: {  	s13 =	rddreg [dreg:$0x14]  }
0xe4: {  	[tilespmem:s21], [sflag:$0x1] =	stream.linear.gather [hbm4b:s13+s12], $0x190, $0x38;
	[tilespmem:$0x1A000] =	vst v63  }
0xe5: {  	s13 =	rddreg [dreg:$0x15]  }
0xe6: {  	[tilespmem:s22], [sflag:$0x1] =	stream.linear.gather [hbm4b:s13+s12], $0x190, $0x38;
	[tilespmem:$0x1A000] =	vst v63  }
0xe7: {  	_ =	swait.ge [sflag:s7], $0xC800  }
0xe8: {  	[sflag:s7] =	ssyncset.done $0x0  }
0xe9: {  	[sflag:s7] =	ssyncadd.s32 $0xFFFF3800  }
0xea: {  	[tilespmem:s1], [sflag:$0x6] =	stream.indirect.gather.add.f32 [hbm:s4], $0x80, s29, s24, $0xb8;
	[tilespmem:$0x1A000] =	vst v63  }
0xeb: {  	_ = 	snop  }
0xec: {  	[tilespmem:s1], [sflag:$0x6] =	stream.indirect.gather.add.f32 [hbm:s5], $0x80, s30, s24, $0xb8;
	[tilespmem:$0x1A000] =	vst v63  }
0xed: {  	_ =	swait.ge [sflag:s23], $0x190  }
0xee: {  	[sflag:s23] =	ssyncset.done $0x0  }
0xef: {  	[sflag:s23] =	ssyncadd.s32 $0xFFFFFE70  }
0xf0: {  	_ =	swait.ge [sflag:s23], $0x190  }
0xf1: {  	[sflag:s23] =	ssyncset.done $0x0  }
0xf2: {  	[sflag:s23] =	ssyncadd.s32 $0xFFFFFE70  }
0xf3: {  	_ =	swait.ge [sflag:s23], $0x190  }
0xf4: {  	[sflag:s23] =	ssyncset.done $0x0  }
0xf5: {  	[sflag:s23] =	ssyncadd.s32 $0xFFFFFE70  }
0xf6: {  	_ =	swait.ge [sflag:s23], $0x190  }
0xf7: {  	[sflag:s23] =	ssyncset.done $0x0  }
0xf8: {  	s12 =	simm.s32 $0x0;
	s13 =	simm.s32 $0x40;
	[sflag:s23] =	ssyncadd.s32 $0xFFFFFE70  }
.LBB2_10:
0xf9: {  	p0 =	sne.s32 s13, $0x600;
	v0 =	vld [tilespmem:s12+$0x0];
	_ =	sdelay $0x1  }
0xfa: {  	v1 =	vld [tilespmem:s12+$0x400];
	_ =	sdelay $0x1  }
.Ltmp4:
0xfb: {  	(pc) =	sbr.rel @p0 .LBB2_10-.Ltmp4, $3  }
0xfc: {  	v0 =	vmul.u32 $0x3, v0;
	_ =	sdelay $0x1  }
0xfd: {  	v0 =	vadd.s32 v1, v0  }
0xfe: {  	[tilespmem:s12+$0x0] =	vst v0;
	s12 =	sshra.s32 s13, $0x2;
	s13 =	sadd.s32 $0x40, s13  }
0xff: {  	v0 =	vld [tilespmem:s12+$0x0];
	_ =	sdelay $0x1  }
0x100: {  	v1 =	vld [tilespmem:s12+$0x400];
	_ =	sdelay $0x2  }
0x101: {  	v0 =	vmul.u32 $0x3, v0;
	_ =	sdelay $0x1  }
0x102: {  	v0 =	vadd.s32 v1, v0  }
0x103: {  	[tilespmem:s12+$0x0] =	vst v0  }
0x104: {  	_ =	swait.ge [sflag:s8], $0xC800  }
0x105: {  	[sflag:s8] =	ssyncset.done $0x0  }
0x106: {  	s12 =	simm.s32 $0x0;
	[sflag:s8] =	ssyncadd.s32 $0xFFFF3800  }
0x107: {  	[tilespmem:s25], [sflag:$0x3] =	stream.indirect.gather [hbm4b:s3+s24], $0x80, s12, s24, $0xb8;
	[tilespmem:$0x1A000] =	vst v63  }
0x108: {  	_ =	swait.ge [sflag:s9], $0xC800  }
0x109: {  	[sflag:s9] =	ssyncset.done $0x0  }
0x10a: {  	[sflag:s9] =	ssyncadd.s32 $0xFFFF3800  }
0x10b: {  	_ =	swait.ge [sflag:s9], $0xC800  }
0x10c: {  	s13 =	sld [smem:$0x7FD]  }
0x10d: {  	[sflag:s9] =	ssyncset.done $0x0  }
0x10e: {  	[sflag:s9] =	ssyncadd.s32 $0xFFFF3800  }
0x10f: {  	[hbm4b:s13+s12] =	stream.linear.scatter [tilespmem:s1], [sflag:$0x8], $0xC800, $0x38;
	[tilespmem:$0x1A000] =	vst v63  }
0x110: {  	s13 =	rddreg [dreg:$0x16]  }
0x111: {  	[tilespmem:s26], [sflag:$0x2] =	stream.linear.gather [hbm4b:s13+s12], $0x190, $0x38;
	[tilespmem:$0x1A000] =	vst v63  }
0x112: {  	s13 =	rddreg [dreg:$0x17]  }
0x113: {  	[tilespmem:s28], [sflag:$0x2] =	stream.linear.gather [hbm4b:s13+s12], $0x190, $0x38;
	[tilespmem:$0x1A000] =	vst v63  }
0x114: {  	s13 =	rddreg [dreg:$0x18]  }
0x115: {  	[tilespmem:s29], [sflag:$0x2] =	stream.linear.gather [hbm4b:s13+s12], $0x190, $0x38;
	[tilespmem:$0x1A000] =	vst v63  }
0x116: {  	s13 =	rddreg [dreg:$0x19]  }
0x117: {  	[tilespmem:s30], [sflag:$0x2] =	stream.linear.gather [hbm4b:s13+s12], $0x190, $0x38;
	[tilespmem:$0x1A000] =	vst v63  }
0x118: {  	_ =	swait.ge [sflag:s31], $0xC800  }
0x119: {  	[sflag:s31] =	ssyncset.done $0x0  }
0x11a: {  	[sflag:s31] =	ssyncadd.s32 $0xFFFF3800  }
0x11b: {  	[tilespmem:s25], [sflag:$0x5] =	stream.indirect.gather.add.f32 [hbm:s4], $0x80, s21, s24, $0xb8;
	[tilespmem:$0x1A000] =	vst v63  }
0x11c: {  	_ = 	snop  }
0x11d: {  	[tilespmem:s25], [sflag:$0x5] =	stream.indirect.gather.add.f32 [hbm:s5], $0x80, s22, s24, $0xb8;
	[tilespmem:$0x1A000] =	vst v63  }
0x11e: {  	_ =	swait.ge [sflag:s0], $0x190  }
0x11f: {  	[sflag:s0] =	ssyncset.done $0x0  }
0x120: {  	[sflag:s0] =	ssyncadd.s32 $0xFFFFFE70  }
0x121: {  	_ =	swait.ge [sflag:s0], $0x190  }
0x122: {  	[sflag:s0] =	ssyncset.done $0x0  }
0x123: {  	[sflag:s0] =	ssyncadd.s32 $0xFFFFFE70  }
0x124: {  	_ =	swait.ge [sflag:s0], $0x190  }
0x125: {  	[sflag:s0] =	ssyncset.done $0x0  }
0x126: {  	[sflag:s0] =	ssyncadd.s32 $0xFFFFFE70  }
0x127: {  	_ =	swait.ge [sflag:s0], $0x190  }
0x128: {  	[sflag:s0] =	ssyncset.done $0x0  }
0x129: {  	s12 =	simm.s32 $0x0;
	s13 =	simm.s32 $0x40;
	[sflag:s0] =	ssyncadd.s32 $0xFFFFFE70  }
.LBB2_12:
0x12a: {  	p0 =	sne.s32 s13, $0x600;
	v0 =	vld [tilespmem:s12+$0x200];
	_ =	sdelay $0x1  }
0x12b: {  	v1 =	vld [tilespmem:s12+$0x600];
	_ =	sdelay $0x1  }
.Ltmp5:
0x12c: {  	(pc) =	sbr.rel @p0 .LBB2_12-.Ltmp5, $3  }
0x12d: {  	v0 =	vmul.u32 $0x3, v0;
	_ =	sdelay $0x1  }
0x12e: {  	v0 =	vadd.s32 v1, v0  }
0x12f: {  	[tilespmem:s12+$0x200] =	vst v0;
	s12 =	sshra.s32 s13, $0x2;
	s13 =	sadd.s32 $0x40, s13  }
0x130: {  	v0 =	vld [tilespmem:s12+$0x200];
	_ =	sdelay $0x1  }
0x131: {  	v1 =	vld [tilespmem:s12+$0x600];
	_ =	sdelay $0x2  }
0x132: {  	v0 =	vmul.u32 $0x3, v0;
	_ =	sdelay $0x1  }
0x133: {  	v0 =	vadd.s32 v1, v0  }
0x134: {  	[tilespmem:s12+$0x200] =	vst v0  }
0x135: {  	_ =	swait.ge [sflag:s10], $0xC800  }
0x136: {  	[sflag:s10] =	ssyncset.done $0x0  }
0x137: {  	[sflag:s10] =	ssyncadd.s32 $0xFFFF3800  }
0x138: {  	[tilespmem:s1], [sflag:$0x4] =	stream.indirect.gather [hbm4b:s3+s24], $0x80, s26, s24, $0xb8;
	[tilespmem:$0x1A000] =	vst v63  }
0x139: {  	_ =	swait.ge [sflag:s6], $0xC800  }
0x13a: {  	[sflag:s6] =	ssyncset.done $0x0  }
0x13b: {  	[sflag:s6] =	ssyncadd.s32 $0xFFFF3800  }
0x13c: {  	_ =	swait.ge [sflag:s6], $0xC800  }
0x13d: {  	[sflag:s6] =	ssyncset.done $0x0  }
0x13e: {  	s12 =	simm.s32 $0x0;
	[sflag:s6] =	ssyncadd.s32 $0xFFFF3800  }
0x13f: {  	[hbm4b:s14+s12] =	stream.linear.scatter [tilespmem:s25], [sflag:$0x7], $0xC800, $0x38;
	[tilespmem:$0x1A000] =	vst v63  }
0x140: {  	s13 =	rddreg [dreg:$0x1a]  }
0x141: {  	[tilespmem:s12], [sflag:$0x1] =	stream.linear.gather [hbm4b:s13+s12], $0x190, $0x38;
	[tilespmem:$0x1A000] =	vst v63  }
0x142: {  	s13 =	rddreg [dreg:$0x1b]  }
0x143: {  	[tilespmem:s20], [sflag:$0x1] =	stream.linear.gather [hbm4b:s13+s12], $0x190, $0x38;
	[tilespmem:$0x1A000] =	vst v63  }
0x144: {  	s13 =	rddreg [dreg:$0x1c]  }
0x145: {  	[tilespmem:s21], [sflag:$0x1] =	stream.linear.gather [hbm4b:s13+s12], $0x190, $0x38;
	[tilespmem:$0x1A000] =	vst v63  }
0x146: {  	s13 =	rddreg [dreg:$0x1d]  }
0x147: {  	[tilespmem:s22], [sflag:$0x1] =	stream.linear.gather [hbm4b:s13+s12], $0x190, $0x38;
	[tilespmem:$0x1A000] =	vst v63  }
0x148: {  	_ =	swait.ge [sflag:s7], $0xC800  }
0x149: {  	[sflag:s7] =	ssyncset.done $0x0  }
0x14a: {  	[sflag:s7] =	ssyncadd.s32 $0xFFFF3800  }
0x14b: {  	[tilespmem:s1], [sflag:$0x6] =	stream.indirect.gather.add.f32 [hbm:s4], $0x80, s29, s24, $0xb8;
	[tilespmem:$0x1A000] =	vst v63  }
0x14c: {  	_ = 	snop  }
0x14d: {  	[tilespmem:s1], [sflag:$0x6] =	stream.indirect.gather.add.f32 [hbm:s5], $0x80, s30, s24, $0xb8;
	[tilespmem:$0x1A000] =	vst v63  }
0x14e: {  	_ =	swait.ge [sflag:s23], $0x190  }
0x14f: {  	[sflag:s23] =	ssyncset.done $0x0  }
0x150: {  	[sflag:s23] =	ssyncadd.s32 $0xFFFFFE70  }
0x151: {  	_ =	swait.ge [sflag:s23], $0x190  }
0x152: {  	[sflag:s23] =	ssyncset.done $0x0  }
0x153: {  	[sflag:s23] =	ssyncadd.s32 $0xFFFFFE70  }
0x154: {  	_ =	swait.ge [sflag:s23], $0x190  }
0x155: {  	[sflag:s23] =	ssyncset.done $0x0  }
0x156: {  	[sflag:s23] =	ssyncadd.s32 $0xFFFFFE70  }
0x157: {  	_ =	swait.ge [sflag:s23], $0x190  }
0x158: {  	[sflag:s23] =	ssyncset.done $0x0  }
0x159: {  	s12 =	simm.s32 $0x0;
	s13 =	simm.s32 $0x40;
	[sflag:s23] =	ssyncadd.s32 $0xFFFFFE70  }
.LBB2_14:
0x15a: {  	p0 =	sne.s32 s13, $0x600;
	v0 =	vld [tilespmem:s12+$0x0];
	_ =	sdelay $0x1  }
0x15b: {  	v1 =	vld [tilespmem:s12+$0x400];
	_ =	sdelay $0x1  }
.Ltmp6:
0x15c: {  	(pc) =	sbr.rel @p0 .LBB2_14-.Ltmp6, $3  }
0x15d: {  	v0 =	vmul.u32 $0x3, v0;
	_ =	sdelay $0x1  }
0x15e: {  	v0 =	vadd.s32 v1, v0  }
0x15f: {  	[tilespmem:s12+$0x0] =	vst v0;
	s12 =	sshra.s32 s13, $0x2;
	s13 =	sadd.s32 $0x40, s13  }
0x160: {  	v0 =	vld [tilespmem:s12+$0x0];
	_ =	sdelay $0x1  }
0x161: {  	v1 =	vld [tilespmem:s12+$0x400];
	_ =	sdelay $0x2  }
0x162: {  	v0 =	vmul.u32 $0x3, v0;
	_ =	sdelay $0x1  }
0x163: {  	v0 =	vadd.s32 v1, v0  }
0x164: {  	[tilespmem:s12+$0x0] =	vst v0  }
0x165: {  	_ =	swait.ge [sflag:s8], $0xC800  }
0x166: {  	[sflag:s8] =	ssyncset.done $0x0  }
0x167: {  	s12 =	simm.s32 $0x0;
	[sflag:s8] =	ssyncadd.s32 $0xFFFF3800  }
0x168: {  	[tilespmem:s25], [sflag:$0x3] =	stream.indirect.gather [hbm4b:s3+s24], $0x80, s12, s24, $0xb8;
	[tilespmem:$0x1A000] =	vst v63  }
0x169: {  	_ =	swait.ge [sflag:s9], $0xC800  }
0x16a: {  	[sflag:s9] =	ssyncset.done $0x0  }
0x16b: {  	[sflag:s9] =	ssyncadd.s32 $0xFFFF3800  }
0x16c: {  	_ =	swait.ge [sflag:s9], $0xC800  }
0x16d: {  	[sflag:s9] =	ssyncset.done $0x0  }
0x16e: {  	[sflag:s9] =	ssyncadd.s32 $0xFFFF3800  }
0x16f: {  	[hbm4b:s16+s12] =	stream.linear.scatter [tilespmem:s1], [sflag:$0x8], $0xC800, $0x38;
	[tilespmem:$0x1A000] =	vst v63  }
0x170: {  	s13 =	rddreg [dreg:$0x1e]  }
0x171: {  	[tilespmem:s26], [sflag:$0x2] =	stream.linear.gather [hbm4b:s13+s12], $0x190, $0x38;
	[tilespmem:$0x1A000] =	vst v63  }
0x172: {  	s13 =	sld [smem:$0x7F9];
	_ =	sdelay $0x2  }
0x173: {  	[tilespmem:s28], [sflag:$0x2] =	stream.linear.gather [hbm4b:s13+s12], $0x190, $0x38;
	[tilespmem:$0x1A000] =	vst v63  }
0x174: {  	s13 =	sld [smem:$0x7FC];
	_ =	sdelay $0x2  }
0x175: {  	[tilespmem:s29], [sflag:$0x2] =	stream.linear.gather [hbm4b:s13+s12], $0x190, $0x38;
	[tilespmem:$0x1A000] =	vst v63  }
0x176: {  	_ = 	snop  }
0x177: {  	[tilespmem:s30], [sflag:$0x2] =	stream.linear.gather [hbm4b:s15+s12], $0x190, $0x38;
	[tilespmem:$0x1A000] =	vst v63  }
0x178: {  	_ =	swait.ge [sflag:s31], $0xC800  }
0x179: {  	[sflag:s31] =	ssyncset.done $0x0  }
0x17a: {  	[sflag:s31] =	ssyncadd.s32 $0xFFFF3800  }
0x17b: {  	[tilespmem:s25], [sflag:$0x5] =	stream.indirect.gather.add.f32 [hbm:s4], $0x80, s21, s24, $0xb8;
	[tilespmem:$0x1A000] =	vst v63  }
0x17c: {  	_ = 	snop  }
0x17d: {  	[tilespmem:s25], [sflag:$0x5] =	stream.indirect.gather.add.f32 [hbm:s5], $0x80, s22, s24, $0xb8;
	[tilespmem:$0x1A000] =	vst v63  }
0x17e: {  	_ =	swait.ge [sflag:s0], $0x190  }
0x17f: {  	[sflag:s0] =	ssyncset.done $0x0  }
0x180: {  	[sflag:s0] =	ssyncadd.s32 $0xFFFFFE70  }
0x181: {  	_ =	swait.ge [sflag:s0], $0x190  }
0x182: {  	[sflag:s0] =	ssyncset.done $0x0  }
0x183: {  	[sflag:s0] =	ssyncadd.s32 $0xFFFFFE70  }
0x184: {  	_ =	swait.ge [sflag:s0], $0x190  }
0x185: {  	[sflag:s0] =	ssyncset.done $0x0  }
0x186: {  	[sflag:s0] =	ssyncadd.s32 $0xFFFFFE70  }
0x187: {  	_ =	swait.ge [sflag:s0], $0x190  }
0x188: {  	[sflag:s0] =	ssyncset.done $0x0  }
0x189: {  	s13 =	simm.s32 $0x40;
	s12 =	simm.s32 $0x0;
	[sflag:s0] =	ssyncadd.s32 $0xFFFFFE70  }
.LBB2_16:
0x18a: {  	p0 =	sne.s32 s13, $0x600;
	v0 =	vld [tilespmem:s12+$0x200];
	_ =	sdelay $0x1  }
0x18b: {  	v1 =	vld [tilespmem:s12+$0x600];
	_ =	sdelay $0x1  }
.Ltmp7:
0x18c: {  	(pc) =	sbr.rel @p0 .LBB2_16-.Ltmp7, $3  }
0x18d: {  	v0 =	vmul.u32 $0x3, v0;
	_ =	sdelay $0x1  }
0x18e: {  	v0 =	vadd.s32 v1, v0  }
0x18f: {  	[tilespmem:s12+$0x200] =	vst v0;
	s12 =	sshra.s32 s13, $0x2;
	s13 =	sadd.s32 $0x40, s13  }
0x190: {  	v0 =	vld [tilespmem:s12+$0x200];
	_ =	sdelay $0x1  }
0x191: {  	v1 =	vld [tilespmem:s12+$0x600];
	_ =	sdelay $0x2  }
0x192: {  	v0 =	vmul.u32 $0x3, v0;
	_ =	sdelay $0x1  }
0x193: {  	v0 =	vadd.s32 v1, v0  }
0x194: {  	[tilespmem:s12+$0x200] =	vst v0  }
0x195: {  	_ =	swait.ge [sflag:s10], $0xC800  }
0x196: {  	[sflag:s10] =	ssyncset.done $0x0  }
0x197: {  	[sflag:s10] =	ssyncadd.s32 $0xFFFF3800  }
0x198: {  	[tilespmem:s1], [sflag:$0x4] =	stream.indirect.gather [hbm4b:s3+s24], $0x80, s26, s24, $0xb8;
	[tilespmem:$0x1A000] =	vst v63  }
0x199: {  	_ =	swait.ge [sflag:s6], $0xC800  }
0x19a: {  	[sflag:s6] =	ssyncset.done $0x0  }
0x19b: {  	[sflag:s6] =	ssyncadd.s32 $0xFFFF3800  }
0x19c: {  	_ =	swait.ge [sflag:s6], $0xC800  }
0x19d: {  	[sflag:s6] =	ssyncset.done $0x0  }
0x19e: {  	[sflag:s6] =	ssyncadd.s32 $0xFFFF3800  }
0x19f: {  	[hbm4b:s17+s2] =	stream.linear.scatter [tilespmem:s25], [sflag:$0x7], $0xC800, $0x38;
	[tilespmem:$0x1A000] =	vst v63  }
0x1a0: {  	_ =	swait.ge [sflag:s7], $0xC800  }
0x1a1: {  	[sflag:s7] =	ssyncset.done $0x0  }
0x1a2: {  	[sflag:s7] =	ssyncadd.s32 $0xFFFF3800  }
0x1a3: {  	[tilespmem:s1], [sflag:$0x6] =	stream.indirect.gather.add.f32 [hbm:s4], $0x80, s29, s24, $0xb8;
	[tilespmem:$0x1A000] =	vst v63  }
0x1a4: {  	_ = 	snop  }
0x1a5: {  	[tilespmem:s1], [sflag:$0x6] =	stream.indirect.gather.add.f32 [hbm:s5], $0x80, s30, s24, $0xb8;
	[tilespmem:$0x1A000] =	vst v63  }
0x1a6: {  	_ =	swait.ge [sflag:s9], $0xC800  }
0x1a7: {  	[sflag:s9] =	ssyncset.done $0x0  }
0x1a8: {  	[sflag:s9] =	ssyncadd.s32 $0xFFFF3800  }
0x1a9: {  	_ =	swait.ge [sflag:s9], $0xC800  }
0x1aa: {  	[sflag:s9] =	ssyncset.done $0x0  }
0x1ab: {  	s11 =	sadd.s32 $0x1, s11;
	[sflag:s9] =	ssyncadd.s32 $0xFFFF3800  }
0x1ac: {  	[hbm4b:s18+s2] =	stream.linear.scatter [tilespmem:s1], [sflag:$0x8], $0xC800, $0x38;
	[tilespmem:$0x1A000] =	vst v63  }
0x1ad: {  	p0 =	sne.s32 s11, s19;
	_ =	swait.ge [sflag:s8], $0xC800  }
.Ltmp8:
0x1ae: {  	[sflag:s8] =	ssyncset.done $0x0;
	(pc) =	sbr.rel @p0 .LBB2_1-.Ltmp8, $4  }
0x1af: {  	[sflag:s8] =	ssyncadd.s32 $0xFFFF3800  }
0x1b0: {  	_ =	swait.ge [sflag:s10], $0xC800  }
0x1b1: {  	[sflag:s10] =	ssyncset.done $0x0  }
0x1b2: {  	[sflag:s10] =	ssyncadd.s32 $0xFFFF3800  }
0x1b3: {  	_ =	sfence.sel $0x180000  }
0x1b4: {  	[bflag:$0x0] =	sbarrier.arrive $0xFFFF  }
0x1b5: {  	_ =	strace $0x9000004A  }
0x1b6: {  	s0 =	stileid.u32;
	[bflag:$0x2] =	sbarrier.arrive $0xFFFF  }
0x1b7: {  	p0 =	sne.s32 s0, $0x0;
	s0 =	rddreg [dreg:$0x1]  }
0x1b8: {  	s0 =	sadd.s32 @!p0 $0x100000, s0  }
0x1b9: {  	[sflag:s0] =	ssyncadd.tile.s32 @!p0 $0x1;
	_ =	shalt  }
.Lfunc_end2:
_tile_overlayer_lowered:
.L_overlay_start_2:
0x1ba: {  	(tag) =	ssettag $0x2  }
0x1bb: {  	s0 =	rddreg [dreg:$0x0];
	s2 =	stileid.u32  }
0x1bc: {  	s1 =	rddreg [dreg:$0x1];
	p0 =	sne.s32 s2, $0x0  }
0x1bd: {  	s3 =	rddreg [dreg:$0x2];
	[bflag:$0x3] =	sbarrier.arrive $0xFFFF;
	s2 =	simm.s32 @!p0 $0x1C09  }
0x1be: {  	[timem:s3], [sflag:s2] =	dma.local @!p0 [hbm:s0], s1  }
0x1bf: {  	s0 =	simm.s32 @!p0 $0x9  }
0x1c0: {  	_ =	swait.ge @!p0 [sflag:s0], s1  }
0x1c1: {  	s1 =	ssub.s32 @!p0 $0x0, s1;
	[sflag:s0] =	ssyncset.done @!p0 $0x0  }
0x1c2: {  	[sflag:s0] =	ssyncadd.s32 @!p0 s1  }
0x1c3: {  	[bflag:$0x3] =	sbarrier.arrive $0xFFFF  }
0x1c4: {  	_ =	shalt  }

// kernel: kernel.9.cloned.1.call-start
scs
__scs_entry_jumppad:
0x0: {  	(pc) =	sbr.rel $0x88, $3  }
0x1: {  	(tag) =	ssettag $0x0;
	lr =	simm.s32 $0x1  }
0x2: {  	[smem:$0x3F95] =	sst lr;
	_ =	strace $0xD0000000  }
0x3: {  	_ = 	snop  }
0x4: {  	_ = 	snop  }
0x5: {  	_ = 	snop  }
0x6: {  	_ = 	snop  }
0x7: {  	_ = 	snop  }
__scs_overlays_trampoline_lowered:
0x8: {  	[smem:$0x3FA4] =	sst s0  }
0x9: {  	[smem:$0x3FA5] =	sst s1  }
0xa: {  	[smem:$0x3FA6] =	sst s2  }
0xb: {  	[smem:$0x3FA7] =	sst s3  }
0xc: {  	[smem:$0x3FA8] =	sst s4  }
0xd: {  	[smem:$0x3FA9] =	sst s5  }
0xe: {  	[smem:$0x3FAA] =	sst s6  }
0xf: {  	[smem:$0x3FAB] =	sst s7  }
0x10: {  	[smem:$0x3FAC] =	sst s8  }
0x11: {  	[smem:$0x3FAD] =	sst s9;
	s0 =	simm.s32 @!p0 $0x0  }
0x12: {  	s1 =	sld [smem:$0x3F93];
	s0 =	simm.s32 @p0 $0x1  }
0x13: {  	[smem:$0x3FAE] =	sst s0;
	s0 =	simm.s32 @!p1 $0x0  }
0x14: {  	s2 =	sld [smem:$0x3F92];
	s0 =	simm.s32 @p1 $0x1  }
0x15: {  	[smem:$0x3FAF] =	sst s0;
	s0 =	simm.s32 @!p2 $0x0  }
0x16: {  	s3 =	sld [smem:$0x3FDB];
	s0 =	simm.s32 @p2 $0x1  }
0x17: {  	s4 =	simm.s32 $0x1BF5;
	[smem:$0x3FB1] =	sst s0  }
0x18: {  	s0 =	sld [smem:$0x3F94];
	_ =	swait.ge [sflag:s4], $0x0  }
0x19: {  	s7 =	sld [smem:$0x3F95]  }
0x1a: {  	s8 =	sadd.s32 $0xFFFFE003, lr  }
0x1b: {  	s9 =	sadd.s32 $0xFFFFFEF7, lr;
	s5 =	simm.s32 $0xFFFFFFFF;
	p2 =	slt.u32 s8, $0xFFFFF086  }
0x1c: {  	p1 =	slt.u32 s9, $0xF7A;
	s5 =	simm.s32 @!p2 $0x0  }
0x1d: {  	s5 =	simm.s32 @p1 $0x1;
	p0 =	seq.s32 s7, s2  }
0x1e: {  	s7 =	smul.u32 @!p0 $0xF7A, s2;
	p2 =	seq.s32 @!p0 s5, $0x0  }
0x1f: {  	s9 =	smul.u32 $0xF7A, s1;
	s8 =	simm.s32 @!p0 $0x1BF5;
	p2 =	por !p2, p0  }
0x20: {  	[sflag:s8] =	ssyncset.s32 @!p0 $0xFFFFF086;
	s6 =	sadd.s32 @!p0 s3, s7;
	s7 =	simm.s32 @!p0 $0x108  }
0x21: {  	s3 =	sadd.s32 s3, s9;
	s6 =	sadd.s32 @!p0 $0x88, s6;
	s7 =	simm.s32 @p2 $0x1082  }
0x22: {  	[simem:s7], [sflag:s8] =	dma.local @!p0 [hbm:s6], $0xF7A  }
0x23: {  	s9 =	sor.u32 $0xD0000000, s2;
	s6 =	simm.s32 $0x108;
	_ =	swait.ge @!p0 [sflag:s8], $0x0  }
0x24: {  	s3 =	sadd.s32 $0x88, s3;
	s6 =	simm.s32 @!p1 $0x1082;
	[sflag:s4] =	ssyncset.s32 $0xFFFFF086  }
0x25: {  	[simem:s6], [sflag:s4] =	dma.local [hbm:s3], $0xF7A  }
0x26: {  	[smem:$0x3F95] =	sst s1;
	(tag) =	ssettag s2;
	_ =	strace s9  }
0x27: {  	s1 =	sld [smem:$0x3FA5]  }
0x28: {  	s2 =	sld [smem:$0x3FA6]  }
0x29: {  	s4 =	sld [smem:$0x3FA8]  }
0x2a: {  	p0 =	seq.s32 s5, $0x0;
	s5 =	sld [smem:$0x3FA9]  }
0x2b: {  	s6 =	sld [smem:$0x3FAA]  }
0x2c: {  	s7 =	sld [smem:$0x3FAB]  }
0x2d: {  	s3 =	simm.s32 $0x108;
	s8 =	sld [smem:$0x3FAC]  }
0x2e: {  	s3 =	simm.s32 @!p0 $0x1082;
	s9 =	sld [smem:$0x3FAD]  }
0x2f: {  	lr =	sadd.s32 s0, s3;
	s0 =	sld [smem:$0x3FA4]  }
0x30: {  	s3 =	sld [smem:$0x3FA7]  }
0x31: {  	[smem:$0x3FB0] =	sst s10  }
0x32: {  	s10 =	sld [smem:$0x3FAE];
	_ =	sdelay $0x3  }
0x33: {  	p0 =	seq.s32 s10, $0x1;
	s10 =	sld [smem:$0x3FB0];
	_ =	sdelay $0x3  }
0x34: {  	[smem:$0x3FB0] =	sst s10  }
0x35: {  	s10 =	sld [smem:$0x3FAF];
	_ =	sdelay $0x3  }
0x36: {  	p1 =	seq.s32 s10, $0x1;
	s10 =	sld [smem:$0x3FB0];
	_ =	sdelay $0x3  }
0x37: {  	[smem:$0x3FB0] =	sst s10  }
0x38: {  	s10 =	sld [smem:$0x3FB1]  }
0x39: {  	_ = 	snop;
	(pc) =	sbr.ind lr, $3  }
0x3a: {  	_ = 	snop  }
0x3b: {  	_ = 	snop  }
0x3c: {  	p2 =	seq.s32 s10, $0x1;
	s10 =	sld [smem:$0x3FB0]  }
0x3d: {  	_ =	shalt  }
0x3e: {  	_ =	shalt  }
0x3f: {  	_ =	shalt  }
0x40: {  	_ =	shalt  }
0x41: {  	_ =	shalt  }
0x42: {  	_ =	shalt  }
0x43: {  	_ =	shalt  }
0x44: {  	_ =	shalt  }
0x45: {  	_ =	shalt  }
0x46: {  	_ =	shalt  }
0x47: {  	_ =	shalt  }
0x48: {  	_ =	shalt  }
0x49: {  	_ =	shalt  }
0x4a: {  	_ =	shalt  }
0x4b: {  	_ =	shalt  }
0x4c: {  	_ =	shalt  }
0x4d: {  	_ =	shalt  }
0x4e: {  	_ =	shalt  }
0x4f: {  	_ =	shalt  }
0x50: {  	_ =	shalt  }
0x51: {  	_ =	shalt  }
0x52: {  	_ =	shalt  }
0x53: {  	_ =	shalt  }
0x54: {  	_ =	shalt  }
0x55: {  	_ =	shalt  }
0x56: {  	_ =	shalt  }
0x57: {  	_ =	shalt  }
0x58: {  	_ =	shalt  }
0x59: {  	_ =	shalt  }
0x5a: {  	_ =	shalt  }
0x5b: {  	_ =	shalt  }
0x5c: {  	_ =	shalt  }
0x5d: {  	_ =	shalt  }
0x5e: {  	_ =	shalt  }
0x5f: {  	_ =	shalt  }
0x60: {  	_ =	shalt  }
0x61: {  	_ =	shalt  }
0x62: {  	_ =	shalt  }
0x63: {  	_ =	shalt  }
0x64: {  	_ =	shalt  }
0x65: {  	_ =	shalt  }
0x66: {  	_ =	shalt  }
0x67: {  	_ =	shalt  }
0x68: {  	_ =	shalt  }
0x69: {  	_ =	shalt  }
0x6a: {  	_ =	shalt  }
0x6b: {  	_ =	shalt  }
0x6c: {  	_ =	shalt  }
0x6d: {  	_ =	shalt  }
0x6e: {  	_ =	shalt  }
0x6f: {  	_ =	shalt  }
0x70: {  	_ =	shalt  }
0x71: {  	_ =	shalt  }
0x72: {  	_ =	shalt  }
0x73: {  	_ =	shalt  }
0x74: {  	_ =	shalt  }
0x75: {  	_ =	shalt  }
0x76: {  	_ =	shalt  }
0x77: {  	_ =	shalt  }
0x78: {  	_ =	shalt  }
0x79: {  	_ =	shalt  }
0x7a: {  	_ =	shalt  }
0x7b: {  	_ =	shalt  }
0x7c: {  	_ =	shalt  }
0x7d: {  	_ =	shalt  }
0x7e: {  	_ =	shalt  }
0x7f: {  	_ =	shalt  }
0x80: {  	_ =	shalt  }
0x81: {  	_ =	shalt  }
0x82: {  	_ =	shalt  }
0x83: {  	_ =	shalt  }
0x84: {  	_ =	shalt  }
0x85: {  	_ =	shalt  }
0x86: {  	_ =	shalt  }
0x87: {  	_ =	shalt  }
.Lfunc_end0:
.L_simem_size_0:
called_computation_lowered:
.L_overlay_start_0:
0x88: {  	s2 =	sld [smem:$0x3FD9]  }
0x89: {  	s3 =	sld [smem:$0x3FFE];
	_ =	sdelay $0x1  }
0x8a: {  	s1 =	srdreg.scid  }
0x8b: {  	s0 =	sand.u32 $0x1, s1  }
0x8c: {  	s16 =	sshll.u32 s0, $0xA;
	s2 =	sadd.s32 s3, s2  }
0x8d: {  	s2 =	sadd.s32 s2, s16  }
0x8e: {  	[smem:$0x3FBC] =	sst s2  }
0x8f: {  	_ = 	snop  }
0x90: {  	(tm) =	ssettm $0x1  }
0x91: {  	s17 =	sld [smem:$0x3FFB];
	_ =	sdelay $0x3  }
0x92: {  	_ =	strace s17  }
0x93: {  	s2 =	sld [smem:$0x3FFC];
	_ =	sdelay $0x3  }
0x94: {  	_ =	strace s2  }
0x95: {  	s2 =	sld [smem:$0x3FFD];
	_ =	sdelay $0x3  }
0x96: {  	_ =	strace s2  }
0x97: {  	_ =	strace $0x8FFFFFFF  }
0x98: {  	s18 =	sld [smem:$0x3FDB];
	_ =	sdelay $0x1  }
0x99: {  	s19 =	simm.s32 $_scs_section_size  }
0x9a: {  	s4 =	simm.s32 $_size__tile_overlayer_lowered;
	s5 =	simm.s32 $_tile_overlayer_lowered  }
0x9b: {  	s22 =	simm.s32 $0x1BFF;
	s21 =	sshll.u32 s5, $0x1;
	s2 =	sadd.s32 s19, s18  }
0x9c: {  	s6 =	simm.s32 $0x0;
	s20 =	sshll.u32 s4, $0x1;
	s4 =	sadd.s32 s21, s2  }
0x9d: {  	[timem:s6], [sflag:s22] =	dma.local [hbm:s4], s20  }
0x9e: {  	_ =	swait.ge [sflag:s22], s20  }
0x9f: {  	s3 =	ssub.s32 $0x0, s20;
	[sflag:s22] =	ssyncset.done $0x0  }
0xa0: {  	[sflag:s22] =	ssyncadd.s32 s3;
	_ =	sdelay $0x1  }
0xa1: {  	s23 =	simm.s32 $0x1B8B  }
0xa2: {  	_ =	swait.ge [sflag:s23], $0x1  }
0xa3: {  	[sflag:s23] =	ssyncset.done $0x0  }
0xa4: {  	s25 =	simm.s32 $0x1B8E;
	s24 =	sld [smem:$0x3FFE];
	[sflag:s23] =	ssyncadd.s32 $0xFFFFFFFF  }
0xa5: {  	s26 =	simm.s32 $execute0_lowered;
	[smem:$0x3FD2] =	sst s25  }
0xa6: {  	s4 =	sshll.u32 s26, $0x1;
	_ =	strace $0x80000046;
	[dreg:$0x1] =	wrdreg $0xFFFFFFFF  }
0xa7: {  	s28 =	simm.s32 $_size_execute0_lowered;
	s2 =	sadd.s32 s2, s4;
	[dreg:$0x0] =	wrdreg $0x0  }
0xa8: {  	s4 =	sshll.u32 s28, $0x1;
	[dreg:$0x2] =	wrdreg s2  }
0xa9: {  	[dreg:$0x3] =	wrdreg s4  }
0xaa: {  	[dreg:$0x4] =	wrdreg $0xC0  }
0xab: {  	_ =	task [dreg:s6], $0x5FFFF  }
0xac: {  	[dreg:$0x1] =	wrdreg $0xFFFFFFFF  }
0xad: {  	[dreg:$0x0] =	wrdreg $0x60  }
0xae: {  	[dreg:$0x2] =	wrdreg s24  }
0xaf: {  	[dreg:$0x3] =	wrdreg $0x9  }
0xb0: {  	_ =	task.clear_ibuf [dreg:s6], $0x4FFFF;
	_ =	strace $0x90000046  }
0xb1: {  	s29 =	simm.s32 $0x9;
	_ =	strace $0x80000048  }
0xb2: {  	_ =	swait.ge [sflag:s29], $0x1  }
0xb3: {  	[sflag:s29] =	ssyncadd.s32 $0xFFFFFFFF  }
0xb4: {  	_ =	strace $0x90000048  }
0xb5: {  	_ =	sfence  }
0xb6: {  	s30 =	sld [smem:$0x0];
	_ =	sdelay $0x2  }
0xb7: {  	s31 =	sshll.u32 s1, $0xD;
	s1 =	sshrl.u32 s1, $0x2  }
0xb8: {  	s3 =	sand.u32 $0x4000, s31;
	s1 =	sadd.s32 s1, s30  }
0xb9: {  	s0 =	sor.u32 s3, s0;
	s1 =	sshll.u32 s1, $0x11  }
0xba: {  	s0 =	sor.u32 s1, s0  }
0xbb: {  	s0 =	sadd.s32 $0x8F2B, s0  }
0xbc: {  	[sflag:s0] =	ssyncadd.remote.s32 $0x1  }
0xbd: {  	_ =	sfence.sel $0xFFFF  }
0xbe: {  	[dreg:$0x0] =	wrdreg $0xFFFFFFFF;
	(pc) =	sbr.abs _section_cstart, $3  }
0xbf: {  	[dreg:$0x1] =	wrdreg $0xFFFFFFFF  }
0xc0: {  	_ =	task.clear_ibuf [dreg:s6], $0x2FFFF;
	_ =	strace $0x9FFFFFFF  }
0xc1: {  	(tm) =	ssettm $0x7FFFFFFF  }
tec
execute0_lowered:
.L_overlay_start_1:
0x0: {  	(tag) =	ssettag $0x1  }
0x1: {  	s0 =	srdreg.scid;
	s2 =	stileid.u32  }
0x2: {  	s1 =	sand.u32 $0x1, s0;
	s2 =	sshll.u32 s2, $0x1  }
0x3: {  	s2 =	sor.u32 s1, s2  }
0x4: {  	s0 =	rddreg [dreg:$0x0];
	s4 =	smul.u32 $0xC80, s2  }
0x5: {  	s3 =	sadd.s32 $0x1400, s0;
	s1 =	ssub.s32 $0x2, s1  }
0x6: {  	s5 =	sadd.s32 $0x14000, s0;
	s6 =	sadd.s32 $0x7800, s0;
	s18 =	sshrl.u32 s4, $0x3  }
0x7: {  	s8 =	sadd.s32 $0xDC00, s0;
	s7 =	sshrl.u32 s1, $0x1;
	s9 =	sadd.s32 s3, s18  }
0x8: {  	s1 =	ssub.s32 s1, s7;
	s19 =	sadd.s32 s5, s18;
	[dreg:$0x2] =	wrdreg s9  }
0x9: {  	s10 =	sadd.s32 s6, s18;
	[dreg:$0x3] =	wrdreg s19;
	s9 =	sadd.s32 $0x190, s4  }
0xa: {  	s7 =	sadd.s32 s8, s18;
	[dreg:$0x4] =	wrdreg s10;
	s20 =	sshrl.u32 s9, $0x3  }
0xb: {  	[dreg:$0x5] =	wrdreg s7;
	s21 =	sadd.s32 s3, s20  }
0xc: {  	s22 =	sadd.s32 s5, s20;
	[dreg:$0x6] =	wrdreg s21  }
0xd: {  	s10 =	sadd.s32 $0x320, s4;
	s11 =	sadd.s32 s6, s20;
	[dreg:$0x7] =	wrdreg s22  }
0xe: {  	s23 =	sshrl.u32 s10, $0x3;
	s7 =	sadd.s32 s8, s20;
	[dreg:$0x8] =	wrdreg s11  }
0xf: {  	s24 =	sadd.s32 s3, s23;
	[dreg:$0x9] =	wrdreg s7  }
0x10: {  	s25 =	sadd.s32 s5, s23;
	[dreg:$0xa] =	wrdreg s24  }
0x11: {  	s12 =	sadd.s32 s6, s23;
	[dreg:$0xb] =	wrdreg s25;
	s11 =	sadd.s32 $0x4B0, s4  }
0x12: {  	[dreg:$0xc] =	wrdreg s12;
	s7 =	sadd.s32 s8, s23;
	s26 =	sshrl.u32 s11, $0x3  }
0x13: {  	[dreg:$0xd] =	wrdreg s7;
	s14 =	sadd.s32 s3, s26  }
0x14: {  	s28 =	simm.s32 $0xD800;
	s15 =	sadd.s32 s5, s26;
	[dreg:$0xe] =	wrdreg s14  }
0x15: {  	s12 =	sadd.s32 $0x640, s4;
	s13 =	sadd.s32 s6, s26;
	[dreg:$0xf] =	wrdreg s15  }
0x16: {  	s16 =	sshrl.u32 s12, $0x3;
	s7 =	sadd.s32 s8, s26;
	[dreg:$0x10] =	wrdreg s13  }
0x17: {  	s29 =	simm.s32 $0x5;
	s17 =	sadd.s32 s3, s16;
	[dreg:$0x11] =	wrdreg s7  }
0x18: {  	s30 =	simm.s32 $0x4;
	s18 =	sadd.s32 s5, s16;
	[dreg:$0x12] =	wrdreg s17  }
0x19: {  	[dreg:$0x13] =	wrdreg s18;
	s13 =	sadd.s32 $0x7D0, s4;
	s14 =	sadd.s32 s6, s16  }
0x1a: {  	s7 =	sadd.s32 s8, s16;
	s18 =	smul.u32 $0xC800, s2;
	[dreg:$0x14] =	wrdreg s14  }
0x1b: {  	s2 =	simm.s32 $0x0;
	[dreg:$0x15] =	wrdreg s7;
	s19 =	sshrl.u32 s13, $0x3  }
0x1c: {  	s31 =	simm.s32 $0x7;
	[smem:$0x7FF] =	sst s2;
	s20 =	sadd.s32 s3, s19  }
0x1d: {  	s14 =	sadd.s32 $0x960, s4;
	s21 =	sadd.s32 s5, s19;
	[dreg:$0x16] =	wrdreg s20  }
0x1e: {  	s4 =	sadd.s32 $0xAF0, s4;
	s15 =	sadd.s32 s6, s19;
	[dreg:$0x17] =	wrdreg s21  }
0x1f: {  	s7 =	sadd.s32 s8, s19;
	s22 =	sshrl.u32 s14, $0x3;
	[dreg:$0x18] =	wrdreg s15  }
0x20: {  	s26 =	sshrl.u32 s4, $0x3;
	[dreg:$0x19] =	wrdreg s7;
	s23 =	sadd.s32 s3, s22  }
0x21: {  	s19 =	sshll.u32 s9, $0x4;
	s24 =	sadd.s32 s5, s22;
	[dreg:$0x1a] =	wrdreg s23  }
0x22: {  	s4 =	sshll.u32 s4, $0x4;
	s25 =	sadd.s32 s6, s22;
	[dreg:$0x1b] =	wrdreg s24  }
0x23: {  	s7 =	sadd.s32 s8, s22;
	s3 =	sadd.s32 s3, s26;
	[dreg:$0x1c] =	wrdreg s25  }
0x24: {  	s15 =	sadd.s32 s5, s26;
	s16 =	sadd.s32 s6, s26;
	[dreg:$0x1d] =	wrdreg s7  }
0x25: {  	s17 =	sadd.s32 s8, s26;
	s20 =	sadd.s32 $0x1B6C00, s0;
	[dreg:$0x1e] =	wrdreg s3  }
0x26: {  	s22 =	sshll.u32 s10, $0x4;
	s26 =	sshll.u32 s14, $0x4;
	[dreg:$0x1f] =	wrdreg s15  }
0x27: {  	s14 =	smax.u32 s1, $0x1;
	s1 =	simm.s32 $0x8;
	[smem:$0x7F9] =	sst s16  }
0x28: {  	[smem:$0x7FA] =	sst s17;
	s3 =	sadd.s32 s20, s18;
	s21 =	sadd.s32 s20, s19  }
0x29: {  	s23 =	sshll.u32 s11, $0x4;
	s24 =	sshll.u32 s12, $0x4;
	s25 =	sshll.u32 s13, $0x4  }
0x2a: {  	s9 =	sadd.s32 s20, s26;
	s10 =	sadd.s32 s20, s4;
	s11 =	sadd.s32 $0x1A400, s0  }
0x2b: {  	s12 =	sadd.s32 $0x30000, s0;
	s13 =	sadd.s32 $0x2C600, s0;
	s15 =	simm.s32 $0x400  }
0x2c: {  	s16 =	simm.s32 $0x800;
	s17 =	simm.s32 $0xC00;
	s18 =	simm.s32 $0x1  }
0x2d: {  	s19 =	simm.s32 $0x190;
	s26 =	simm.s32 $0x2;
	[smem:$0x7FB] =	sst s3  }
0x2e: {  	s0 =	simm.s32 $0x6;
	[smem:$0x7FC] =	sst s21;
	s3 =	sadd.s32 s20, s22  }
0x2f: {  	s6 =	sadd.s32 s20, s23;
	s7 =	sadd.s32 s20, s24;
	s8 =	sadd.s32 s20, s25  }
0x30: {  	s20 =	simm.s32 $0x1000;
	s21 =	simm.s32 $0x200;
	s22 =	simm.s32 $0x600  }
0x31: {  	s23 =	simm.s32 $0xA00;
	s24 =	simm.s32 $0xE00;
	[smem:$0x7FD] =	sst s3  }
0x32: {  	s25 =	simm.s32 $0x3;
	s3 =	simm.s32 $0x0;
	_ =	strace $0x80000047  }
.LBB2_1:
0x33: {  	s4 =	rddreg [dreg:$0x2]  }
0x34: {  	[tilespmem:s2], [sflag:$0x1] =	stream.linear.gather [hbm4b:s4+s2], $0x190, $0x38;
	[tilespmem:$0x1A000] =	vst v63  }
0x35: {  	s5 =	rddreg [dreg:$0x3]  }
0x36: {  	[tilespmem:s15], [sflag:$0x1] =	stream.linear.gather [hbm4b:s5+s2], $0x190, $0x38;
	[tilespmem:$0x1A000] =	vst v63  }
0x37: {  	s5 =	rddreg [dreg:$0x4]  }
0x38: {  	[tilespmem:s16], [sflag:$0x1] =	stream.linear.gather [hbm4b:s5+s2], $0x190, $0x38;
	[tilespmem:$0x1A000] =	vst v63  }
0x39: {  	s5 =	rddreg [dreg:$0x5]  }
0x3a: {  	[tilespmem:s17], [sflag:$0x1] =	stream.linear.gather [hbm4b:s5+s2], $0x190, $0x38;
	[tilespmem:$0x1A000] =	vst v63  }
0x3b: {  	_ =	swait.ge [sflag:s18], $0x190  }
0x3c: {  	[sflag:s18] =	ssyncset.done $0x0  }
0x3d: {  	[sflag:s18] =	ssyncadd.s32 $0xFFFFFE70  }
0x3e: {  	_ =	swait.ge [sflag:s18], $0x190  }
0x3f: {  	[sflag:s18] =	ssyncset.done $0x0  }
0x40: {  	[sflag:s18] =	ssyncadd.s32 $0xFFFFFE70  }
0x41: {  	_ =	swait.ge [sflag:s18], $0x190  }
0x42: {  	[sflag:s18] =	ssyncset.done $0x0  }
0x43: {  	[sflag:s18] =	ssyncadd.s32 $0xFFFFFE70  }
0x44: {  	_ =	swait.ge [sflag:s18], $0x190  }
0x45: {  	[sflag:s18] =	ssyncset.done $0x0  }
0x46: {  	s4 =	simm.s32 $0x0;
	s5 =	simm.s32 $0x40;
	[sflag:s18] =	ssyncadd.s32 $0xFFFFFE70  }
.LBB2_2:
0x47: {  	p0 =	sne.s32 s5, $0x600;
	v0 =	vld [tilespmem:s4+$0x0];
	_ =	sdelay $0x1  }
0x48: {  	v1 =	vld [tilespmem:s4+$0x400];
	_ =	sdelay $0x1  }
.Ltmp0:
0x49: {  	(pc) =	sbr.rel @p0 .LBB2_2-.Ltmp0, $3  }
0x4a: {  	v0 =	vmul.u32 $0x3, v0;
	_ =	sdelay $0x1  }
0x4b: {  	v0 =	vadd.s32 v1, v0  }
0x4c: {  	[tilespmem:s4+$0x0] =	vst v0;
	s4 =	sshra.s32 s5, $0x2;
	s5 =	sadd.s32 $0x40, s5  }
0x4d: {  	v0 =	vld [tilespmem:s4+$0x0];
	_ =	sdelay $0x1  }
0x4e: {  	v1 =	vld [tilespmem:s4+$0x400];
	_ =	sdelay $0x2  }
0x4f: {  	v0 =	vmul.u32 $0x3, v0;
	_ =	sdelay $0x1  }
0x50: {  	v0 =	vadd.s32 v1, v0  }
0x51: {  	[tilespmem:s4+$0x0] =	vst v0;
	s4 =	simm.s32 $0x0  }
0x52: {  	[tilespmem:s20], [sflag:$0x3] =	stream.indirect.gather [hbm4b:s11+s19], $0x80, s4, s19, $0xb8;
	[tilespmem:$0x1A000] =	vst v63  }
0x53: {  	s5 =	rddreg [dreg:$0x6]  }
0x54: {  	[tilespmem:s21], [sflag:$0x2] =	stream.linear.gather [hbm4b:s5+s4], $0x190, $0x38;
	[tilespmem:$0x1A000] =	vst v63  }
0x55: {  	s5 =	rddreg [dreg:$0x7]  }
0x56: {  	[tilespmem:s22], [sflag:$0x2] =	stream.linear.gather [hbm4b:s5+s4], $0x190, $0x38;
	[tilespmem:$0x1A000] =	vst v63  }
0x57: {  	s5 =	rddreg [dreg:$0x8]  }
0x58: {  	[tilespmem:s23], [sflag:$0x2] =	stream.linear.gather [hbm4b:s5+s4], $0x190, $0x38;
	[tilespmem:$0x1A000] =	vst v63  }
0x59: {  	s5 =	rddreg [dreg:$0x9]  }
0x5a: {  	[tilespmem:s24], [sflag:$0x2] =	stream.linear.gather [hbm4b:s5+s4], $0x190, $0x38;
	[tilespmem:$0x1A000] =	vst v63  }
0x5b: {  	_ =	swait.ge [sflag:s25], $0xC800  }
0x5c: {  	[sflag:s25] =	ssyncset.done $0x0  }
0x5d: {  	[sflag:s25] =	ssyncadd.s32 $0xFFFF3800  }
0x5e: {  	[tilespmem:s20], [sflag:$0x5] =	stream.indirect.gather.add.f32 [hbm:s12], $0x80, s16, s19, $0xb8;
	[tilespmem:$0x1A000] =	vst v63  }
0x5f: {  	_ = 	snop  }
0x60: {  	[tilespmem:s20], [sflag:$0x5] =	stream.indirect.gather.add.f32 [hbm:s13], $0x80, s17, s19, $0xb8;
	[tilespmem:$0x1A000] =	vst v63  }
0x61: {  	_ =	swait.ge [sflag:s26], $0x190  }
0x62: {  	[sflag:s26] =	ssyncset.done $0x0  }
0x63: {  	[sflag:s26] =	ssyncadd.s32 $0xFFFFFE70  }
0x64: {  	_ =	swait.ge [sflag:s26], $0x190  }
0x65: {  	[sflag:s26] =	ssyncset.done $0x0  }
0x66: {  	[sflag:s26] =	ssyncadd.s32 $0xFFFFFE70  }
0x67: {  	_ =	swait.ge [sflag:s26], $0x190  }
0x68: {  	[sflag:s26] =	ssyncset.done $0x0  }
0x69: {  	[sflag:s26] =	ssyncadd.s32 $0xFFFFFE70  }
0x6a: {  	_ =	swait.ge [sflag:s26], $0x190  }
0x6b: {  	[sflag:s26] =	ssyncset.done $0x0  }
0x6c: {  	s4 =	simm.s32 $0x0;
	s5 =	simm.s32 $0x40;
	[sflag:s26] =	ssyncadd.s32 $0xFFFFFE70  }
.LBB2_4:
0x6d: {  	p0 =	sne.s32 s5, $0x600;
	v0 =	vld [tilespmem:s4+$0x200];
	_ =	sdelay $0x1  }
0x6e: {  	v1 =	vld [tilespmem:s4+$0x600];
	_ =	sdelay $0x1  }
.Ltmp1:
0x6f: {  	(pc) =	sbr.rel @p0 .LBB2_4-.Ltmp1, $3  }
0x70: {  	v0 =	vmul.u32 $0x3, v0;
	_ =	sdelay $0x1  }
0x71: {  	v0 =	vadd.s32 v1, v0  }
0x72: {  	[tilespmem:s4+$0x200] =	vst v0;
	s4 =	sshra.s32 s5, $0x2;
	s5 =	sadd.s32 $0x40, s5  }
0x73: {  	v0 =	vld [tilespmem:s4+$0x200];
	_ =	sdelay $0x1  }
0x74: {  	v1 =	vld [tilespmem:s4+$0x600];
	_ =	sdelay $0x2  }
0x75: {  	v0 =	vmul.u32 $0x3, v0;
	_ =	sdelay $0x1  }
0x76: {  	v0 =	vadd.s32 v1, v0  }
0x77: {  	[tilespmem:s4+$0x200] =	vst v0  }
0x78: {  	[tilespmem:s28], [sflag:$0x4] =	stream.indirect.gather [hbm4b:s11+s19], $0x80, s21, s19, $0xb8;
	[tilespmem:$0x1A000] =	vst v63  }
0x79: {  	_ =	swait.ge [sflag:s29], $0xC800  }
0x7a: {  	[sflag:s29] =	ssyncset.done $0x0  }
0x7b: {  	[sflag:s29] =	ssyncadd.s32 $0xFFFF3800  }
0x7c: {  	_ =	swait.ge [sflag:s29], $0xC800  }
0x7d: {  	s5 =	sld [smem:$0x7FB]  }
0x7e: {  	[sflag:s29] =	ssyncset.done $0x0  }
0x7f: {  	s4 =	simm.s32 $0x0;
	[sflag:s29] =	ssyncadd.s32 $0xFFFF3800  }
0x80: {  	[hbm4b:s5+s4] =	stream.linear.scatter [tilespmem:s20], [sflag:$0x7], $0xC800, $0x38;
	[tilespmem:$0x1A000] =	vst v63  }
0x81: {  	s5 =	rddreg [dreg:$0xa]  }
0x82: {  	[tilespmem:s4], [sflag:$0x1] =	stream.linear.gather [hbm4b:s5+s4], $0x190, $0x38;
	[tilespmem:$0x1A000] =	vst v63  }
0x83: {  	s5 =	rddreg [dreg:$0xb]  }
0x84: {  	[tilespmem:s15], [sflag:$0x1] =	stream.linear.gather [hbm4b:s5+s4], $0x190, $0x38;
	[tilespmem:$0x1A000] =	vst v63  }
0x85: {  	s5 =	rddreg [dreg:$0xc]  }
0x86: {  	[tilespmem:s16], [sflag:$0x1] =	stream.linear.gather [hbm4b:s5+s4], $0x190, $0x38;
	[tilespmem:$0x1A000] =	vst v63  }
0x87: {  	s5 =	rddreg [dreg:$0xd]  }
0x88: {  	[tilespmem:s17], [sflag:$0x1] =	stream.linear.gather [hbm4b:s5+s4], $0x190, $0x38;
	[tilespmem:$0x1A000] =	vst v63  }
0x89: {  	_ =	swait.ge [sflag:s30], $0xC800  }
0x8a: {  	[sflag:s30] =	ssyncset.done $0x0  }
0x8b: {  	[sflag:s30] =	ssyncadd.s32 $0xFFFF3800  }
0x8c: {  	[tilespmem:s28], [sflag:$0x6] =	stream.indirect.gather.add.f32 [hbm:s12], $0x80, s23, s19, $0xb8;
	[tilespmem:$0x1A000] =	vst v63  }
0x8d: {  	_ = 	snop  }
0x8e: {  	[tilespmem:s28], [sflag:$0x6] =	stream.indirect.gather.add.f32 [hbm:s13], $0x80, s24, s19, $0xb8;
	[tilespmem:$0x1A000] =	vst v63  }
0x8f: {  	_ =	swait.ge [sflag:s18], $0x190  }
0x90: {  	[sflag:s18] =	ssyncset.done $0x0  }
0x91: {  	[sflag:s18] =	ssyncadd.s32 $0xFFFFFE70  }
0x92: {  	_ =	swait.ge [sflag:s18], $0x190  }
0x93: {  	[sflag:s18] =	ssyncset.done $0x0  }
0x94: {  	[sflag:s18] =	ssyncadd.s32 $0xFFFFFE70  }
0x95: {  	_ =	swait.ge [sflag:s18], $0x190  }
0x96: {  	[sflag:s18] =	ssyncset.done $0x0  }
0x97: {  	[sflag:s18] =	ssyncadd.s32 $0xFFFFFE70  }
0x98: {  	_ =	swait.ge [sflag:s18], $0x190  }
0x99: {  	[sflag:s18] =	ssyncset.done $0x0  }
0x9a: {  	s4 =	simm.s32 $0x0;
	s5 =	simm.s32 $0x40;
	[sflag:s18] =	ssyncadd.s32 $0xFFFFFE70  }
.LBB2_6:
0x9b: {  	p0 =	sne.s32 s5, $0x600;
	v0 =	vld [tilespmem:s4+$0x0];
	_ =	sdelay $0x1  }
0x9c: {  	v1 =	vld [tilespmem:s4+$0x400];
	_ =	sdelay $0x1  }
.Ltmp2:
0x9d: {  	(pc) =	sbr.rel @p0 .LBB2_6-.Ltmp2, $3  }
0x9e: {  	v0 =	vmul.u32 $0x3, v0;
	_ =	sdelay $0x1  }
0x9f: {  	v0 =	vadd.s32 v1, v0  }
0xa0: {  	[tilespmem:s4+$0x0] =	vst v0;
	s4 =	sshra.s32 s5, $0x2;
	s5 =	sadd.s32 $0x40, s5  }
0xa1: {  	v0 =	vld [tilespmem:s4+$0x0];
	_ =	sdelay $0x1  }
0xa2: {  	v1 =	vld [tilespmem:s4+$0x400];
	_ =	sdelay $0x2  }
0xa3: {  	v0 =	vmul.u32 $0x3, v0;
	_ =	sdelay $0x1  }
0xa4: {  	v0 =	vadd.s32 v1, v0  }
0xa5: {  	[tilespmem:s4+$0x0] =	vst v0  }
0xa6: {  	_ =	swait.ge [sflag:s31], $0xC800  }
0xa7: {  	[sflag:s31] =	ssyncset.done $0x0  }
0xa8: {  	s4 =	simm.s32 $0x0;
	[sflag:s31] =	ssyncadd.s32 $0xFFFF3800  }
0xa9: {  	[tilespmem:s20], [sflag:$0x3] =	stream.indirect.gather [hbm4b:s11+s19], $0x80, s4, s19, $0xb8;
	[tilespmem:$0x1A000] =	vst v63  }
0xaa: {  	_ =	swait.ge [sflag:s0], $0xC800  }
0xab: {  	[sflag:s0] =	ssyncset.done $0x0  }
0xac: {  	[sflag:s0] =	ssyncadd.s32 $0xFFFF3800  }
0xad: {  	_ =	swait.ge [sflag:s0], $0xC800  }
0xae: {  	s5 =	sld [smem:$0x7FC]  }
0xaf: {  	[sflag:s0] =	ssyncset.done $0x0  }
0xb0: {  	[sflag:s0] =	ssyncadd.s32 $0xFFFF3800  }
0xb1: {  	[hbm4b:s5+s4] =	stream.linear.scatter [tilespmem:s28], [sflag:$0x8], $0xC800, $0x38;
	[tilespmem:$0x1A000] =	vst v63  }
0xb2: {  	s5 =	rddreg [dreg:$0xe]  }
0xb3: {  	[tilespmem:s21], [sflag:$0x2] =	stream.linear.gather [hbm4b:s5+s4], $0x190, $0x38;
	[tilespmem:$0x1A000] =	vst v63  }
0xb4: {  	s5 =	rddreg [dreg:$0xf]  }
0xb5: {  	[tilespmem:s22], [sflag:$0x2] =	stream.linear.gather [hbm4b:s5+s4], $0x190, $0x38;
	[tilespmem:$0x1A000] =	vst v63  }
0xb6: {  	s5 =	rddreg [dreg:$0x10]  }
0xb7: {  	[tilespmem:s23], [sflag:$0x2] =	stream.linear.gather [hbm4b:s5+s4], $0x190, $0x38;
	[tilespmem:$0x1A000] =	vst v63  }
0xb8: {  	s5 =	rddreg [dreg:$0x11]  }
0xb9: {  	[tilespmem:s24], [sflag:$0x2] =	stream.linear.gather [hbm4b:s5+s4], $0x190, $0x38;
	[tilespmem:$0x1A000] =	vst v63  }
0xba: {  	_ =	swait.ge [sflag:s25], $0xC800  }
0xbb: {  	[sflag:s25] =	ssyncset.done $0x0  }
0xbc: {  	[sflag:s25] =	ssyncadd.s32 $0xFFFF3800  }
0xbd: {  	[tilespmem:s20], [sflag:$0x5] =	stream.indirect.gather.add.f32 [hbm:s12], $0x80, s16, s19, $0xb8;
	[tilespmem:$0x1A000] =	vst v63  }
0xbe: {  	_ = 	snop  }
0xbf: {  	[tilespmem:s20], [sflag:$0x5] =	stream.indirect.gather.add.f32 [hbm:s13], $0x80, s17, s19, $0xb8;
	[tilespmem:$0x1A000] =	vst v63  }
0xc0: {  	_ =	swait.ge [sflag:s26], $0x190  }
0xc1: {  	[sflag:s26] =	ssyncset.done $0x0  }
0xc2: {  	[sflag:s26] =	ssyncadd.s32 $0xFFFFFE70  }
0xc3: {  	_ =	swait.ge [sflag:s26], $0x190  }
0xc4: {  	[sflag:s26] =	ssyncset.done $0x0  }
0xc5: {  	[sflag:s26] =	ssyncadd.s32 $0xFFFFFE70  }
0xc6: {  	_ =	swait.ge [sflag:s26], $0x190  }
0xc7: {  	[sflag:s26] =	ssyncset.done $0x0  }
0xc8: {  	[sflag:s26] =	ssyncadd.s32 $0xFFFFFE70  }
0xc9: {  	_ =	swait.ge [sflag:s26], $0x190  }
0xca: {  	[sflag:s26] =	ssyncset.done $0x0  }
0xcb: {  	s4 =	simm.s32 $0x0;
	s5 =	simm.s32 $0x40;
	[sflag:s26] =	ssyncadd.s32 $0xFFFFFE70  }
.LBB2_8:
0xcc: {  	p0 =	sne.s32 s5, $0x600;
	v0 =	vld [tilespmem:s4+$0x200];
	_ =	sdelay $0x1  }
0xcd: {  	v1 =	vld [tilespmem:s4+$0x600];
	_ =	sdelay $0x1  }
.Ltmp3:
0xce: {  	(pc) =	sbr.rel @p0 .LBB2_8-.Ltmp3, $3  }
0xcf: {  	v0 =	vmul.u32 $0x3, v0;
	_ =	sdelay $0x1  }
0xd0: {  	v0 =	vadd.s32 v1, v0  }
0xd1: {  	[tilespmem:s4+$0x200] =	vst v0;
	s4 =	sshra.s32 s5, $0x2;
	s5 =	sadd.s32 $0x40, s5  }
0xd2: {  	v0 =	vld [tilespmem:s4+$0x200];
	_ =	sdelay $0x1  }
0xd3: {  	v1 =	vld [tilespmem:s4+$0x600];
	_ =	sdelay $0x2  }
0xd4: {  	v0 =	vmul.u32 $0x3, v0;
	_ =	sdelay $0x1  }
0xd5: {  	v0 =	vadd.s32 v1, v0  }
0xd6: {  	[tilespmem:s4+$0x200] =	vst v0  }
0xd7: {  	_ =	swait.ge [sflag:s1], $0xC800  }
0xd8: {  	[sflag:s1] =	ssyncset.done $0x0  }
0xd9: {  	[sflag:s1] =	ssyncadd.s32 $0xFFFF3800  }
0xda: {  	[tilespmem:s28], [sflag:$0x4] =	stream.indirect.gather [hbm4b:s11+s19], $0x80, s21, s19, $0xb8;
	[tilespmem:$0x1A000] =	vst v63  }
0xdb: {  	_ =	swait.ge [sflag:s29], $0xC800  }
0xdc: {  	[sflag:s29] =	ssyncset.done $0x0  }
0xdd: {  	[sflag:s29] =	ssyncadd.s32 $0xFFFF3800  }
0xde: {  	_ =	swait.ge [sflag:s29], $0xC800  }
0xdf: {  	s5 =	sld [smem:$0x7FD]  }
0xe0: {  	[sflag:s29] =	ssyncset.done $0x0  }
0xe1: {  	s4 =	simm.s32 $0x0;
	[sflag:s29] =	ssyncadd.s32 $0xFFFF3800  }
0xe2: {  	[hbm4b:s5+s4] =	stream.linear.scatter [tilespmem:s20], [sflag:$0x7], $0xC800, $0x38;
	[tilespmem:$0x1A000] =	vst v63  }
0xe3: {  	s5 =	rddreg [dreg:$0x12]  }
0xe4: {  	[tilespmem:s4], [sflag:$0x1] =	stream.linear.gather [hbm4b:s5+s4], $0x190, $0x38;
	[tilespmem:$0x1A000] =	vst v63  }
0xe5: {  	s5 =	rddreg [dreg:$0x13]  }
0xe6: {  	[tilespmem:s15], [sflag:$0x1] =	stream.linear.gather [hbm4b:s5+s4], $0x190, $0x38;
	[tilespmem:$0x1A000] =	vst v63  }
0xe7: {  	s5 =	rddreg [dreg:$0x14]  }
0xe8: {  	[tilespmem:s16], [sflag:$0x1] =	stream.linear.gather [hbm4b:s5+s4], $0x190, $0x38;
	[tilespmem:$0x1A000] =	vst v63  }
0xe9: {  	s5 =	rddreg [dreg:$0x15]  }
0xea: {  	[tilespmem:s17], [sflag:$0x1] =	stream.linear.gather [hbm4b:s5+s4], $0x190, $0x38;
	[tilespmem:$0x1A000] =	vst v63  }
0xeb: {  	_ =	swait.ge [sflag:s30], $0xC800  }
0xec: {  	[sflag:s30] =	ssyncset.done $0x0  }
0xed: {  	[sflag:s30] =	ssyncadd.s32 $0xFFFF3800  }
0xee: {  	[tilespmem:s28], [sflag:$0x6] =	stream.indirect.gather.add.f32 [hbm:s12], $0x80, s23, s19, $0xb8;
	[tilespmem:$0x1A000] =	vst v63  }
0xef: {  	_ = 	snop  }
0xf0: {  	[tilespmem:s28], [sflag:$0x6] =	stream.indirect.gather.add.f32 [hbm:s13], $0x80, s24, s19, $0xb8;
	[tilespmem:$0x1A000] =	vst v63  }
0xf1: {  	_ =	swait.ge [sflag:s18], $0x190  }
0xf2: {  	[sflag:s18] =	ssyncset.done $0x0  }
0xf3: {  	[sflag:s18] =	ssyncadd.s32 $0xFFFFFE70  }
0xf4: {  	_ =	swait.ge [sflag:s18], $0x190  }
0xf5: {  	[sflag:s18] =	ssyncset.done $0x0  }
0xf6: {  	[sflag:s18] =	ssyncadd.s32 $0xFFFFFE70  }
0xf7: {  	_ =	swait.ge [sflag:s18], $0x190  }
0xf8: {  	[sflag:s18] =	ssyncset.done $0x0  }
0xf9: {  	[sflag:s18] =	ssyncadd.s32 $0xFFFFFE70  }
0xfa: {  	_ =	swait.ge [sflag:s18], $0x190  }
0xfb: {  	[sflag:s18] =	ssyncset.done $0x0  }
0xfc: {  	s4 =	simm.s32 $0x0;
	s5 =	simm.s32 $0x40;
	[sflag:s18] =	ssyncadd.s32 $0xFFFFFE70  }
.LBB2_10:
0xfd: {  	p0 =	sne.s32 s5, $0x600;
	v0 =	vld [tilespmem:s4+$0x0];
	_ =	sdelay $0x1  }
0xfe: {  	v1 =	vld [tilespmem:s4+$0x400];
	_ =	sdelay $0x1  }
.Ltmp4:
0xff: {  	(pc) =	sbr.rel @p0 .LBB2_10-.Ltmp4, $3  }
0x100: {  	v0 =	vmul.u32 $0x3, v0;
	_ =	sdelay $0x1  }
0x101: {  	v0 =	vadd.s32 v1, v0  }
0x102: {  	[tilespmem:s4+$0x0] =	vst v0;
	s4 =	sshra.s32 s5, $0x2;
	s5 =	sadd.s32 $0x40, s5  }
0x103: {  	v0 =	vld [tilespmem:s4+$0x0];
	_ =	sdelay $0x1  }
0x104: {  	v1 =	vld [tilespmem:s4+$0x400];
	_ =	sdelay $0x2  }
0x105: {  	v0 =	vmul.u32 $0x3, v0;
	_ =	sdelay $0x1  }
0x106: {  	v0 =	vadd.s32 v1, v0  }
0x107: {  	[tilespmem:s4+$0x0] =	vst v0  }
0x108: {  	_ =	swait.ge [sflag:s31], $0xC800  }
0x109: {  	[sflag:s31] =	ssyncset.done $0x0  }
0x10a: {  	s4 =	simm.s32 $0x0;
	[sflag:s31] =	ssyncadd.s32 $0xFFFF3800  }
0x10b: {  	[tilespmem:s20], [sflag:$0x3] =	stream.indirect.gather [hbm4b:s11+s19], $0x80, s4, s19, $0xb8;
	[tilespmem:$0x1A000] =	vst v63  }
0x10c: {  	_ =	swait.ge [sflag:s0], $0xC800  }
0x10d: {  	[sflag:s0] =	ssyncset.done $0x0  }
0x10e: {  	[sflag:s0] =	ssyncadd.s32 $0xFFFF3800  }
0x10f: {  	_ =	swait.ge [sflag:s0], $0xC800  }
0x110: {  	[sflag:s0] =	ssyncset.done $0x0  }
0x111: {  	[sflag:s0] =	ssyncadd.s32 $0xFFFF3800  }
0x112: {  	[hbm4b:s6+s4] =	stream.linear.scatter [tilespmem:s28], [sflag:$0x8], $0xC800, $0x38;
	[tilespmem:$0x1A000] =	vst v63  }
0x113: {  	s5 =	rddreg [dreg:$0x16]  }
0x114: {  	[tilespmem:s21], [sflag:$0x2] =	stream.linear.gather [hbm4b:s5+s4], $0x190, $0x38;
	[tilespmem:$0x1A000] =	vst v63  }
0x115: {  	s5 =	rddreg [dreg:$0x17]  }
0x116: {  	[tilespmem:s22], [sflag:$0x2] =	stream.linear.gather [hbm4b:s5+s4], $0x190, $0x38;
	[tilespmem:$0x1A000] =	vst v63  }
0x117: {  	s5 =	rddreg [dreg:$0x18]  }
0x118: {  	[tilespmem:s23], [sflag:$0x2] =	stream.linear.gather [hbm4b:s5+s4], $0x190, $0x38;
	[tilespmem:$0x1A000] =	vst v63  }
0x119: {  	s5 =	rddreg [dreg:$0x19]  }
0x11a: {  	[tilespmem:s24], [sflag:$0x2] =	stream.linear.gather [hbm4b:s5+s4], $0x190, $0x38;
	[tilespmem:$0x1A000] =	vst v63  }
0x11b: {  	_ =	swait.ge [sflag:s25], $0xC800  }
0x11c: {  	[sflag:s25] =	ssyncset.done $0x0  }
0x11d: {  	[sflag:s25] =	ssyncadd.s32 $0xFFFF3800  }
0x11e: {  	[tilespmem:s20], [sflag:$0x5] =	stream.indirect.gather.add.f32 [hbm:s12], $0x80, s16, s19, $0xb8;
	[tilespmem:$0x1A000] =	vst v63  }
0x11f: {  	_ = 	snop  }
0x120: {  	[tilespmem:s20], [sflag:$0x5] =	stream.indirect.gather.add.f32 [hbm:s13], $0x80, s17, s19, $0xb8;
	[tilespmem:$0x1A000] =	vst v63  }
0x121: {  	_ =	swait.ge [sflag:s26], $0x190  }
0x122: {  	[sflag:s26] =	ssyncset.done $0x0  }
0x123: {  	[sflag:s26] =	ssyncadd.s32 $0xFFFFFE70  }
0x124: {  	_ =	swait.ge [sflag:s26], $0x190  }
0x125: {  	[sflag:s26] =	ssyncset.done $0x0  }
0x126: {  	[sflag:s26] =	ssyncadd.s32 $0xFFFFFE70  }
0x127: {  	_ =	swait.ge [sflag:s26], $0x190  }
0x128: {  	[sflag:s26] =	ssyncset.done $0x0  }
0x129: {  	[sflag:s26] =	ssyncadd.s32 $0xFFFFFE70  }
0x12a: {  	_ =	swait.ge [sflag:s26], $0x190  }
0x12b: {  	[sflag:s26] =	ssyncset.done $0x0  }
0x12c: {  	s4 =	simm.s32 $0x0;
	s5 =	simm.s32 $0x40;
	[sflag:s26] =	ssyncadd.s32 $0xFFFFFE70  }
.LBB2_12:
0x12d: {  	p0 =	sne.s32 s5, $0x600;
	v0 =	vld [tilespmem:s4+$0x200];
	_ =	sdelay $0x1  }
0x12e: {  	v1 =	vld [tilespmem:s4+$0x600];
	_ =	sdelay $0x1  }
.Ltmp5:
0x12f: {  	(pc) =	sbr.rel @p0 .LBB2_12-.Ltmp5, $3  }
0x130: {  	v0 =	vmul.u32 $0x3, v0;
	_ =	sdelay $0x1  }
0x131: {  	v0 =	vadd.s32 v1, v0  }
0x132: {  	[tilespmem:s4+$0x200] =	vst v0;
	s4 =	sshra.s32 s5, $0x2;
	s5 =	sadd.s32 $0x40, s5  }
0x133: {  	v0 =	vld [tilespmem:s4+$0x200];
	_ =	sdelay $0x1  }
0x134: {  	v1 =	vld [tilespmem:s4+$0x600];
	_ =	sdelay $0x2  }
0x135: {  	v0 =	vmul.u32 $0x3, v0;
	_ =	sdelay $0x1  }
0x136: {  	v0 =	vadd.s32 v1, v0  }
0x137: {  	[tilespmem:s4+$0x200] =	vst v0  }
0x138: {  	_ =	swait.ge [sflag:s1], $0xC800  }
0x139: {  	[sflag:s1] =	ssyncset.done $0x0  }
0x13a: {  	[sflag:s1] =	ssyncadd.s32 $0xFFFF3800  }
0x13b: {  	[tilespmem:s28], [sflag:$0x4] =	stream.indirect.gather [hbm4b:s11+s19], $0x80, s21, s19, $0xb8;
	[tilespmem:$0x1A000] =	vst v63  }
0x13c: {  	_ =	swait.ge [sflag:s29], $0xC800  }
0x13d: {  	[sflag:s29] =	ssyncset.done $0x0  }
0x13e: {  	[sflag:s29] =	ssyncadd.s32 $0xFFFF3800  }
0x13f: {  	_ =	swait.ge [sflag:s29], $0xC800  }
0x140: {  	[sflag:s29] =	ssyncset.done $0x0  }
0x141: {  	s4 =	simm.s32 $0x0;
	[sflag:s29] =	ssyncadd.s32 $0xFFFF3800  }
0x142: {  	[hbm4b:s7+s4] =	stream.linear.scatter [tilespmem:s20], [sflag:$0x7], $0xC800, $0x38;
	[tilespmem:$0x1A000] =	vst v63  }
0x143: {  	s5 =	rddreg [dreg:$0x1a]  }
0x144: {  	[tilespmem:s4], [sflag:$0x1] =	stream.linear.gather [hbm4b:s5+s4], $0x190, $0x38;
	[tilespmem:$0x1A000] =	vst v63  }
0x145: {  	s5 =	rddreg [dreg:$0x1b]  }
0x146: {  	[tilespmem:s15], [sflag:$0x1] =	stream.linear.gather [hbm4b:s5+s4], $0x190, $0x38;
	[tilespmem:$0x1A000] =	vst v63  }
0x147: {  	s5 =	rddreg [dreg:$0x1c]  }
0x148: {  	[tilespmem:s16], [sflag:$0x1] =	stream.linear.gather [hbm4b:s5+s4], $0x190, $0x38;
	[tilespmem:$0x1A000] =	vst v63  }
0x149: {  	s5 =	rddreg [dreg:$0x1d]  }
0x14a: {  	[tilespmem:s17], [sflag:$0x1] =	stream.linear.gather [hbm4b:s5+s4], $0x190, $0x38;
	[tilespmem:$0x1A000] =	vst v63  }
0x14b: {  	_ =	swait.ge [sflag:s30], $0xC800  }
0x14c: {  	[sflag:s30] =	ssyncset.done $0x0  }
0x14d: {  	[sflag:s30] =	ssyncadd.s32 $0xFFFF3800  }
0x14e: {  	[tilespmem:s28], [sflag:$0x6] =	stream.indirect.gather.add.f32 [hbm:s12], $0x80, s23, s19, $0xb8;
	[tilespmem:$0x1A000] =	vst v63  }
0x14f: {  	_ = 	snop  }
0x150: {  	[tilespmem:s28], [sflag:$0x6] =	stream.indirect.gather.add.f32 [hbm:s13], $0x80, s24, s19, $0xb8;
	[tilespmem:$0x1A000] =	vst v63  }
0x151: {  	_ =	swait.ge [sflag:s18], $0x190  }
0x152: {  	[sflag:s18] =	ssyncset.done $0x0  }
0x153: {  	[sflag:s18] =	ssyncadd.s32 $0xFFFFFE70  }
0x154: {  	_ =	swait.ge [sflag:s18], $0x190  }
0x155: {  	[sflag:s18] =	ssyncset.done $0x0  }
0x156: {  	[sflag:s18] =	ssyncadd.s32 $0xFFFFFE70  }
0x157: {  	_ =	swait.ge [sflag:s18], $0x190  }
0x158: {  	[sflag:s18] =	ssyncset.done $0x0  }
0x159: {  	[sflag:s18] =	ssyncadd.s32 $0xFFFFFE70  }
0x15a: {  	_ =	swait.ge [sflag:s18], $0x190  }
0x15b: {  	[sflag:s18] =	ssyncset.done $0x0  }
0x15c: {  	s4 =	simm.s32 $0x0;
	s5 =	simm.s32 $0x40;
	[sflag:s18] =	ssyncadd.s32 $0xFFFFFE70  }
.LBB2_14:
0x15d: {  	p0 =	sne.s32 s5, $0x600;
	v0 =	vld [tilespmem:s4+$0x0];
	_ =	sdelay $0x1  }
0x15e: {  	v1 =	vld [tilespmem:s4+$0x400];
	_ =	sdelay $0x1  }
.Ltmp6:
0x15f: {  	(pc) =	sbr.rel @p0 .LBB2_14-.Ltmp6, $3  }
0x160: {  	v0 =	vmul.u32 $0x3, v0;
	_ =	sdelay $0x1  }
0x161: {  	v0 =	vadd.s32 v1, v0  }
0x162: {  	[tilespmem:s4+$0x0] =	vst v0;
	s4 =	sshra.s32 s5, $0x2;
	s5 =	sadd.s32 $0x40, s5  }
0x163: {  	v0 =	vld [tilespmem:s4+$0x0];
	_ =	sdelay $0x1  }
0x164: {  	v1 =	vld [tilespmem:s4+$0x400];
	_ =	sdelay $0x2  }
0x165: {  	v0 =	vmul.u32 $0x3, v0;
	_ =	sdelay $0x1  }
0x166: {  	v0 =	vadd.s32 v1, v0  }
0x167: {  	[tilespmem:s4+$0x0] =	vst v0  }
0x168: {  	_ =	swait.ge [sflag:s31], $0xC800  }
0x169: {  	[sflag:s31] =	ssyncset.done $0x0  }
0x16a: {  	s4 =	simm.s32 $0x0;
	[sflag:s31] =	ssyncadd.s32 $0xFFFF3800  }
0x16b: {  	[tilespmem:s20], [sflag:$0x3] =	stream.indirect.gather [hbm4b:s11+s19], $0x80, s4, s19, $0xb8;
	[tilespmem:$0x1A000] =	vst v63  }
0x16c: {  	_ =	swait.ge [sflag:s0], $0xC800  }
0x16d: {  	[sflag:s0] =	ssyncset.done $0x0  }
0x16e: {  	[sflag:s0] =	ssyncadd.s32 $0xFFFF3800  }
0x16f: {  	_ =	swait.ge [sflag:s0], $0xC800  }
0x170: {  	[sflag:s0] =	ssyncset.done $0x0  }
0x171: {  	[sflag:s0] =	ssyncadd.s32 $0xFFFF3800  }
0x172: {  	[hbm4b:s8+s4] =	stream.linear.scatter [tilespmem:s28], [sflag:$0x8], $0xC800, $0x38;
	[tilespmem:$0x1A000] =	vst v63  }
0x173: {  	s5 =	rddreg [dreg:$0x1e]  }
0x174: {  	[tilespmem:s21], [sflag:$0x2] =	stream.linear.gather [hbm4b:s5+s4], $0x190, $0x38;
	[tilespmem:$0x1A000] =	vst v63  }
0x175: {  	s5 =	rddreg [dreg:$0x1f]  }
0x176: {  	[tilespmem:s22], [sflag:$0x2] =	stream.linear.gather [hbm4b:s5+s4], $0x190, $0x38;
	[tilespmem:$0x1A000] =	vst v63  }
0x177: {  	s5 =	sld [smem:$0x7F9];
	_ =	sdelay $0x2  }
0x178: {  	[tilespmem:s23], [sflag:$0x2] =	stream.linear.gather [hbm4b:s5+s4], $0x190, $0x38;
	[tilespmem:$0x1A000] =	vst v63  }
0x179: {  	s5 =	sld [smem:$0x7FA];
	_ =	sdelay $0x2  }
0x17a: {  	[tilespmem:s24], [sflag:$0x2] =	stream.linear.gather [hbm4b:s5+s4], $0x190, $0x38;
	[tilespmem:$0x1A000] =	vst v63  }
0x17b: {  	_ =	swait.ge [sflag:s25], $0xC800  }
0x17c: {  	[sflag:s25] =	ssyncset.done $0x0  }
0x17d: {  	[sflag:s25] =	ssyncadd.s32 $0xFFFF3800  }
0x17e: {  	[tilespmem:s20], [sflag:$0x5] =	stream.indirect.gather.add.f32 [hbm:s12], $0x80, s16, s19, $0xb8;
	[tilespmem:$0x1A000] =	vst v63  }
0x17f: {  	_ = 	snop  }
0x180: {  	[tilespmem:s20], [sflag:$0x5] =	stream.indirect.gather.add.f32 [hbm:s13], $0x80, s17, s19, $0xb8;
	[tilespmem:$0x1A000] =	vst v63  }
0x181: {  	_ =	swait.ge [sflag:s26], $0x190  }
0x182: {  	[sflag:s26] =	ssyncset.done $0x0  }
0x183: {  	[sflag:s26] =	ssyncadd.s32 $0xFFFFFE70  }
0x184: {  	_ =	swait.ge [sflag:s26], $0x190  }
0x185: {  	[sflag:s26] =	ssyncset.done $0x0  }
0x186: {  	[sflag:s26] =	ssyncadd.s32 $0xFFFFFE70  }
0x187: {  	_ =	swait.ge [sflag:s26], $0x190  }
0x188: {  	[sflag:s26] =	ssyncset.done $0x0  }
0x189: {  	[sflag:s26] =	ssyncadd.s32 $0xFFFFFE70  }
0x18a: {  	_ =	swait.ge [sflag:s26], $0x190  }
0x18b: {  	[sflag:s26] =	ssyncset.done $0x0  }
0x18c: {  	s4 =	simm.s32 $0x0;
	s5 =	simm.s32 $0x40;
	[sflag:s26] =	ssyncadd.s32 $0xFFFFFE70  }
.LBB2_16:
0x18d: {  	p0 =	sne.s32 s5, $0x600;
	v0 =	vld [tilespmem:s4+$0x200];
	_ =	sdelay $0x1  }
0x18e: {  	v1 =	vld [tilespmem:s4+$0x600];
	_ =	sdelay $0x1  }
.Ltmp7:
0x18f: {  	(pc) =	sbr.rel @p0 .LBB2_16-.Ltmp7, $3  }
0x190: {  	v0 =	vmul.u32 $0x3, v0;
	_ =	sdelay $0x1  }
0x191: {  	v0 =	vadd.s32 v1, v0  }
0x192: {  	[tilespmem:s4+$0x200] =	vst v0;
	s4 =	sshra.s32 s5, $0x2;
	s5 =	sadd.s32 $0x40, s5  }
0x193: {  	v0 =	vld [tilespmem:s4+$0x200];
	_ =	sdelay $0x1  }
0x194: {  	v1 =	vld [tilespmem:s4+$0x600];
	_ =	sdelay $0x2  }
0x195: {  	v0 =	vmul.u32 $0x3, v0;
	_ =	sdelay $0x1  }
0x196: {  	v0 =	vadd.s32 v1, v0  }
0x197: {  	[tilespmem:s4+$0x200] =	vst v0  }
0x198: {  	_ =	swait.ge [sflag:s1], $0xC800  }
0x199: {  	[sflag:s1] =	ssyncset.done $0x0  }
0x19a: {  	[sflag:s1] =	ssyncadd.s32 $0xFFFF3800  }
0x19b: {  	[tilespmem:s28], [sflag:$0x4] =	stream.indirect.gather [hbm4b:s11+s19], $0x80, s21, s19, $0xb8;
	[tilespmem:$0x1A000] =	vst v63  }
0x19c: {  	_ =	swait.ge [sflag:s29], $0xC800  }
0x19d: {  	[sflag:s29] =	ssyncset.done $0x0  }
0x19e: {  	[sflag:s29] =	ssyncadd.s32 $0xFFFF3800  }
0x19f: {  	_ =	swait.ge [sflag:s29], $0xC800  }
0x1a0: {  	[sflag:s29] =	ssyncset.done $0x0  }
0x1a1: {  	[sflag:s29] =	ssyncadd.s32 $0xFFFF3800  }
0x1a2: {  	[hbm4b:s9+s2] =	stream.linear.scatter [tilespmem:s20], [sflag:$0x7], $0xC800, $0x38;
	[tilespmem:$0x1A000] =	vst v63  }
0x1a3: {  	_ =	swait.ge [sflag:s30], $0xC800  }
0x1a4: {  	[sflag:s30] =	ssyncset.done $0x0  }
0x1a5: {  	[sflag:s30] =	ssyncadd.s32 $0xFFFF3800  }
0x1a6: {  	[tilespmem:s28], [sflag:$0x6] =	stream.indirect.gather.add.f32 [hbm:s12], $0x80, s23, s19, $0xb8;
	[tilespmem:$0x1A000] =	vst v63  }
0x1a7: {  	_ = 	snop  }
0x1a8: {  	[tilespmem:s28], [sflag:$0x6] =	stream.indirect.gather.add.f32 [hbm:s13], $0x80, s24, s19, $0xb8;
	[tilespmem:$0x1A000] =	vst v63  }
0x1a9: {  	_ =	swait.ge [sflag:s0], $0xC800  }
0x1aa: {  	[sflag:s0] =	ssyncset.done $0x0  }
0x1ab: {  	[sflag:s0] =	ssyncadd.s32 $0xFFFF3800  }
0x1ac: {  	_ =	swait.ge [sflag:s0], $0xC800  }
0x1ad: {  	[sflag:s0] =	ssyncset.done $0x0  }
0x1ae: {  	s3 =	sadd.s32 $0x1, s3;
	[sflag:s0] =	ssyncadd.s32 $0xFFFF3800  }
0x1af: {  	[hbm4b:s10+s2] =	stream.linear.scatter [tilespmem:s28], [sflag:$0x8], $0xC800, $0x38;
	[tilespmem:$0x1A000] =	vst v63  }
0x1b0: {  	p0 =	sne.s32 s3, s14;
	_ =	swait.ge [sflag:s31], $0xC800  }
.Ltmp8:
0x1b1: {  	[sflag:s31] =	ssyncset.done $0x0;
	(pc) =	sbr.rel @p0 .LBB2_1-.Ltmp8, $4  }
0x1b2: {  	[sflag:s31] =	ssyncadd.s32 $0xFFFF3800  }
0x1b3: {  	_ =	swait.ge [sflag:s1], $0xC800  }
0x1b4: {  	[sflag:s1] =	ssyncset.done $0x0  }
0x1b5: {  	[sflag:s1] =	ssyncadd.s32 $0xFFFF3800  }
0x1b6: {  	_ =	sfence.sel $0x180000  }
0x1b7: {  	[bflag:$0x0] =	sbarrier.arrive $0xFFFF  }
0x1b8: {  	_ =	strace $0x90000047  }
0x1b9: {  	s0 =	stileid.u32;
	[bflag:$0x2] =	sbarrier.arrive $0xFFFF  }
0x1ba: {  	p0 =	sne.s32 s0, $0x0;
	s0 =	rddreg [dreg:$0x1]  }
0x1bb: {  	s0 =	sadd.s32 @!p0 $0x100000, s0  }
0x1bc: {  	[sflag:s0] =	ssyncadd.tile.s32 @!p0 $0x1;
	_ =	shalt  }
.Lfunc_end2:
_tile_overlayer_lowered:
.L_overlay_start_2:
0x1bd: {  	(tag) =	ssettag $0x2  }
0x1be: {  	s0 =	rddreg [dreg:$0x0];
	s2 =	stileid.u32  }
0x1bf: {  	s1 =	rddreg [dreg:$0x1];
	p0 =	sne.s32 s2, $0x0  }
0x1c0: {  	s3 =	rddreg [dreg:$0x2];
	[bflag:$0x3] =	sbarrier.arrive $0xFFFF;
	s2 =	simm.s32 @!p0 $0x1C09  }
0x1c1: {  	[timem:s3], [sflag:s2] =	dma.local @!p0 [hbm:s0], s1  }
0x1c2: {  	s0 =	simm.s32 @!p0 $0x9  }
0x1c3: {  	_ =	swait.ge @!p0 [sflag:s0], s1  }
0x1c4: {  	s1 =	ssub.s32 @!p0 $0x0, s1;
	[sflag:s0] =	ssyncset.done @!p0 $0x0  }
0x1c5: {  	[sflag:s0] =	ssyncadd.s32 @!p0 s1  }
0x1c6: {  	[bflag:$0x3] =	sbarrier.arrive $0xFFFF  }
0x1c7: {  	_ =	shalt  }

</sc_bundles>
